<compile_context>
chip_gen: v7x
topology: tpu7x:2x2x1
jax: 0.10.2.dev20260603
libtpu: 0.0.44.dev20260713+nightly
codegen_flags: <defaults>
</compile_context>

<pallas_src>
import numpy as np
import jax
import jax.numpy as jnp
from jax import lax
from jax.experimental import pallas as pl
from jax.experimental.pallas import tpu as pltpu
from jax.experimental.pallas import tpu_sc as plsc

N = 10000
E = 320000
F = 128
H = 32
C = 64
PROP_RANGE = 3
ALPHA = 1.0
BETA = 0.5

NC = 2
NS = 16
NW = NC * NS

CHUNK = 128
CPT = 80
E_PAD = NW * CPT * CHUNK
NPAD = 10112
ZROWS = NPAD // NS
NPAD2 = NPAD // 2


NBUF = 2
GROUPS = CPT // NBUF


def _sc_scatter_body(p_hbm, rows_hbm, cols_hbm, zeros_hbm, out_hbm,
                     ridx, cidx, gb, acc, ptab, gsem, ssem):
    c = lax.axis_index("c")
    s = lax.axis_index("s")
    w = c * NS + s

    with jax.named_scope("sc_init"):
        pltpu.sync_copy(p_hbm.at[pl.ds(s * ZROWS, ZROWS)],
                        ptab.at[pl.ds(s * ZROWS, ZROWS)])

        @pl.when(c == 0)
        def _():
            pltpu.sync_copy(p_hbm.at[pl.ds(s * ZROWS, ZROWS)],
                            acc.at[pl.ds(s * ZROWS, ZROWS)])

        @pl.when(c != 0)
        def _():
            pltpu.sync_copy(zeros_hbm.at[pl.ds(s * ZROWS, ZROWS)],
                            acc.at[pl.ds(s * ZROWS, ZROWS)])

        base = w * CPT
        pltpu.sync_copy(rows_hbm.at[pl.ds(base, CPT)], ridx)
        pltpu.sync_copy(cols_hbm.at[pl.ds(base, CPT)], cidx)
        plsc.subcore_barrier()

    with jax.named_scope("sc_edges"):
        pltpu.async_copy(ptab.at[cidx.at[0]], gb.at[0], gsem.at[0])
        pltpu.async_copy(ptab.at[cidx.at[1]], gb.at[1], gsem.at[1])

        def pair(i, carry):
            j = 2 * i
            pltpu.make_async_copy(
                ptab.at[cidx.at[j]], gb.at[0], gsem.at[0]).wait()
            pltpu.sync_copy(gb.at[0], acc.at[ridx.at[j]], add=True)
            pltpu.async_copy(ptab.at[cidx.at[j + 2]], gb.at[0], gsem.at[0])
            pltpu.make_async_copy(
                ptab.at[cidx.at[j + 1]], gb.at[1], gsem.at[1]).wait()
            pltpu.sync_copy(gb.at[1], acc.at[ridx.at[j + 1]], add=True)
            pltpu.async_copy(ptab.at[cidx.at[j + 3]], gb.at[1], gsem.at[1])
            return carry

        lax.fori_loop(0, CPT // 2 - 1, pair, 0)

        j = CPT - 2
        pltpu.make_async_copy(ptab.at[cidx.at[j]], gb.at[0], gsem.at[0]).wait()
        pltpu.sync_copy(gb.at[0], acc.at[ridx.at[j]], add=True)
        pltpu.make_async_copy(
            ptab.at[cidx.at[j + 1]], gb.at[1], gsem.at[1]).wait()
        pltpu.sync_copy(gb.at[1], acc.at[ridx.at[j + 1]], add=True)

        plsc.subcore_barrier()

    with jax.named_scope("sc_out"):
        pltpu.sync_copy(acc.at[pl.ds(s * ZROWS, ZROWS)],
                        out_hbm.at[c, pl.ds(s * ZROWS, ZROWS)])


_sc_scatter = pl.kernel(
    _sc_scatter_body,
    out_type=jax.ShapeDtypeStruct((NC, NPAD, C), jnp.bfloat16),
    mesh=plsc.VectorSubcoreMesh(core_axis_name="c", subcore_axis_name="s",
                                num_cores=NC, num_subcores=NS),
    scratch_types=[
        pltpu.VMEM((CPT, CHUNK), jnp.int32),
        pltpu.VMEM((CPT, CHUNK), jnp.int32),
        pltpu.VMEM((NBUF, CHUNK, C), jnp.bfloat16),
        pltpu.VMEM_SHARED((NPAD, C), jnp.bfloat16),
        pltpu.VMEM_SHARED((NPAD, C), jnp.bfloat16),
        pltpu.SemaphoreType.DMA((NBUF,)),
        pltpu.SemaphoreType.DMA((NBUF,)),
    ],
    compiler_params=pltpu.CompilerParams(use_tc_tiling_on_sc=False),
)


ROWS_BLK = 2000


def _mlp_body(x_ref, w1_ref, b1_ref, w2_ref, b2_ref, out_ref):
    h = jnp.dot(x_ref[...], w1_ref[...], preferred_element_type=jnp.float32)
    h = jnp.maximum(h + b1_ref[...], 0.0)
    lg = jnp.dot(h, w2_ref[...], preferred_element_type=jnp.float32)
    lg = lg + b2_ref[...]
    e = jnp.exp(lg - jnp.max(lg, axis=-1, keepdims=True))
    out_ref[...] = (e / jnp.sum(e, axis=-1, keepdims=True)).astype(jnp.bfloat16)


def _mlp(x, W1, b1, W2, b2):
    return pl.pallas_call(
        _mlp_body,
        grid=(N // ROWS_BLK,),
        in_specs=[
            pl.BlockSpec((ROWS_BLK, F), lambda i: (i, 0)),
            pl.BlockSpec((F, H), lambda i: (0, 0)),
            pl.BlockSpec((1, H), lambda i: (0, 0)),
            pl.BlockSpec((H, C), lambda i: (0, 0)),
            pl.BlockSpec((1, C), lambda i: (0, 0)),
        ],
        out_specs=pl.BlockSpec((ROWS_BLK, C), lambda i: (i, 0)),
        out_shape=jax.ShapeDtypeStruct((NPAD, C), jnp.bfloat16),
    )(x, W1, b1.reshape(1, H), W2, b2.reshape(1, C))


HOP_BLK = NPAD2 // 4


def _softmax64(t):
    e = jnp.exp(t - jnp.max(t, axis=-1, keepdims=True))
    return e / jnp.sum(e, axis=-1, keepdims=True)


def _hop_body(parts_ref, y_ref, pnew_ref, ynew_ref):
    t = (parts_ref[0].astype(jnp.float32) + parts_ref[1].astype(jnp.float32))
    t = jax.nn.sigmoid(ALPHA * t + BETA)
    pnew_ref[...] = t.astype(jnp.bfloat16)
    sm = jnp.concatenate([_softmax64(t[:, :C]), _softmax64(t[:, C:])], axis=-1)
    ynew_ref[...] = y_ref[...] + sm


def _hop(parts128, y128):
    return pl.pallas_call(
        _hop_body,
        grid=(NPAD2 // HOP_BLK,),
        in_specs=[
            pl.BlockSpec((NC, HOP_BLK, 2 * C), lambda i: (0, i, 0)),
            pl.BlockSpec((HOP_BLK, 2 * C), lambda i: (i, 0)),
        ],
        out_specs=[
            pl.BlockSpec((HOP_BLK, 2 * C), lambda i: (i, 0)),
            pl.BlockSpec((HOP_BLK, 2 * C), lambda i: (i, 0)),
        ],
        out_shape=[
            jax.ShapeDtypeStruct((NPAD2, 2 * C), jnp.bfloat16),
            jax.ShapeDtypeStruct((NPAD2, 2 * C), jnp.float32),
        ],
    )(parts128, y128)


def kernel(x, edge_index, W1, b1, W2, b2):
    rows = edge_index[0]
    cols = edge_index[1]
    pad = E_PAD - E
    trash = jnp.asarray(N + (np.arange(pad) % (NPAD - N)).astype(np.int32))
    rows_p = jnp.concatenate([rows, trash])
    cols_p = jnp.concatenate([cols, jnp.zeros((pad,), jnp.int32)])
    rows2d = rows_p.reshape(NW * CPT, CHUNK)
    cols2d = cols_p.reshape(NW * CPT, CHUNK)
    zeros_pad = jnp.zeros((NPAD, C), jnp.bfloat16)

    p = _mlp(x, W1, b1, W2, b2)
    y128 = jnp.zeros((NPAD2, 2 * C), jnp.float32)
    for _ in range(PROP_RANGE):
        parts = _sc_scatter(p, rows2d, cols2d, zeros_pad)
        p128, y128 = _hop(parts.reshape(NC, NPAD2, 2 * C), y128)
        p = p128.reshape(NPAD, C)
    return y128.reshape(NPAD, C)[:N]

# --- scband reference (transcript-rebuilt; emitter-appended) ---
"""Pipeline reference for scband-gppm-79594333929561 (READ-ONLY COPY).

The authoritative reference and input builder live on the scoring server;
editing this copy changes nothing except your own understanding.
"""

import jax, jax.numpy as jnp
import numpy as np

N = 10000
E = 320000
F = 128
H = 32
C = 64
PROP_RANGE = 3
ALPHA = 1.0
BETA = 0.5


def setup_inputs(seed: int = 0) -> dict:
    key = jax.random.key(seed)
    k1, k2, k3, k4, k5, k6 = jax.random.split(key, 6)
    x = jax.random.normal(k1, (N, F), dtype=jnp.float32)
    edge_index = jax.random.randint(k2, (2, E), 0, N, dtype=jnp.int32)
    W1 = jax.random.normal(k3, (F, H), dtype=jnp.float32) * (1.0 / np.sqrt(F))
    b1 = jnp.zeros((H,), dtype=jnp.float32)
    W2 = jax.random.normal(k4, (H, C), dtype=jnp.float32) * (1.0 / np.sqrt(H))
    b2 = jnp.zeros((C,), dtype=jnp.float32)
    return {"x": x, "edge_index": edge_index, "W1": W1, "b1": b1, "W2": W2, "b2": b2}


def reference(x, edge_index, W1, b1, W2, b2):
    # propMatrix = sparse_coo(edge_index, ones) + identity(N)
    rows = edge_index[0]
    cols = edge_index[1]

    def spmm(P):
        # (A + I) @ P ; duplicate edges sum (coalesce semantics)
        return jax.ops.segment_sum(jnp.take(P, cols, axis=0), rows, num_segments=N) + P

    # predSeq: Linear(F,32) -> ReLU -> Linear(32,C), then softmax
    h = jax.nn.relu(x @ W1 + b1)
    logits = h @ W2 + b2
    pLabel = jax.nn.softmax(logits, axis=1)

    # soft_logic_mm(A, P, alpha, beta) := sigmoid(alpha * (A @ P) + beta)
    # residual mode: collect softmax of each hop, GPPM sums them
    pLabelRe = pLabel
    outs = []
    for _ in range(PROP_RANGE):
        pLabelRe = jax.nn.sigmoid(ALPHA * spmm(pLabelRe) + BETA)
        outs.append(jax.nn.softmax(pLabelRe, axis=1))
    y = outs[0]
    for o in outs[1:]:
        y = y + o
    return y

if __name__ == "__main__":
    import jax
    _d = setup_inputs()
    print(jax.jit(kernel)(*tuple(_d.values())))

</pallas_src>

<mosaic_0001>
#map = affine_map<(d0, d1) -> (0, 0)>
#map1 = affine_map<(d0, d1) -> (0, 0, 0)>
module attributes {stable_mosaic.version = 14 : i64} {
  func.func @_sc_scatter_body(%arg0: i32, %arg1: i32, %arg2: memref<10112x64xbf16, #tpu.memory_space<hbm>>, %arg3: memref<2560x128xi32, #tpu.memory_space<hbm>>, %arg4: memref<2560x128xi32, #tpu.memory_space<hbm>>, %arg5: memref<10112x64xbf16, #tpu.memory_space<hbm>>, %arg6: memref<2x10112x64xbf16, #tpu.memory_space<hbm>>, %arg7: memref<80x128xi32, #tpu.memory_space<vmem>>, %arg8: memref<80x128xi32, #tpu.memory_space<vmem>>, %arg9: memref<2x128x64xbf16, #tpu.memory_space<vmem>>, %arg10: memref<10112x64xbf16, #tpu.memory_space<vmem_shared>>, %arg11: memref<10112x64xbf16, #tpu.memory_space<vmem_shared>>, %arg12: memref<2x!tpu.dma_semaphore, #tpu.memory_space<semaphore_mem>>, %arg13: memref<2x!tpu.dma_semaphore, #tpu.memory_space<semaphore_mem>>) attributes {dimension_semantics = [#tpu.dimension_semantics<core_parallel>, #tpu.dimension_semantics<subcore_parallel>], iteration_bounds = array<i64: 2, 16>, scalar_prefetch = 0 : i64, scratch_operands = 7 : i64, tpu.core_type = #tpu.core_type<sc_vector_subcore>, window_params = [{transform_indices = #map}, {transform_indices = #map}, {transform_indices = #map}, {transform_indices = #map}, {transform_indices = #map1}]} {
    %mul3A = arith.constant 16 : i32
    %mul3A_0 = arith.muli %arg0, %mul3A : i32
    %add3A = arith.addi %mul3A_0, %arg1 : i32
    "tpu.trace_start"() <{level = 10 : i32, message = "sc_init"}> : () -> ()
    %mul3A_1 = arith.constant 632 : i32
    %mul3A_2 = arith.muli %arg1, %mul3A_1 : i32
    %mul3A_3 = arith.constant 632 : i32
    %mul3A_4 = arith.muli %arg1, %mul3A_3 : i32
    "tpu.region"() ({
      %run_scoped3A_84 = tpu.sem_alloc : memref<!tpu.dma_semaphore, #tpu.memory_space<semaphore_mem>>
      %dma_start3A_85 = arith.constant 0 : i32
      %dma_start3A_86 = tpu.memref_slice %arg11[%mul3A_4, %dma_start3A_85] : memref<10112x64xbf16, #tpu.memory_space<vmem_shared>> -> memref<632x64xbf16, #tpu.memory_space<vmem_shared>>
      %dma_start3A_87 = arith.constant 0 : i32
      %dma_start3A_88 = tpu.memref_slice %arg2[%mul3A_2, %dma_start3A_87] : memref<10112x64xbf16, #tpu.memory_space<hbm>> -> memref<632x64xbf16, #tpu.memory_space<hbm>>
      tpu.enqueue_dma source(%dma_start3A_88 : memref<632x64xbf16, #tpu.memory_space<hbm>>) target(%dma_start3A_86 : memref<632x64xbf16, #tpu.memory_space<vmem_shared>>) target_semaphore(%run_scoped3A_84 : memref<!tpu.dma_semaphore, #tpu.memory_space<semaphore_mem>>)
      %dma_wait3A_89 = arith.constant 0 : i32
      %dma_wait3A_90 = tpu.memref_slice %arg11[%mul3A_4, %dma_wait3A_89] : memref<10112x64xbf16, #tpu.memory_space<vmem_shared>> -> memref<632x64xbf16, #tpu.memory_space<vmem_shared>>
      %dma_wait3A_91 = arith.constant 0 : i32
      %dma_wait3A_92 = tpu.memref_slice %arg2[%mul3A_2, %dma_wait3A_91] : memref<10112x64xbf16, #tpu.memory_space<hbm>> -> memref<632x64xbf16, #tpu.memory_space<hbm>>
      tpu.wait_dma2 semaphore(%run_scoped3A_84 : memref<!tpu.dma_semaphore, #tpu.memory_space<semaphore_mem>>) src(%dma_wait3A_92 : memref<632x64xbf16, #tpu.memory_space<hbm>>) dst(%dma_wait3A_90 : memref<632x64xbf16, #tpu.memory_space<vmem_shared>>)
      tpu.yield
    }) : () -> ()
    %eq3A = arith.constant 0 : i32
    %eq3A_5 = arith.cmpi eq, %arg0, %eq3A : i32
    %convert_element_type3A = arith.extui %eq3A_5 : i1 to i32
    %cond3A = arith.constant 0 : i32
    %cond3A_6 = arith.cmpi ne, %convert_element_type3A, %cond3A : i32
    scf.if %cond3A_6 {
      %mul3A_84 = arith.constant 632 : i32
      %mul3A_85 = arith.muli %arg1, %mul3A_84 : i32
      %mul3A_86 = arith.constant 632 : i32
      %mul3A_87 = arith.muli %arg1, %mul3A_86 : i32
      "tpu.region"() ({
        %run_scoped3A_88 = tpu.sem_alloc : memref<!tpu.dma_semaphore, #tpu.memory_space<semaphore_mem>>
        %dma_start3A_89 = arith.constant 0 : i32
        %dma_start3A_90 = tpu.memref_slice %arg10[%mul3A_87, %dma_start3A_89] : memref<10112x64xbf16, #tpu.memory_space<vmem_shared>> -> memref<632x64xbf16, #tpu.memory_space<vmem_shared>>
        %dma_start3A_91 = arith.constant 0 : i32
        %dma_start3A_92 = tpu.memref_slice %arg2[%mul3A_85, %dma_start3A_91] : memref<10112x64xbf16, #tpu.memory_space<hbm>> -> memref<632x64xbf16, #tpu.memory_space<hbm>>
        tpu.enqueue_dma source(%dma_start3A_92 : memref<632x64xbf16, #tpu.memory_space<hbm>>) target(%dma_start3A_90 : memref<632x64xbf16, #tpu.memory_space<vmem_shared>>) target_semaphore(%run_scoped3A_88 : memref<!tpu.dma_semaphore, #tpu.memory_space<semaphore_mem>>)
        %dma_wait3A_93 = arith.constant 0 : i32
        %dma_wait3A_94 = tpu.memref_slice %arg10[%mul3A_87, %dma_wait3A_93] : memref<10112x64xbf16, #tpu.memory_space<vmem_shared>> -> memref<632x64xbf16, #tpu.memory_space<vmem_shared>>
        %dma_wait3A_95 = arith.constant 0 : i32
        %dma_wait3A_96 = tpu.memref_slice %arg2[%mul3A_85, %dma_wait3A_95] : memref<10112x64xbf16, #tpu.memory_space<hbm>> -> memref<632x64xbf16, #tpu.memory_space<hbm>>
        tpu.wait_dma2 semaphore(%run_scoped3A_88 : memref<!tpu.dma_semaphore, #tpu.memory_space<semaphore_mem>>) src(%dma_wait3A_96 : memref<632x64xbf16, #tpu.memory_space<hbm>>) dst(%dma_wait3A_94 : memref<632x64xbf16, #tpu.memory_space<vmem_shared>>)
        tpu.yield
      }) : () -> ()
    } else {
    }
    %ne3A = arith.constant 0 : i32
    %ne3A_7 = arith.cmpi ne, %arg0, %ne3A : i32
    %convert_element_type3A_8 = arith.extui %ne3A_7 : i1 to i32
    %cond3A_9 = arith.constant 0 : i32
    %cond3A_10 = arith.cmpi ne, %convert_element_type3A_8, %cond3A_9 : i32
    scf.if %cond3A_10 {
      %mul3A_84 = arith.constant 632 : i32
      %mul3A_85 = arith.muli %arg1, %mul3A_84 : i32
      %mul3A_86 = arith.constant 632 : i32
      %mul3A_87 = arith.muli %arg1, %mul3A_86 : i32
      "tpu.region"() ({
        %run_scoped3A_88 = tpu.sem_alloc : memref<!tpu.dma_semaphore, #tpu.memory_space<semaphore_mem>>
        %dma_start3A_89 = arith.constant 0 : i32
        %dma_start3A_90 = tpu.memref_slice %arg10[%mul3A_87, %dma_start3A_89] : memref<10112x64xbf16, #tpu.memory_space<vmem_shared>> -> memref<632x64xbf16, #tpu.memory_space<vmem_shared>>
        %dma_start3A_91 = arith.constant 0 : i32
        %dma_start3A_92 = tpu.memref_slice %arg5[%mul3A_85, %dma_start3A_91] : memref<10112x64xbf16, #tpu.memory_space<hbm>> -> memref<632x64xbf16, #tpu.memory_space<hbm>>
        tpu.enqueue_dma source(%dma_start3A_92 : memref<632x64xbf16, #tpu.memory_space<hbm>>) target(%dma_start3A_90 : memref<632x64xbf16, #tpu.memory_space<vmem_shared>>) target_semaphore(%run_scoped3A_88 : memref<!tpu.dma_semaphore, #tpu.memory_space<semaphore_mem>>)
        %dma_wait3A_93 = arith.constant 0 : i32
        %dma_wait3A_94 = tpu.memref_slice %arg10[%mul3A_87, %dma_wait3A_93] : memref<10112x64xbf16, #tpu.memory_space<vmem_shared>> -> memref<632x64xbf16, #tpu.memory_space<vmem_shared>>
        %dma_wait3A_95 = arith.constant 0 : i32
        %dma_wait3A_96 = tpu.memref_slice %arg5[%mul3A_85, %dma_wait3A_95] : memref<10112x64xbf16, #tpu.memory_space<hbm>> -> memref<632x64xbf16, #tpu.memory_space<hbm>>
        tpu.wait_dma2 semaphore(%run_scoped3A_88 : memref<!tpu.dma_semaphore, #tpu.memory_space<semaphore_mem>>) src(%dma_wait3A_96 : memref<632x64xbf16, #tpu.memory_space<hbm>>) dst(%dma_wait3A_94 : memref<632x64xbf16, #tpu.memory_space<vmem_shared>>)
        tpu.yield
      }) : () -> ()
    } else {
    }
    %mul3A_11 = arith.constant 80 : i32
    %mul3A_12 = arith.muli %add3A, %mul3A_11 : i32
    "tpu.region"() ({
      %run_scoped3A_84 = tpu.sem_alloc : memref<!tpu.dma_semaphore, #tpu.memory_space<semaphore_mem>>
      %dma_start3A_85 = arith.constant 0 : i32
      %dma_start3A_86 = tpu.memref_slice %arg3[%mul3A_12, %dma_start3A_85] : memref<2560x128xi32, #tpu.memory_space<hbm>> -> memref<80x128xi32, #tpu.memory_space<hbm>>
      %dma_start3A_87 = arith.constant 0 : i32
      %dma_start3A_88 = tpu.memref_slice %arg3[%mul3A_12, %dma_start3A_87] : memref<2560x128xi32, #tpu.memory_space<hbm>> -> memref<80x128xi32, #tpu.memory_space<hbm>>
      tpu.enqueue_dma source(%dma_start3A_88 : memref<80x128xi32, #tpu.memory_space<hbm>>) target(%arg7 : memref<80x128xi32, #tpu.memory_space<vmem>>) target_semaphore(%run_scoped3A_84 : memref<!tpu.dma_semaphore, #tpu.memory_space<semaphore_mem>>)
      %dma_wait3A_89 = arith.constant 0 : i32
      %dma_wait3A_90 = tpu.memref_slice %arg3[%mul3A_12, %dma_wait3A_89] : memref<2560x128xi32, #tpu.memory_space<hbm>> -> memref<80x128xi32, #tpu.memory_space<hbm>>
      %dma_wait3A_91 = arith.constant 0 : i32
      %dma_wait3A_92 = tpu.memref_slice %arg3[%mul3A_12, %dma_wait3A_91] : memref<2560x128xi32, #tpu.memory_space<hbm>> -> memref<80x128xi32, #tpu.memory_space<hbm>>
      tpu.wait_dma2 semaphore(%run_scoped3A_84 : memref<!tpu.dma_semaphore, #tpu.memory_space<semaphore_mem>>) src(%dma_wait3A_92 : memref<80x128xi32, #tpu.memory_space<hbm>>) dst(%arg7 : memref<80x128xi32, #tpu.memory_space<vmem>>)
      tpu.yield
    }) : () -> ()
    "tpu.region"() ({
      %run_scoped3A_84 = tpu.sem_alloc : memref<!tpu.dma_semaphore, #tpu.memory_space<semaphore_mem>>
      %dma_start3A_85 = arith.constant 0 : i32
      %dma_start3A_86 = tpu.memref_slice %arg4[%mul3A_12, %dma_start3A_85] : memref<2560x128xi32, #tpu.memory_space<hbm>> -> memref<80x128xi32, #tpu.memory_space<hbm>>
      %dma_start3A_87 = arith.constant 0 : i32
      %dma_start3A_88 = tpu.memref_slice %arg4[%mul3A_12, %dma_start3A_87] : memref<2560x128xi32, #tpu.memory_space<hbm>> -> memref<80x128xi32, #tpu.memory_space<hbm>>
      tpu.enqueue_dma source(%dma_start3A_88 : memref<80x128xi32, #tpu.memory_space<hbm>>) target(%arg8 : memref<80x128xi32, #tpu.memory_space<vmem>>) target_semaphore(%run_scoped3A_84 : memref<!tpu.dma_semaphore, #tpu.memory_space<semaphore_mem>>)
      %dma_wait3A_89 = arith.constant 0 : i32
      %dma_wait3A_90 = tpu.memref_slice %arg4[%mul3A_12, %dma_wait3A_89] : memref<2560x128xi32, #tpu.memory_space<hbm>> -> memref<80x128xi32, #tpu.memory_space<hbm>>
      %dma_wait3A_91 = arith.constant 0 : i32
      %dma_wait3A_92 = tpu.memref_slice %arg4[%mul3A_12, %dma_wait3A_91] : memref<2560x128xi32, #tpu.memory_space<hbm>> -> memref<80x128xi32, #tpu.memory_space<hbm>>
      tpu.wait_dma2 semaphore(%run_scoped3A_84 : memref<!tpu.dma_semaphore, #tpu.memory_space<semaphore_mem>>) src(%dma_wait3A_92 : memref<80x128xi32, #tpu.memory_space<hbm>>) dst(%arg8 : memref<80x128xi32, #tpu.memory_space<vmem>>)
      tpu.yield
    }) : () -> ()
    %barrier3A = arith.constant 0 : index
    tpu.barrier barrier_id(%barrier3A)
    %dma_start3A = arith.constant 0 : i32
    %dma_start3A_13 = arith.constant 0 : i32
    %dma_start3A_14 = arith.constant 0 : i32
    "tpu.trace_stop"() : () -> ()
    "tpu.trace_start"() <{level = 10 : i32, message = "sc_edges"}> : () -> ()
    %dma_start3A_15 = arith.constant 0 : i32
    %dma_start3A_16 = arith.constant 0 : i32
    %dma_start3A_17 = tpu.memref_slice %arg9[%dma_start3A_13, %dma_start3A_15, %dma_start3A_16] : memref<2x128x64xbf16, #tpu.memory_space<vmem>> -> memref<1x128x64xbf16, #tpu.memory_space<vmem>>
    %dma_start3A_18 = tpu.memref_squeeze %dma_start3A_17 : memref<1x128x64xbf16, #tpu.memory_space<vmem>> -> memref<128x64xbf16, #tpu.memory_space<vmem>>
    %dma_start3A_19 = arith.constant 0 : i32
    %dma_start3A_20 = tpu.memref_slice %arg8[%dma_start3A, %dma_start3A_19] : memref<80x128xi32, #tpu.memory_space<vmem>> -> memref<1x128xi32, #tpu.memory_space<vmem>>
    %dma_start3A_21 = tpu.memref_squeeze %dma_start3A_20 : memref<1x128xi32, #tpu.memory_space<vmem>> -> memref<128xi32, #tpu.memory_space<vmem>>
    %dma_start3A_22 = arith.constant 0 : i32
    %dma_start3A_23 = arith.constant 0 : i32
    %dma_start3A_24 = tpu.memref_slice %arg11[%dma_start3A_22, %dma_start3A_23] : memref<10112x64xbf16, #tpu.memory_space<vmem_shared>> -> memref<10112x64xbf16, #tpu.memory_space<vmem_shared>>
    %dma_start3A_25 = tpu.memref_slice %arg12[%dma_start3A_14] : memref<2x!tpu.dma_semaphore, #tpu.memory_space<semaphore_mem>> -> memref<1x!tpu.dma_semaphore, #tpu.memory_space<semaphore_mem>>
    %dma_start3A_26 = tpu.memref_squeeze %dma_start3A_25 : memref<1x!tpu.dma_semaphore, #tpu.memory_space<semaphore_mem>> -> memref<!tpu.dma_semaphore, #tpu.memory_space<semaphore_mem>>
    tpu.enqueue_indirect_dma source(%dma_start3A_24 : memref<10112x64xbf16, #tpu.memory_space<vmem_shared>>) target(%dma_start3A_18 : memref<128x64xbf16, #tpu.memory_space<vmem>>) offsets(%dma_start3A_21 : memref<128xi32, #tpu.memory_space<vmem>>) semaphore(%dma_start3A_26 : memref<!tpu.dma_semaphore, #tpu.memory_space<semaphore_mem>>)
    %dma_start3A_27 = arith.constant 1 : i32
    %dma_start3A_28 = arith.constant 1 : i32
    %dma_start3A_29 = arith.constant 1 : i32
    %dma_start3A_30 = arith.constant 0 : i32
    %dma_start3A_31 = arith.constant 0 : i32
    %dma_start3A_32 = tpu.memref_slice %arg9[%dma_start3A_28, %dma_start3A_30, %dma_start3A_31] : memref<2x128x64xbf16, #tpu.memory_space<vmem>> -> memref<1x128x64xbf16, #tpu.memory_space<vmem>>
    %dma_start3A_33 = tpu.memref_squeeze %dma_start3A_32 : memref<1x128x64xbf16, #tpu.memory_space<vmem>> -> memref<128x64xbf16, #tpu.memory_space<vmem>>
    %dma_start3A_34 = arith.constant 0 : i32
    %dma_start3A_35 = tpu.memref_slice %arg8[%dma_start3A_27, %dma_start3A_34] : memref<80x128xi32, #tpu.memory_space<vmem>> -> memref<1x128xi32, #tpu.memory_space<vmem>>
    %dma_start3A_36 = tpu.memref_squeeze %dma_start3A_35 : memref<1x128xi32, #tpu.memory_space<vmem>> -> memref<128xi32, #tpu.memory_space<vmem>>
    %dma_start3A_37 = arith.constant 0 : i32
    %dma_start3A_38 = arith.constant 0 : i32
    %dma_start3A_39 = tpu.memref_slice %arg11[%dma_start3A_37, %dma_start3A_38] : memref<10112x64xbf16, #tpu.memory_space<vmem_shared>> -> memref<10112x64xbf16, #tpu.memory_space<vmem_shared>>
    %dma_start3A_40 = tpu.memref_slice %arg12[%dma_start3A_29] : memref<2x!tpu.dma_semaphore, #tpu.memory_space<semaphore_mem>> -> memref<1x!tpu.dma_semaphore, #tpu.memory_space<semaphore_mem>>
    %dma_start3A_41 = tpu.memref_squeeze %dma_start3A_40 : memref<1x!tpu.dma_semaphore, #tpu.memory_space<semaphore_mem>> -> memref<!tpu.dma_semaphore, #tpu.memory_space<semaphore_mem>>
    tpu.enqueue_indirect_dma source(%dma_start3A_39 : memref<10112x64xbf16, #tpu.memory_space<vmem_shared>>) target(%dma_start3A_33 : memref<128x64xbf16, #tpu.memory_space<vmem>>) offsets(%dma_start3A_36 : memref<128xi32, #tpu.memory_space<vmem>>) semaphore(%dma_start3A_41 : memref<!tpu.dma_semaphore, #tpu.memory_space<semaphore_mem>>)
    %scan3A = arith.constant 0 : i32
    %scan3A_42 = arith.constant 0 : i32
    %scan3A_43 = arith.constant 39 : i32
    %scan3A_44 = arith.addi %scan3A_42, %scan3A_43 : i32
    %scan3A_45 = arith.constant 1 : i32
    scf.for %scan3A_84 = %scan3A_42 to %scan3A_44 step %scan3A_45  : i32 {
      %mul3A_85 = arith.constant 2 : i32
      %mul3A_86 = arith.muli %mul3A_85, %scan3A_84 : i32
      %dma_wait3A_87 = arith.constant 0 : i32
      %dma_wait3A_88 = arith.constant 0 : i32
      %dma_wait3A_89 = arith.constant 0 : i32
      %dma_wait3A_90 = arith.constant 0 : i32
      %dma_wait3A_91 = tpu.memref_slice %arg9[%dma_wait3A_87, %dma_wait3A_89, %dma_wait3A_90] : memref<2x128x64xbf16, #tpu.memory_space<vmem>> -> memref<1x128x64xbf16, #tpu.memory_space<vmem>>
      %dma_wait3A_92 = tpu.memref_squeeze %dma_wait3A_91 : memref<1x128x64xbf16, #tpu.memory_space<vmem>> -> memref<128x64xbf16, #tpu.memory_space<vmem>>
      %dma_wait3A_93 = arith.constant 0 : i32
      %dma_wait3A_94 = tpu.memref_slice %arg8[%mul3A_86, %dma_wait3A_93] : memref<80x128xi32, #tpu.memory_space<vmem>> -> memref<1x128xi32, #tpu.memory_space<vmem>>
      %dma_wait3A_95 = tpu.memref_squeeze %dma_wait3A_94 : memref<1x128xi32, #tpu.memory_space<vmem>> -> memref<128xi32, #tpu.memory_space<vmem>>
      %dma_wait3A_96 = arith.constant 0 : i32
      %dma_wait3A_97 = arith.constant 0 : i32
      %dma_wait3A_98 = tpu.memref_slice %arg11[%dma_wait3A_96, %dma_wait3A_97] : memref<10112x64xbf16, #tpu.memory_space<vmem_shared>> -> memref<10112x64xbf16, #tpu.memory_space<vmem_shared>>
      %dma_wait3A_99 = tpu.memref_slice %arg12[%dma_wait3A_88] : memref<2x!tpu.dma_semaphore, #tpu.memory_space<semaphore_mem>> -> memref<1x!tpu.dma_semaphore, #tpu.memory_space<semaphore_mem>>
      %dma_wait3A_100 = tpu.memref_squeeze %dma_wait3A_99 : memref<1x!tpu.dma_semaphore, #tpu.memory_space<semaphore_mem>> -> memref<!tpu.dma_semaphore, #tpu.memory_space<semaphore_mem>>
      tpu.wait_indirect_dma semaphore(%dma_wait3A_100 : memref<!tpu.dma_semaphore, #tpu.memory_space<semaphore_mem>>) src(%dma_wait3A_98 : memref<10112x64xbf16, #tpu.memory_space<vmem_shared>>) dst(%dma_wait3A_92 : memref<128x64xbf16, #tpu.memory_space<vmem>>)
      %run_scoped3A_101 = arith.constant 0 : i32
      "tpu.region"() ({
        %run_scoped3A_153 = tpu.sem_alloc : memref<!tpu.dma_semaphore, #tpu.memory_space<semaphore_mem>>
        %dma_start3A_154 = arith.constant 0 : i32
        %dma_start3A_155 = arith.constant 0 : i32
        %dma_start3A_156 = tpu.memref_slice %arg9[%run_scoped3A_101, %dma_start3A_154, %dma_start3A_155] : memref<2x128x64xbf16, #tpu.memory_space<vmem>> -> memref<1x128x64xbf16, #tpu.memory_space<vmem>>
        %dma_start3A_157 = tpu.memref_squeeze %dma_start3A_156 : memref<1x128x64xbf16, #tpu.memory_space<vmem>> -> memref<128x64xbf16, #tpu.memory_space<vmem>>
        %dma_start3A_158 = arith.constant 0 : i32
        %dma_start3A_159 = tpu.memref_slice %arg7[%mul3A_86, %dma_start3A_158] : memref<80x128xi32, #tpu.memory_space<vmem>> -> memref<1x128xi32, #tpu.memory_space<vmem>>
        %dma_start3A_160 = tpu.memref_squeeze %dma_start3A_159 : memref<1x128xi32, #tpu.memory_space<vmem>> -> memref<128xi32, #tpu.memory_space<vmem>>
        %dma_start3A_161 = arith.constant 0 : i32
        %dma_start3A_162 = arith.constant 0 : i32
        %dma_start3A_163 = tpu.memref_slice %arg10[%dma_start3A_161, %dma_start3A_162] : memref<10112x64xbf16, #tpu.memory_space<vmem_shared>> -> memref<10112x64xbf16, #tpu.memory_space<vmem_shared>>
        tpu.enqueue_indirect_dma source(%dma_start3A_157 : memref<128x64xbf16, #tpu.memory_space<vmem>>) target(%dma_start3A_163 : memref<10112x64xbf16, #tpu.memory_space<vmem_shared>>) offsets(%dma_start3A_160 : memref<128xi32, #tpu.memory_space<vmem>>) semaphore(%run_scoped3A_153 : memref<!tpu.dma_semaphore, #tpu.memory_space<semaphore_mem>>) {add = true}
        %dma_wait3A_164 = arith.constant 0 : i32
        %dma_wait3A_165 = arith.constant 0 : i32
        %dma_wait3A_166 = tpu.memref_slice %arg9[%run_scoped3A_101, %dma_wait3A_164, %dma_wait3A_165] : memref<2x128x64xbf16, #tpu.memory_space<vmem>> -> memref<1x128x64xbf16, #tpu.memory_space<vmem>>
        %dma_wait3A_167 = tpu.memref_squeeze %dma_wait3A_166 : memref<1x128x64xbf16, #tpu.memory_space<vmem>> -> memref<128x64xbf16, #tpu.memory_space<vmem>>
        %dma_wait3A_168 = arith.constant 0 : i32
        %dma_wait3A_169 = tpu.memref_slice %arg7[%mul3A_86, %dma_wait3A_168] : memref<80x128xi32, #tpu.memory_space<vmem>> -> memref<1x128xi32, #tpu.memory_space<vmem>>
        %dma_wait3A_170 = tpu.memref_squeeze %dma_wait3A_169 : memref<1x128xi32, #tpu.memory_space<vmem>> -> memref<128xi32, #tpu.memory_space<vmem>>
        %dma_wait3A_171 = arith.constant 0 : i32
        %dma_wait3A_172 = arith.constant 0 : i32
        %dma_wait3A_173 = tpu.memref_slice %arg10[%dma_wait3A_171, %dma_wait3A_172] : memref<10112x64xbf16, #tpu.memory_space<vmem_shared>> -> memref<10112x64xbf16, #tpu.memory_space<vmem_shared>>
        tpu.wait_indirect_dma semaphore(%run_scoped3A_153 : memref<!tpu.dma_semaphore, #tpu.memory_space<semaphore_mem>>) src(%dma_wait3A_167 : memref<128x64xbf16, #tpu.memory_space<vmem>>) dst(%dma_wait3A_173 : memref<10112x64xbf16, #tpu.memory_space<vmem_shared>>)
        tpu.yield
      }) : () -> ()
      %add3A_102 = arith.constant 2 : i32
      %add3A_103 = arith.addi %mul3A_86, %add3A_102 : i32
      %dma_start3A_104 = arith.constant 0 : i32
      %dma_start3A_105 = arith.constant 0 : i32
      %dma_start3A_106 = arith.constant 0 : i32
      %dma_start3A_107 = arith.constant 0 : i32
      %dma_start3A_108 = tpu.memref_slice %arg9[%dma_start3A_104, %dma_start3A_106, %dma_start3A_107] : memref<2x128x64xbf16, #tpu.memory_space<vmem>> -> memref<1x128x64xbf16, #tpu.memory_space<vmem>>
      %dma_start3A_109 = tpu.memref_squeeze %dma_start3A_108 : memref<1x128x64xbf16, #tpu.memory_space<vmem>> -> memref<128x64xbf16, #tpu.memory_space<vmem>>
      %dma_start3A_110 = arith.constant 0 : i32
      %dma_start3A_111 = tpu.memref_slice %arg8[%add3A_103, %dma_start3A_110] : memref<80x128xi32, #tpu.memory_space<vmem>> -> memref<1x128xi32, #tpu.memory_space<vmem>>
      %dma_start3A_112 = tpu.memref_squeeze %dma_start3A_111 : memref<1x128xi32, #tpu.memory_space<vmem>> -> memref<128xi32, #tpu.memory_space<vmem>>
      %dma_start3A_113 = arith.constant 0 : i32
      %dma_start3A_114 = arith.constant 0 : i32
      %dma_start3A_115 = tpu.memref_slice %arg11[%dma_start3A_113, %dma_start3A_114] : memref<10112x64xbf16, #tpu.memory_space<vmem_shared>> -> memref<10112x64xbf16, #tpu.memory_space<vmem_shared>>
      %dma_start3A_116 = tpu.memref_slice %arg12[%dma_start3A_105] : memref<2x!tpu.dma_semaphore, #tpu.memory_space<semaphore_mem>> -> memref<1x!tpu.dma_semaphore, #tpu.memory_space<semaphore_mem>>
      %dma_start3A_117 = tpu.memref_squeeze %dma_start3A_116 : memref<1x!tpu.dma_semaphore, #tpu.memory_space<semaphore_mem>> -> memref<!tpu.dma_semaphore, #tpu.memory_space<semaphore_mem>>
      tpu.enqueue_indirect_dma source(%dma_start3A_115 : memref<10112x64xbf16, #tpu.memory_space<vmem_shared>>) target(%dma_start3A_109 : memref<128x64xbf16, #tpu.memory_space<vmem>>) offsets(%dma_start3A_112 : memref<128xi32, #tpu.memory_space<vmem>>) semaphore(%dma_start3A_117 : memref<!tpu.dma_semaphore, #tpu.memory_space<semaphore_mem>>)
      %add3A_118 = arith.constant 1 : i32
      %add3A_119 = arith.addi %mul3A_86, %add3A_118 : i32
      %dma_wait3A_120 = arith.constant 1 : i32
      %dma_wait3A_121 = arith.constant 1 : i32
      %dma_wait3A_122 = arith.constant 0 : i32
      %dma_wait3A_123 = arith.constant 0 : i32
      %dma_wait3A_124 = tpu.memref_slice %arg9[%dma_wait3A_120, %dma_wait3A_122, %dma_wait3A_123] : memref<2x128x64xbf16, #tpu.memory_space<vmem>> -> memref<1x128x64xbf16, #tpu.memory_space<vmem>>
      %dma_wait3A_125 = tpu.memref_squeeze %dma_wait3A_124 : memref<1x128x64xbf16, #tpu.memory_space<vmem>> -> memref<128x64xbf16, #tpu.memory_space<vmem>>
      %dma_wait3A_126 = arith.constant 0 : i32
      %dma_wait3A_127 = tpu.memref_slice %arg8[%add3A_119, %dma_wait3A_126] : memref<80x128xi32, #tpu.memory_space<vmem>> -> memref<1x128xi32, #tpu.memory_space<vmem>>
      %dma_wait3A_128 = tpu.memref_squeeze %dma_wait3A_127 : memref<1x128xi32, #tpu.memory_space<vmem>> -> memref<128xi32, #tpu.memory_space<vmem>>
      %dma_wait3A_129 = arith.constant 0 : i32
      %dma_wait3A_130 = arith.constant 0 : i32
      %dma_wait3A_131 = tpu.memref_slice %arg11[%dma_wait3A_129, %dma_wait3A_130] : memref<10112x64xbf16, #tpu.memory_space<vmem_shared>> -> memref<10112x64xbf16, #tpu.memory_space<vmem_shared>>
      %dma_wait3A_132 = tpu.memref_slice %arg12[%dma_wait3A_121] : memref<2x!tpu.dma_semaphore, #tpu.memory_space<semaphore_mem>> -> memref<1x!tpu.dma_semaphore, #tpu.memory_space<semaphore_mem>>
      %dma_wait3A_133 = tpu.memref_squeeze %dma_wait3A_132 : memref<1x!tpu.dma_semaphore, #tpu.memory_space<semaphore_mem>> -> memref<!tpu.dma_semaphore, #tpu.memory_space<semaphore_mem>>
      tpu.wait_indirect_dma semaphore(%dma_wait3A_133 : memref<!tpu.dma_semaphore, #tpu.memory_space<semaphore_mem>>) src(%dma_wait3A_131 : memref<10112x64xbf16, #tpu.memory_space<vmem_shared>>) dst(%dma_wait3A_125 : memref<128x64xbf16, #tpu.memory_space<vmem>>)
      %add3A_134 = arith.constant 1 : i32
      %add3A_135 = arith.addi %mul3A_86, %add3A_134 : i32
      %run_scoped3A_136 = arith.constant 1 : i32
      "tpu.region"() ({
        %run_scoped3A_153 = tpu.sem_alloc : memref<!tpu.dma_semaphore, #tpu.memory_space<semaphore_mem>>
        %dma_start3A_154 = arith.constant 0 : i32
        %dma_start3A_155 = arith.constant 0 : i32
        %dma_start3A_156 = tpu.memref_slice %arg9[%run_scoped3A_136, %dma_start3A_154, %dma_start3A_155] : memref<2x128x64xbf16, #tpu.memory_space<vmem>> -> memref<1x128x64xbf16, #tpu.memory_space<vmem>>
        %dma_start3A_157 = tpu.memref_squeeze %dma_start3A_156 : memref<1x128x64xbf16, #tpu.memory_space<vmem>> -> memref<128x64xbf16, #tpu.memory_space<vmem>>
        %dma_start3A_158 = arith.constant 0 : i32
        %dma_start3A_159 = tpu.memref_slice %arg7[%add3A_135, %dma_start3A_158] : memref<80x128xi32, #tpu.memory_space<vmem>> -> memref<1x128xi32, #tpu.memory_space<vmem>>
        %dma_start3A_160 = tpu.memref_squeeze %dma_start3A_159 : memref<1x128xi32, #tpu.memory_space<vmem>> -> memref<128xi32, #tpu.memory_space<vmem>>
        %dma_start3A_161 = arith.constant 0 : i32
        %dma_start3A_162 = arith.constant 0 : i32
        %dma_start3A_163 = tpu.memref_slice %arg10[%dma_start3A_161, %dma_start3A_162] : memref<10112x64xbf16, #tpu.memory_space<vmem_shared>> -> memref<10112x64xbf16, #tpu.memory_space<vmem_shared>>
        tpu.enqueue_indirect_dma source(%dma_start3A_157 : memref<128x64xbf16, #tpu.memory_space<vmem>>) target(%dma_start3A_163 : memref<10112x64xbf16, #tpu.memory_space<vmem_shared>>) offsets(%dma_start3A_160 : memref<128xi32, #tpu.memory_space<vmem>>) semaphore(%run_scoped3A_153 : memref<!tpu.dma_semaphore, #tpu.memory_space<semaphore_mem>>) {add = true}
        %dma_wait3A_164 = arith.constant 0 : i32
        %dma_wait3A_165 = arith.constant 0 : i32
        %dma_wait3A_166 = tpu.memref_slice %arg9[%run_scoped3A_136, %dma_wait3A_164, %dma_wait3A_165] : memref<2x128x64xbf16, #tpu.memory_space<vmem>> -> memref<1x128x64xbf16, #tpu.memory_space<vmem>>
        %dma_wait3A_167 = tpu.memref_squeeze %dma_wait3A_166 : memref<1x128x64xbf16, #tpu.memory_space<vmem>> -> memref<128x64xbf16, #tpu.memory_space<vmem>>
        %dma_wait3A_168 = arith.constant 0 : i32
        %dma_wait3A_169 = tpu.memref_slice %arg7[%add3A_135, %dma_wait3A_168] : memref<80x128xi32, #tpu.memory_space<vmem>> -> memref<1x128xi32, #tpu.memory_space<vmem>>
        %dma_wait3A_170 = tpu.memref_squeeze %dma_wait3A_169 : memref<1x128xi32, #tpu.memory_space<vmem>> -> memref<128xi32, #tpu.memory_space<vmem>>
        %dma_wait3A_171 = arith.constant 0 : i32
        %dma_wait3A_172 = arith.constant 0 : i32
        %dma_wait3A_173 = tpu.memref_slice %arg10[%dma_wait3A_171, %dma_wait3A_172] : memref<10112x64xbf16, #tpu.memory_space<vmem_shared>> -> memref<10112x64xbf16, #tpu.memory_space<vmem_shared>>
        tpu.wait_indirect_dma semaphore(%run_scoped3A_153 : memref<!tpu.dma_semaphore, #tpu.memory_space<semaphore_mem>>) src(%dma_wait3A_167 : memref<128x64xbf16, #tpu.memory_space<vmem>>) dst(%dma_wait3A_173 : memref<10112x64xbf16, #tpu.memory_space<vmem_shared>>)
        tpu.yield
      }) : () -> ()
      %add3A_137 = arith.constant 3 : i32
      %add3A_138 = arith.addi %mul3A_86, %add3A_137 : i32
      %dma_start3A_139 = arith.constant 1 : i32
      %dma_start3A_140 = arith.constant 1 : i32
      %dma_start3A_141 = arith.constant 0 : i32
      %dma_start3A_142 = arith.constant 0 : i32
      %dma_start3A_143 = tpu.memref_slice %arg9[%dma_start3A_139, %dma_start3A_141, %dma_start3A_142] : memref<2x128x64xbf16, #tpu.memory_space<vmem>> -> memref<1x128x64xbf16, #tpu.memory_space<vmem>>
      %dma_start3A_144 = tpu.memref_squeeze %dma_start3A_143 : memref<1x128x64xbf16, #tpu.memory_space<vmem>> -> memref<128x64xbf16, #tpu.memory_space<vmem>>
      %dma_start3A_145 = arith.constant 0 : i32
      %dma_start3A_146 = tpu.memref_slice %arg8[%add3A_138, %dma_start3A_145] : memref<80x128xi32, #tpu.memory_space<vmem>> -> memref<1x128xi32, #tpu.memory_space<vmem>>
      %dma_start3A_147 = tpu.memref_squeeze %dma_start3A_146 : memref<1x128xi32, #tpu.memory_space<vmem>> -> memref<128xi32, #tpu.memory_space<vmem>>
      %dma_start3A_148 = arith.constant 0 : i32
      %dma_start3A_149 = arith.constant 0 : i32
      %dma_start3A_150 = tpu.memref_slice %arg11[%dma_start3A_148, %dma_start3A_149] : memref<10112x64xbf16, #tpu.memory_space<vmem_shared>> -> memref<10112x64xbf16, #tpu.memory_space<vmem_shared>>
      %dma_start3A_151 = tpu.memref_slice %arg12[%dma_start3A_140] : memref<2x!tpu.dma_semaphore, #tpu.memory_space<semaphore_mem>> -> memref<1x!tpu.dma_semaphore, #tpu.memory_space<semaphore_mem>>
      %dma_start3A_152 = tpu.memref_squeeze %dma_start3A_151 : memref<1x!tpu.dma_semaphore, #tpu.memory_space<semaphore_mem>> -> memref<!tpu.dma_semaphore, #tpu.memory_space<semaphore_mem>>
      tpu.enqueue_indirect_dma source(%dma_start3A_150 : memref<10112x64xbf16, #tpu.memory_space<vmem_shared>>) target(%dma_start3A_144 : memref<128x64xbf16, #tpu.memory_space<vmem>>) offsets(%dma_start3A_147 : memref<128xi32, #tpu.memory_space<vmem>>) semaphore(%dma_start3A_152 : memref<!tpu.dma_semaphore, #tpu.memory_space<semaphore_mem>>)
    }
    %scan3A_46 = arith.constant 39 : i32
    %dma_wait3A = arith.constant 78 : i32
    %dma_wait3A_47 = arith.constant 0 : i32
    %dma_wait3A_48 = arith.constant 0 : i32
    %dma_wait3A_49 = arith.constant 0 : i32
    %dma_wait3A_50 = arith.constant 0 : i32
    %dma_wait3A_51 = tpu.memref_slice %arg9[%dma_wait3A_47, %dma_wait3A_49, %dma_wait3A_50] : memref<2x128x64xbf16, #tpu.memory_space<vmem>> -> memref<1x128x64xbf16, #tpu.memory_space<vmem>>
    %dma_wait3A_52 = tpu.memref_squeeze %dma_wait3A_51 : memref<1x128x64xbf16, #tpu.memory_space<vmem>> -> memref<128x64xbf16, #tpu.memory_space<vmem>>
    %dma_wait3A_53 = arith.constant 0 : i32
    %dma_wait3A_54 = tpu.memref_slice %arg8[%dma_wait3A, %dma_wait3A_53] : memref<80x128xi32, #tpu.memory_space<vmem>> -> memref<1x128xi32, #tpu.memory_space<vmem>>
    %dma_wait3A_55 = tpu.memref_squeeze %dma_wait3A_54 : memref<1x128xi32, #tpu.memory_space<vmem>> -> memref<128xi32, #tpu.memory_space<vmem>>
    %dma_wait3A_56 = arith.constant 0 : i32
    %dma_wait3A_57 = arith.constant 0 : i32
    %dma_wait3A_58 = tpu.memref_slice %arg11[%dma_wait3A_56, %dma_wait3A_57] : memref<10112x64xbf16, #tpu.memory_space<vmem_shared>> -> memref<10112x64xbf16, #tpu.memory_space<vmem_shared>>
    %dma_wait3A_59 = tpu.memref_slice %arg12[%dma_wait3A_48] : memref<2x!tpu.dma_semaphore, #tpu.memory_space<semaphore_mem>> -> memref<1x!tpu.dma_semaphore, #tpu.memory_space<semaphore_mem>>
    %dma_wait3A_60 = tpu.memref_squeeze %dma_wait3A_59 : memref<1x!tpu.dma_semaphore, #tpu.memory_space<semaphore_mem>> -> memref<!tpu.dma_semaphore, #tpu.memory_space<semaphore_mem>>
    tpu.wait_indirect_dma semaphore(%dma_wait3A_60 : memref<!tpu.dma_semaphore, #tpu.memory_space<semaphore_mem>>) src(%dma_wait3A_58 : memref<10112x64xbf16, #tpu.memory_space<vmem_shared>>) dst(%dma_wait3A_52 : memref<128x64xbf16, #tpu.memory_space<vmem>>)
    %run_scoped3A = arith.constant 0 : i32
    %run_scoped3A_61 = arith.constant 78 : i32
    "tpu.region"() ({
      %run_scoped3A_84 = tpu.sem_alloc : memref<!tpu.dma_semaphore, #tpu.memory_space<semaphore_mem>>
      %dma_start3A_85 = arith.constant 0 : i32
      %dma_start3A_86 = arith.constant 0 : i32
      %dma_start3A_87 = tpu.memref_slice %arg9[%run_scoped3A, %dma_start3A_85, %dma_start3A_86] : memref<2x128x64xbf16, #tpu.memory_space<vmem>> -> memref<1x128x64xbf16, #tpu.memory_space<vmem>>
      %dma_start3A_88 = tpu.memref_squeeze %dma_start3A_87 : memref<1x128x64xbf16, #tpu.memory_space<vmem>> -> memref<128x64xbf16, #tpu.memory_space<vmem>>
      %dma_start3A_89 = arith.constant 0 : i32
      %dma_start3A_90 = tpu.memref_slice %arg7[%run_scoped3A_61, %dma_start3A_89] : memref<80x128xi32, #tpu.memory_space<vmem>> -> memref<1x128xi32, #tpu.memory_space<vmem>>
      %dma_start3A_91 = tpu.memref_squeeze %dma_start3A_90 : memref<1x128xi32, #tpu.memory_space<vmem>> -> memref<128xi32, #tpu.memory_space<vmem>>
      %dma_start3A_92 = arith.constant 0 : i32
      %dma_start3A_93 = arith.constant 0 : i32
      %dma_start3A_94 = tpu.memref_slice %arg10[%dma_start3A_92, %dma_start3A_93] : memref<10112x64xbf16, #tpu.memory_space<vmem_shared>> -> memref<10112x64xbf16, #tpu.memory_space<vmem_shared>>
      tpu.enqueue_indirect_dma source(%dma_start3A_88 : memref<128x64xbf16, #tpu.memory_space<vmem>>) target(%dma_start3A_94 : memref<10112x64xbf16, #tpu.memory_space<vmem_shared>>) offsets(%dma_start3A_91 : memref<128xi32, #tpu.memory_space<vmem>>) semaphore(%run_scoped3A_84 : memref<!tpu.dma_semaphore, #tpu.memory_space<semaphore_mem>>) {add = true}
      %dma_wait3A_95 = arith.constant 0 : i32
      %dma_wait3A_96 = arith.constant 0 : i32
      %dma_wait3A_97 = tpu.memref_slice %arg9[%run_scoped3A, %dma_wait3A_95, %dma_wait3A_96] : memref<2x128x64xbf16, #tpu.memory_space<vmem>> -> memref<1x128x64xbf16, #tpu.memory_space<vmem>>
      %dma_wait3A_98 = tpu.memref_squeeze %dma_wait3A_97 : memref<1x128x64xbf16, #tpu.memory_space<vmem>> -> memref<128x64xbf16, #tpu.memory_space<vmem>>
      %dma_wait3A_99 = arith.constant 0 : i32
      %dma_wait3A_100 = tpu.memref_slice %arg7[%run_scoped3A_61, %dma_wait3A_99] : memref<80x128xi32, #tpu.memory_space<vmem>> -> memref<1x128xi32, #tpu.memory_space<vmem>>
      %dma_wait3A_101 = tpu.memref_squeeze %dma_wait3A_100 : memref<1x128xi32, #tpu.memory_space<vmem>> -> memref<128xi32, #tpu.memory_space<vmem>>
      %dma_wait3A_102 = arith.constant 0 : i32
      %dma_wait3A_103 = arith.constant 0 : i32
      %dma_wait3A_104 = tpu.memref_slice %arg10[%dma_wait3A_102, %dma_wait3A_103] : memref<10112x64xbf16, #tpu.memory_space<vmem_shared>> -> memref<10112x64xbf16, #tpu.memory_space<vmem_shared>>
      tpu.wait_indirect_dma semaphore(%run_scoped3A_84 : memref<!tpu.dma_semaphore, #tpu.memory_space<semaphore_mem>>) src(%dma_wait3A_98 : memref<128x64xbf16, #tpu.memory_space<vmem>>) dst(%dma_wait3A_104 : memref<10112x64xbf16, #tpu.memory_space<vmem_shared>>)
      tpu.yield
    }) : () -> ()
    %dma_wait3A_62 = arith.constant 79 : i32
    %dma_wait3A_63 = arith.constant 1 : i32
    %dma_wait3A_64 = arith.constant 1 : i32
    %dma_wait3A_65 = arith.constant 0 : i32
    %dma_wait3A_66 = arith.constant 0 : i32
    %dma_wait3A_67 = tpu.memref_slice %arg9[%dma_wait3A_63, %dma_wait3A_65, %dma_wait3A_66] : memref<2x128x64xbf16, #tpu.memory_space<vmem>> -> memref<1x128x64xbf16, #tpu.memory_space<vmem>>
    %dma_wait3A_68 = tpu.memref_squeeze %dma_wait3A_67 : memref<1x128x64xbf16, #tpu.memory_space<vmem>> -> memref<128x64xbf16, #tpu.memory_space<vmem>>
    %dma_wait3A_69 = arith.constant 0 : i32
    %dma_wait3A_70 = tpu.memref_slice %arg8[%dma_wait3A_62, %dma_wait3A_69] : memref<80x128xi32, #tpu.memory_space<vmem>> -> memref<1x128xi32, #tpu.memory_space<vmem>>
    %dma_wait3A_71 = tpu.memref_squeeze %dma_wait3A_70 : memref<1x128xi32, #tpu.memory_space<vmem>> -> memref<128xi32, #tpu.memory_space<vmem>>
    %dma_wait3A_72 = arith.constant 0 : i32
    %dma_wait3A_73 = arith.constant 0 : i32
    %dma_wait3A_74 = tpu.memref_slice %arg11[%dma_wait3A_72, %dma_wait3A_73] : memref<10112x64xbf16, #tpu.memory_space<vmem_shared>> -> memref<10112x64xbf16, #tpu.memory_space<vmem_shared>>
    %dma_wait3A_75 = tpu.memref_slice %arg12[%dma_wait3A_64] : memref<2x!tpu.dma_semaphore, #tpu.memory_space<semaphore_mem>> -> memref<1x!tpu.dma_semaphore, #tpu.memory_space<semaphore_mem>>
    %dma_wait3A_76 = tpu.memref_squeeze %dma_wait3A_75 : memref<1x!tpu.dma_semaphore, #tpu.memory_space<semaphore_mem>> -> memref<!tpu.dma_semaphore, #tpu.memory_space<semaphore_mem>>
    tpu.wait_indirect_dma semaphore(%dma_wait3A_76 : memref<!tpu.dma_semaphore, #tpu.memory_space<semaphore_mem>>) src(%dma_wait3A_74 : memref<10112x64xbf16, #tpu.memory_space<vmem_shared>>) dst(%dma_wait3A_68 : memref<128x64xbf16, #tpu.memory_space<vmem>>)
    %run_scoped3A_77 = arith.constant 1 : i32
    %run_scoped3A_78 = arith.constant 79 : i32
    "tpu.region"() ({
      %run_scoped3A_84 = tpu.sem_alloc : memref<!tpu.dma_semaphore, #tpu.memory_space<semaphore_mem>>
      %dma_start3A_85 = arith.constant 0 : i32
      %dma_start3A_86 = arith.constant 0 : i32
      %dma_start3A_87 = tpu.memref_slice %arg9[%run_scoped3A_77, %dma_start3A_85, %dma_start3A_86] : memref<2x128x64xbf16, #tpu.memory_space<vmem>> -> memref<1x128x64xbf16, #tpu.memory_space<vmem>>
      %dma_start3A_88 = tpu.memref_squeeze %dma_start3A_87 : memref<1x128x64xbf16, #tpu.memory_space<vmem>> -> memref<128x64xbf16, #tpu.memory_space<vmem>>
      %dma_start3A_89 = arith.constant 0 : i32
      %dma_start3A_90 = tpu.memref_slice %arg7[%run_scoped3A_78, %dma_start3A_89] : memref<80x128xi32, #tpu.memory_space<vmem>> -> memref<1x128xi32, #tpu.memory_space<vmem>>
      %dma_start3A_91 = tpu.memref_squeeze %dma_start3A_90 : memref<1x128xi32, #tpu.memory_space<vmem>> -> memref<128xi32, #tpu.memory_space<vmem>>
      %dma_start3A_92 = arith.constant 0 : i32
      %dma_start3A_93 = arith.constant 0 : i32
      %dma_start3A_94 = tpu.memref_slice %arg10[%dma_start3A_92, %dma_start3A_93] : memref<10112x64xbf16, #tpu.memory_space<vmem_shared>> -> memref<10112x64xbf16, #tpu.memory_space<vmem_shared>>
      tpu.enqueue_indirect_dma source(%dma_start3A_88 : memref<128x64xbf16, #tpu.memory_space<vmem>>) target(%dma_start3A_94 : memref<10112x64xbf16, #tpu.memory_space<vmem_shared>>) offsets(%dma_start3A_91 : memref<128xi32, #tpu.memory_space<vmem>>) semaphore(%run_scoped3A_84 : memref<!tpu.dma_semaphore, #tpu.memory_space<semaphore_mem>>) {add = true}
      %dma_wait3A_95 = arith.constant 0 : i32
      %dma_wait3A_96 = arith.constant 0 : i32
      %dma_wait3A_97 = tpu.memref_slice %arg9[%run_scoped3A_77, %dma_wait3A_95, %dma_wait3A_96] : memref<2x128x64xbf16, #tpu.memory_space<vmem>> -> memref<1x128x64xbf16, #tpu.memory_space<vmem>>
      %dma_wait3A_98 = tpu.memref_squeeze %dma_wait3A_97 : memref<1x128x64xbf16, #tpu.memory_space<vmem>> -> memref<128x64xbf16, #tpu.memory_space<vmem>>
      %dma_wait3A_99 = arith.constant 0 : i32
      %dma_wait3A_100 = tpu.memref_slice %arg7[%run_scoped3A_78, %dma_wait3A_99] : memref<80x128xi32, #tpu.memory_space<vmem>> -> memref<1x128xi32, #tpu.memory_space<vmem>>
      %dma_wait3A_101 = tpu.memref_squeeze %dma_wait3A_100 : memref<1x128xi32, #tpu.memory_space<vmem>> -> memref<128xi32, #tpu.memory_space<vmem>>
      %dma_wait3A_102 = arith.constant 0 : i32
      %dma_wait3A_103 = arith.constant 0 : i32
      %dma_wait3A_104 = tpu.memref_slice %arg10[%dma_wait3A_102, %dma_wait3A_103] : memref<10112x64xbf16, #tpu.memory_space<vmem_shared>> -> memref<10112x64xbf16, #tpu.memory_space<vmem_shared>>
      tpu.wait_indirect_dma semaphore(%run_scoped3A_84 : memref<!tpu.dma_semaphore, #tpu.memory_space<semaphore_mem>>) src(%dma_wait3A_98 : memref<128x64xbf16, #tpu.memory_space<vmem>>) dst(%dma_wait3A_104 : memref<10112x64xbf16, #tpu.memory_space<vmem_shared>>)
      tpu.yield
    }) : () -> ()
    %barrier3A_79 = arith.constant 0 : index
    tpu.barrier barrier_id(%barrier3A_79)
    "tpu.trace_stop"() : () -> ()
    "tpu.trace_start"() <{level = 10 : i32, message = "sc_out"}> : () -> ()
    %mul3A_80 = arith.constant 632 : i32
    %mul3A_81 = arith.muli %arg1, %mul3A_80 : i32
    %mul3A_82 = arith.constant 632 : i32
    %mul3A_83 = arith.muli %arg1, %mul3A_82 : i32
    "tpu.region"() ({
      %run_scoped3A_84 = tpu.sem_alloc : memref<!tpu.dma_semaphore, #tpu.memory_space<semaphore_mem>>
      %dma_start3A_85 = arith.constant 0 : i32
      %dma_start3A_86 = tpu.memref_slice %arg6[%arg0, %mul3A_83, %dma_start3A_85] : memref<2x10112x64xbf16, #tpu.memory_space<hbm>> -> memref<1x632x64xbf16, #tpu.memory_space<hbm>>
      %dma_start3A_87 = tpu.memref_squeeze %dma_start3A_86 : memref<1x632x64xbf16, #tpu.memory_space<hbm>> -> memref<632x64xbf16, #tpu.memory_space<hbm>>
      %dma_start3A_88 = arith.constant 0 : i32
      %dma_start3A_89 = tpu.memref_slice %arg10[%mul3A_81, %dma_start3A_88] : memref<10112x64xbf16, #tpu.memory_space<vmem_shared>> -> memref<632x64xbf16, #tpu.memory_space<vmem_shared>>
      tpu.enqueue_dma source(%dma_start3A_89 : memref<632x64xbf16, #tpu.memory_space<vmem_shared>>) target(%dma_start3A_87 : memref<632x64xbf16, #tpu.memory_space<hbm>>) target_semaphore(%run_scoped3A_84 : memref<!tpu.dma_semaphore, #tpu.memory_space<semaphore_mem>>)
      %dma_wait3A_90 = arith.constant 0 : i32
      %dma_wait3A_91 = tpu.memref_slice %arg6[%arg0, %mul3A_83, %dma_wait3A_90] : memref<2x10112x64xbf16, #tpu.memory_space<hbm>> -> memref<1x632x64xbf16, #tpu.memory_space<hbm>>
      %dma_wait3A_92 = tpu.memref_squeeze %dma_wait3A_91 : memref<1x632x64xbf16, #tpu.memory_space<hbm>> -> memref<632x64xbf16, #tpu.memory_space<hbm>>
      %dma_wait3A_93 = arith.constant 0 : i32
      %dma_wait3A_94 = tpu.memref_slice %arg10[%mul3A_81, %dma_wait3A_93] : memref<10112x64xbf16, #tpu.memory_space<vmem_shared>> -> memref<632x64xbf16, #tpu.memory_space<vmem_shared>>
      tpu.wait_dma2 semaphore(%run_scoped3A_84 : memref<!tpu.dma_semaphore, #tpu.memory_space<semaphore_mem>>) src(%dma_wait3A_94 : memref<632x64xbf16, #tpu.memory_space<vmem_shared>>) dst(%dma_wait3A_92 : memref<632x64xbf16, #tpu.memory_space<hbm>>)
      tpu.yield
    }) : () -> ()
    "tpu.trace_stop"() : () -> ()
    return
  }
}

#map = affine_map<(d0, d1) -> (0, 0)>
#map1 = affine_map<(d0, d1) -> (0, 0, 0)>
module attributes {stable_mosaic.version = 14 : i64} {
  func.func @_sc_scatter_body(%arg0: i32, %arg1: i32, %arg2: memref<10112x64xbf16, #tpu.memory_space<hbm>>, %arg3: memref<2560x128xi32, #tpu.memory_space<hbm>>, %arg4: memref<2560x128xi32, #tpu.memory_space<hbm>>, %arg5: memref<10112x64xbf16, #tpu.memory_space<hbm>>, %arg6: memref<2x10112x64xbf16, #tpu.memory_space<hbm>>, %arg7: memref<80x128xi32, #tpu.memory_space<vmem>>, %arg8: memref<80x128xi32, #tpu.memory_space<vmem>>, %arg9: memref<2x128x64xbf16, #tpu.memory_space<vmem>>, %arg10: memref<10112x64xbf16, #tpu.memory_space<vmem_shared>>, %arg11: memref<10112x64xbf16, #tpu.memory_space<vmem_shared>>, %arg12: memref<2x!tpu.dma_semaphore, #tpu.memory_space<semaphore_mem>>, %arg13: memref<2x!tpu.dma_semaphore, #tpu.memory_space<semaphore_mem>>) attributes {dimension_semantics = [#tpu.dimension_semantics<core_parallel>, #tpu.dimension_semantics<subcore_parallel>], iteration_bounds = array<i64: 2, 16>, scalar_prefetch = 0 : i64, scratch_operands = 7 : i64, tpu.core_type = #tpu.core_type<sc_vector_subcore>, window_params = [{transform_indices = #map}, {transform_indices = #map}, {transform_indices = #map}, {transform_indices = #map}, {transform_indices = #map1}]} {
    %mul3A = arith.constant 16 : i32
    %mul3A_0 = arith.muli %arg0, %mul3A : i32
    %add3A = arith.addi %mul3A_0, %arg1 : i32
    "tpu.trace_start"() <{level = 10 : i32, message = "sc_init"}> : () -> ()
    %mul3A_1 = arith.constant 632 : i32
    %mul3A_2 = arith.muli %arg1, %mul3A_1 : i32
    %mul3A_3 = arith.constant 632 : i32
    %mul3A_4 = arith.muli %arg1, %mul3A_3 : i32
    "tpu.region"() ({
      %run_scoped3A_84 = tpu.sem_alloc : memref<!tpu.dma_semaphore, #tpu.memory_space<semaphore_mem>>
      %dma_start3A_85 = arith.constant 0 : i32
      %dma_start3A_86 = tpu.memref_slice %arg11[%mul3A_4, %dma_start3A_85] : memref<10112x64xbf16, #tpu.memory_space<vmem_shared>> -> memref<632x64xbf16, #tpu.memory_space<vmem_shared>>
      %dma_start3A_87 = arith.constant 0 : i32
      %dma_start3A_88 = tpu.memref_slice %arg2[%mul3A_2, %dma_start3A_87] : memref<10112x64xbf16, #tpu.memory_space<hbm>> -> memref<632x64xbf16, #tpu.memory_space<hbm>>
      tpu.enqueue_dma source(%dma_start3A_88 : memref<632x64xbf16, #tpu.memory_space<hbm>>) target(%dma_start3A_86 : memref<632x64xbf16, #tpu.memory_space<vmem_shared>>) target_semaphore(%run_scoped3A_84 : memref<!tpu.dma_semaphore, #tpu.memory_space<semaphore_mem>>)
      %dma_wait3A_89 = arith.constant 0 : i32
      %dma_wait3A_90 = tpu.memref_slice %arg11[%mul3A_4, %dma_wait3A_89] : memref<10112x64xbf16, #tpu.memory_space<vmem_shared>> -> memref<632x64xbf16, #tpu.memory_space<vmem_shared>>
      %dma_wait3A_91 = arith.constant 0 : i32
      %dma_wait3A_92 = tpu.memref_slice %arg2[%mul3A_2, %dma_wait3A_91] : memref<10112x64xbf16, #tpu.memory_space<hbm>> -> memref<632x64xbf16, #tpu.memory_space<hbm>>
      tpu.wait_dma2 semaphore(%run_scoped3A_84 : memref<!tpu.dma_semaphore, #tpu.memory_space<semaphore_mem>>) src(%dma_wait3A_92 : memref<632x64xbf16, #tpu.memory_space<hbm>>) dst(%dma_wait3A_90 : memref<632x64xbf16, #tpu.memory_space<vmem_shared>>)
      tpu.yield
    }) : () -> ()
    %eq3A = arith.constant 0 : i32
    %eq3A_5 = arith.cmpi eq, %arg0, %eq3A : i32
    %convert_element_type3A = arith.extui %eq3A_5 : i1 to i32
    %cond3A = arith.constant 0 : i32
    %cond3A_6 = arith.cmpi ne, %convert_element_type3A, %cond3A : i32
    scf.if %cond3A_6 {
      %mul3A_84 = arith.constant 632 : i32
      %mul3A_85 = arith.muli %arg1, %mul3A_84 : i32
      %mul3A_86 = arith.constant 632 : i32
      %mul3A_87 = arith.muli %arg1, %mul3A_86 : i32
      "tpu.region"() ({
        %run_scoped3A_88 = tpu.sem_alloc : memref<!tpu.dma_semaphore, #tpu.memory_space<semaphore_mem>>
        %dma_start3A_89 = arith.constant 0 : i32
        %dma_start3A_90 = tpu.memref_slice %arg10[%mul3A_87, %dma_start3A_89] : memref<10112x64xbf16, #tpu.memory_space<vmem_shared>> -> memref<632x64xbf16, #tpu.memory_space<vmem_shared>>
        %dma_start3A_91 = arith.constant 0 : i32
        %dma_start3A_92 = tpu.memref_slice %arg2[%mul3A_85, %dma_start3A_91] : memref<10112x64xbf16, #tpu.memory_space<hbm>> -> memref<632x64xbf16, #tpu.memory_space<hbm>>
        tpu.enqueue_dma source(%dma_start3A_92 : memref<632x64xbf16, #tpu.memory_space<hbm>>) target(%dma_start3A_90 : memref<632x64xbf16, #tpu.memory_space<vmem_shared>>) target_semaphore(%run_scoped3A_88 : memref<!tpu.dma_semaphore, #tpu.memory_space<semaphore_mem>>)
        %dma_wait3A_93 = arith.constant 0 : i32
        %dma_wait3A_94 = tpu.memref_slice %arg10[%mul3A_87, %dma_wait3A_93] : memref<10112x64xbf16, #tpu.memory_space<vmem_shared>> -> memref<632x64xbf16, #tpu.memory_space<vmem_shared>>
        %dma_wait3A_95 = arith.constant 0 : i32
        %dma_wait3A_96 = tpu.memref_slice %arg2[%mul3A_85, %dma_wait3A_95] : memref<10112x64xbf16, #tpu.memory_space<hbm>> -> memref<632x64xbf16, #tpu.memory_space<hbm>>
        tpu.wait_dma2 semaphore(%run_scoped3A_88 : memref<!tpu.dma_semaphore, #tpu.memory_space<semaphore_mem>>) src(%dma_wait3A_96 : memref<632x64xbf16, #tpu.memory_space<hbm>>) dst(%dma_wait3A_94 : memref<632x64xbf16, #tpu.memory_space<vmem_shared>>)
        tpu.yield
      }) : () -> ()
    } else {
    }
    %ne3A = arith.constant 0 : i32
    %ne3A_7 = arith.cmpi ne, %arg0, %ne3A : i32
    %convert_element_type3A_8 = arith.extui %ne3A_7 : i1 to i32
    %cond3A_9 = arith.constant 0 : i32
    %cond3A_10 = arith.cmpi ne, %convert_element_type3A_8, %cond3A_9 : i32
    scf.if %cond3A_10 {
      %mul3A_84 = arith.constant 632 : i32
      %mul3A_85 = arith.muli %arg1, %mul3A_84 : i32
      %mul3A_86 = arith.constant 632 : i32
      %mul3A_87 = arith.muli %arg1, %mul3A_86 : i32
      "tpu.region"() ({
        %run_scoped3A_88 = tpu.sem_alloc : memref<!tpu.dma_semaphore, #tpu.memory_space<semaphore_mem>>
        %dma_start3A_89 = arith.constant 0 : i32
        %dma_start3A_90 = tpu.memref_slice %arg10[%mul3A_87, %dma_start3A_89] : memref<10112x64xbf16, #tpu.memory_space<vmem_shared>> -> memref<632x64xbf16, #tpu.memory_space<vmem_shared>>
        %dma_start3A_91 = arith.constant 0 : i32
        %dma_start3A_92 = tpu.memref_slice %arg5[%mul3A_85, %dma_start3A_91] : memref<10112x64xbf16, #tpu.memory_space<hbm>> -> memref<632x64xbf16, #tpu.memory_space<hbm>>
        tpu.enqueue_dma source(%dma_start3A_92 : memref<632x64xbf16, #tpu.memory_space<hbm>>) target(%dma_start3A_90 : memref<632x64xbf16, #tpu.memory_space<vmem_shared>>) target_semaphore(%run_scoped3A_88 : memref<!tpu.dma_semaphore, #tpu.memory_space<semaphore_mem>>)
        %dma_wait3A_93 = arith.constant 0 : i32
        %dma_wait3A_94 = tpu.memref_slice %arg10[%mul3A_87, %dma_wait3A_93] : memref<10112x64xbf16, #tpu.memory_space<vmem_shared>> -> memref<632x64xbf16, #tpu.memory_space<vmem_shared>>
        %dma_wait3A_95 = arith.constant 0 : i32
        %dma_wait3A_96 = tpu.memref_slice %arg5[%mul3A_85, %dma_wait3A_95] : memref<10112x64xbf16, #tpu.memory_space<hbm>> -> memref<632x64xbf16, #tpu.memory_space<hbm>>
        tpu.wait_dma2 semaphore(%run_scoped3A_88 : memref<!tpu.dma_semaphore, #tpu.memory_space<semaphore_mem>>) src(%dma_wait3A_96 : memref<632x64xbf16, #tpu.memory_space<hbm>>) dst(%dma_wait3A_94 : memref<632x64xbf16, #tpu.memory_space<vmem_shared>>)
        tpu.yield
      }) : () -> ()
    } else {
    }
    %mul3A_11 = arith.constant 80 : i32
    %mul3A_12 = arith.muli %add3A, %mul3A_11 : i32
    "tpu.region"() ({
      %run_scoped3A_84 = tpu.sem_alloc : memref<!tpu.dma_semaphore, #tpu.memory_space<semaphore_mem>>
      %dma_start3A_85 = arith.constant 0 : i32
      %dma_start3A_86 = tpu.memref_slice %arg3[%mul3A_12, %dma_start3A_85] : memref<2560x128xi32, #tpu.memory_space<hbm>> -> memref<80x128xi32, #tpu.memory_space<hbm>>
      %dma_start3A_87 = arith.constant 0 : i32
      %dma_start3A_88 = tpu.memref_slice %arg3[%mul3A_12, %dma_start3A_87] : memref<2560x128xi32, #tpu.memory_space<hbm>> -> memref<80x128xi32, #tpu.memory_space<hbm>>
      tpu.enqueue_dma source(%dma_start3A_88 : memref<80x128xi32, #tpu.memory_space<hbm>>) target(%arg7 : memref<80x128xi32, #tpu.memory_space<vmem>>) target_semaphore(%run_scoped3A_84 : memref<!tpu.dma_semaphore, #tpu.memory_space<semaphore_mem>>)
      %dma_wait3A_89 = arith.constant 0 : i32
      %dma_wait3A_90 = tpu.memref_slice %arg3[%mul3A_12, %dma_wait3A_89] : memref<2560x128xi32, #tpu.memory_space<hbm>> -> memref<80x128xi32, #tpu.memory_space<hbm>>
      %dma_wait3A_91 = arith.constant 0 : i32
      %dma_wait3A_92 = tpu.memref_slice %arg3[%mul3A_12, %dma_wait3A_91] : memref<2560x128xi32, #tpu.memory_space<hbm>> -> memref<80x128xi32, #tpu.memory_space<hbm>>
      tpu.wait_dma2 semaphore(%run_scoped3A_84 : memref<!tpu.dma_semaphore, #tpu.memory_space<semaphore_mem>>) src(%dma_wait3A_92 : memref<80x128xi32, #tpu.memory_space<hbm>>) dst(%arg7 : memref<80x128xi32, #tpu.memory_space<vmem>>)
      tpu.yield
    }) : () -> ()
    "tpu.region"() ({
      %run_scoped3A_84 = tpu.sem_alloc : memref<!tpu.dma_semaphore, #tpu.memory_space<semaphore_mem>>
      %dma_start3A_85 = arith.constant 0 : i32
      %dma_start3A_86 = tpu.memref_slice %arg4[%mul3A_12, %dma_start3A_85] : memref<2560x128xi32, #tpu.memory_space<hbm>> -> memref<80x128xi32, #tpu.memory_space<hbm>>
      %dma_start3A_87 = arith.constant 0 : i32
      %dma_start3A_88 = tpu.memref_slice %arg4[%mul3A_12, %dma_start3A_87] : memref<2560x128xi32, #tpu.memory_space<hbm>> -> memref<80x128xi32, #tpu.memory_space<hbm>>
      tpu.enqueue_dma source(%dma_start3A_88 : memref<80x128xi32, #tpu.memory_space<hbm>>) target(%arg8 : memref<80x128xi32, #tpu.memory_space<vmem>>) target_semaphore(%run_scoped3A_84 : memref<!tpu.dma_semaphore, #tpu.memory_space<semaphore_mem>>)
      %dma_wait3A_89 = arith.constant 0 : i32
      %dma_wait3A_90 = tpu.memref_slice %arg4[%mul3A_12, %dma_wait3A_89] : memref<2560x128xi32, #tpu.memory_space<hbm>> -> memref<80x128xi32, #tpu.memory_space<hbm>>
      %dma_wait3A_91 = arith.constant 0 : i32
      %dma_wait3A_92 = tpu.memref_slice %arg4[%mul3A_12, %dma_wait3A_91] : memref<2560x128xi32, #tpu.memory_space<hbm>> -> memref<80x128xi32, #tpu.memory_space<hbm>>
      tpu.wait_dma2 semaphore(%run_scoped3A_84 : memref<!tpu.dma_semaphore, #tpu.memory_space<semaphore_mem>>) src(%dma_wait3A_92 : memref<80x128xi32, #tpu.memory_space<hbm>>) dst(%arg8 : memref<80x128xi32, #tpu.memory_space<vmem>>)
      tpu.yield
    }) : () -> ()
    %barrier3A = arith.constant 0 : index
    tpu.barrier barrier_id(%barrier3A)
    %dma_start3A = arith.constant 0 : i32
    %dma_start3A_13 = arith.constant 0 : i32
    %dma_start3A_14 = arith.constant 0 : i32
    "tpu.trace_stop"() : () -> ()
    "tpu.trace_start"() <{level = 10 : i32, message = "sc_edges"}> : () -> ()
    %dma_start3A_15 = arith.constant 0 : i32
    %dma_start3A_16 = arith.constant 0 : i32
    %dma_start3A_17 = tpu.memref_slice %arg9[%dma_start3A_13, %dma_start3A_15, %dma_start3A_16] : memref<2x128x64xbf16, #tpu.memory_space<vmem>> -> memref<1x128x64xbf16, #tpu.memory_space<vmem>>
    %dma_start3A_18 = tpu.memref_squeeze %dma_start3A_17 : memref<1x128x64xbf16, #tpu.memory_space<vmem>> -> memref<128x64xbf16, #tpu.memory_space<vmem>>
    %dma_start3A_19 = arith.constant 0 : i32
    %dma_start3A_20 = tpu.memref_slice %arg8[%dma_start3A, %dma_start3A_19] : memref<80x128xi32, #tpu.memory_space<vmem>> -> memref<1x128xi32, #tpu.memory_space<vmem>>
    %dma_start3A_21 = tpu.memref_squeeze %dma_start3A_20 : memref<1x128xi32, #tpu.memory_space<vmem>> -> memref<128xi32, #tpu.memory_space<vmem>>
    %dma_start3A_22 = arith.constant 0 : i32
    %dma_start3A_23 = arith.constant 0 : i32
    %dma_start3A_24 = tpu.memref_slice %arg11[%dma_start3A_22, %dma_start3A_23] : memref<10112x64xbf16, #tpu.memory_space<vmem_shared>> -> memref<10112x64xbf16, #tpu.memory_space<vmem_shared>>
    %dma_start3A_25 = tpu.memref_slice %arg12[%dma_start3A_14] : memref<2x!tpu.dma_semaphore, #tpu.memory_space<semaphore_mem>> -> memref<1x!tpu.dma_semaphore, #tpu.memory_space<semaphore_mem>>
    %dma_start3A_26 = tpu.memref_squeeze %dma_start3A_25 : memref<1x!tpu.dma_semaphore, #tpu.memory_space<semaphore_mem>> -> memref<!tpu.dma_semaphore, #tpu.memory_space<semaphore_mem>>
    tpu.enqueue_indirect_dma source(%dma_start3A_24 : memref<10112x64xbf16, #tpu.memory_space<vmem_shared>>) target(%dma_start3A_18 : memref<128x64xbf16, #tpu.memory_space<vmem>>) offsets(%dma_start3A_21 : memref<128xi32, #tpu.memory_space<vmem>>) semaphore(%dma_start3A_26 : memref<!tpu.dma_semaphore, #tpu.memory_space<semaphore_mem>>)
    %dma_start3A_27 = arith.constant 1 : i32
    %dma_start3A_28 = arith.constant 1 : i32
    %dma_start3A_29 = arith.constant 1 : i32
    %dma_start3A_30 = arith.constant 0 : i32
    %dma_start3A_31 = arith.constant 0 : i32
    %dma_start3A_32 = tpu.memref_slice %arg9[%dma_start3A_28, %dma_start3A_30, %dma_start3A_31] : memref<2x128x64xbf16, #tpu.memory_space<vmem>> -> memref<1x128x64xbf16, #tpu.memory_space<vmem>>
    %dma_start3A_33 = tpu.memref_squeeze %dma_start3A_32 : memref<1x128x64xbf16, #tpu.memory_space<vmem>> -> memref<128x64xbf16, #tpu.memory_space<vmem>>
    %dma_start3A_34 = arith.constant 0 : i32
    %dma_start3A_35 = tpu.memref_slice %arg8[%dma_start3A_27, %dma_start3A_34] : memref<80x128xi32, #tpu.memory_space<vmem>> -> memref<1x128xi32, #tpu.memory_space<vmem>>
    %dma_start3A_36 = tpu.memref_squeeze %dma_start3A_35 : memref<1x128xi32, #tpu.memory_space<vmem>> -> memref<128xi32, #tpu.memory_space<vmem>>
    %dma_start3A_37 = arith.constant 0 : i32
    %dma_start3A_38 = arith.constant 0 : i32
    %dma_start3A_39 = tpu.memref_slice %arg11[%dma_start3A_37, %dma_start3A_38] : memref<10112x64xbf16, #tpu.memory_space<vmem_shared>> -> memref<10112x64xbf16, #tpu.memory_space<vmem_shared>>
    %dma_start3A_40 = tpu.memref_slice %arg12[%dma_start3A_29] : memref<2x!tpu.dma_semaphore, #tpu.memory_space<semaphore_mem>> -> memref<1x!tpu.dma_semaphore, #tpu.memory_space<semaphore_mem>>
    %dma_start3A_41 = tpu.memref_squeeze %dma_start3A_40 : memref<1x!tpu.dma_semaphore, #tpu.memory_space<semaphore_mem>> -> memref<!tpu.dma_semaphore, #tpu.memory_space<semaphore_mem>>
    tpu.enqueue_indirect_dma source(%dma_start3A_39 : memref<10112x64xbf16, #tpu.memory_space<vmem_shared>>) target(%dma_start3A_33 : memref<128x64xbf16, #tpu.memory_space<vmem>>) offsets(%dma_start3A_36 : memref<128xi32, #tpu.memory_space<vmem>>) semaphore(%dma_start3A_41 : memref<!tpu.dma_semaphore, #tpu.memory_space<semaphore_mem>>)
    %scan3A = arith.constant 0 : i32
    %scan3A_42 = arith.constant 0 : i32
    %scan3A_43 = arith.constant 39 : i32
    %scan3A_44 = arith.addi %scan3A_42, %scan3A_43 : i32
    %scan3A_45 = arith.constant 1 : i32
    scf.for %scan3A_84 = %scan3A_42 to %scan3A_44 step %scan3A_45  : i32 {
      %mul3A_85 = arith.constant 2 : i32
      %mul3A_86 = arith.muli %mul3A_85, %scan3A_84 : i32
      %dma_wait3A_87 = arith.constant 0 : i32
      %dma_wait3A_88 = arith.constant 0 : i32
      %dma_wait3A_89 = arith.constant 0 : i32
      %dma_wait3A_90 = arith.constant 0 : i32
      %dma_wait3A_91 = tpu.memref_slice %arg9[%dma_wait3A_87, %dma_wait3A_89, %dma_wait3A_90] : memref<2x128x64xbf16, #tpu.memory_space<vmem>> -> memref<1x128x64xbf16, #tpu.memory_space<vmem>>
      %dma_wait3A_92 = tpu.memref_squeeze %dma_wait3A_91 : memref<1x128x64xbf16, #tpu.memory_space<vmem>> -> memref<128x64xbf16, #tpu.memory_space<vmem>>
      %dma_wait3A_93 = arith.constant 0 : i32
      %dma_wait3A_94 = tpu.memref_slice %arg8[%mul3A_86, %dma_wait3A_93] : memref<80x128xi32, #tpu.memory_space<vmem>> -> memref<1x128xi32, #tpu.memory_space<vmem>>
      %dma_wait3A_95 = tpu.memref_squeeze %dma_wait3A_94 : memref<1x128xi32, #tpu.memory_space<vmem>> -> memref<128xi32, #tpu.memory_space<vmem>>
      %dma_wait3A_96 = arith.constant 0 : i32
      %dma_wait3A_97 = arith.constant 0 : i32
      %dma_wait3A_98 = tpu.memref_slice %arg11[%dma_wait3A_96, %dma_wait3A_97] : memref<10112x64xbf16, #tpu.memory_space<vmem_shared>> -> memref<10112x64xbf16, #tpu.memory_space<vmem_shared>>
      %dma_wait3A_99 = tpu.memref_slice %arg12[%dma_wait3A_88] : memref<2x!tpu.dma_semaphore, #tpu.memory_space<semaphore_mem>> -> memref<1x!tpu.dma_semaphore, #tpu.memory_space<semaphore_mem>>
      %dma_wait3A_100 = tpu.memref_squeeze %dma_wait3A_99 : memref<1x!tpu.dma_semaphore, #tpu.memory_space<semaphore_mem>> -> memref<!tpu.dma_semaphore, #tpu.memory_space<semaphore_mem>>
      tpu.wait_indirect_dma semaphore(%dma_wait3A_100 : memref<!tpu.dma_semaphore, #tpu.memory_space<semaphore_mem>>) src(%dma_wait3A_98 : memref<10112x64xbf16, #tpu.memory_space<vmem_shared>>) dst(%dma_wait3A_92 : memref<128x64xbf16, #tpu.memory_space<vmem>>)
      %run_scoped3A_101 = arith.constant 0 : i32
      "tpu.region"() ({
        %run_scoped3A_153 = tpu.sem_alloc : memref<!tpu.dma_semaphore, #tpu.memory_space<semaphore_mem>>
        %dma_start3A_154 = arith.constant 0 : i32
        %dma_start3A_155 = arith.constant 0 : i32
        %dma_start3A_156 = tpu.memref_slice %arg9[%run_scoped3A_101, %dma_start3A_154, %dma_start3A_155] : memref<2x128x64xbf16, #tpu.memory_space<vmem>> -> memref<1x128x64xbf16, #tpu.memory_space<vmem>>
        %dma_start3A_157 = tpu.memref_squeeze %dma_start3A_156 : memref<1x128x64xbf16, #tpu.memory_space<vmem>> -> memref<128x64xbf16, #tpu.memory_space<vmem>>
        %dma_start3A_158 = arith.constant 0 : i32
        %dma_start3A_159 = tpu.memref_slice %arg7[%mul3A_86, %dma_start3A_158] : memref<80x128xi32, #tpu.memory_space<vmem>> -> memref<1x128xi32, #tpu.memory_space<vmem>>
        %dma_start3A_160 = tpu.memref_squeeze %dma_start3A_159 : memref<1x128xi32, #tpu.memory_space<vmem>> -> memref<128xi32, #tpu.memory_space<vmem>>
        %dma_start3A_161 = arith.constant 0 : i32
        %dma_start3A_162 = arith.constant 0 : i32
        %dma_start3A_163 = tpu.memref_slice %arg10[%dma_start3A_161, %dma_start3A_162] : memref<10112x64xbf16, #tpu.memory_space<vmem_shared>> -> memref<10112x64xbf16, #tpu.memory_space<vmem_shared>>
        tpu.enqueue_indirect_dma source(%dma_start3A_157 : memref<128x64xbf16, #tpu.memory_space<vmem>>) target(%dma_start3A_163 : memref<10112x64xbf16, #tpu.memory_space<vmem_shared>>) offsets(%dma_start3A_160 : memref<128xi32, #tpu.memory_space<vmem>>) semaphore(%run_scoped3A_153 : memref<!tpu.dma_semaphore, #tpu.memory_space<semaphore_mem>>) {add = true}
        %dma_wait3A_164 = arith.constant 0 : i32
        %dma_wait3A_165 = arith.constant 0 : i32
        %dma_wait3A_166 = tpu.memref_slice %arg9[%run_scoped3A_101, %dma_wait3A_164, %dma_wait3A_165] : memref<2x128x64xbf16, #tpu.memory_space<vmem>> -> memref<1x128x64xbf16, #tpu.memory_space<vmem>>
        %dma_wait3A_167 = tpu.memref_squeeze %dma_wait3A_166 : memref<1x128x64xbf16, #tpu.memory_space<vmem>> -> memref<128x64xbf16, #tpu.memory_space<vmem>>
        %dma_wait3A_168 = arith.constant 0 : i32
        %dma_wait3A_169 = tpu.memref_slice %arg7[%mul3A_86, %dma_wait3A_168] : memref<80x128xi32, #tpu.memory_space<vmem>> -> memref<1x128xi32, #tpu.memory_space<vmem>>
        %dma_wait3A_170 = tpu.memref_squeeze %dma_wait3A_169 : memref<1x128xi32, #tpu.memory_space<vmem>> -> memref<128xi32, #tpu.memory_space<vmem>>
        %dma_wait3A_171 = arith.constant 0 : i32
        %dma_wait3A_172 = arith.constant 0 : i32
        %dma_wait3A_173 = tpu.memref_slice %arg10[%dma_wait3A_171, %dma_wait3A_172] : memref<10112x64xbf16, #tpu.memory_space<vmem_shared>> -> memref<10112x64xbf16, #tpu.memory_space<vmem_shared>>
        tpu.wait_indirect_dma semaphore(%run_scoped3A_153 : memref<!tpu.dma_semaphore, #tpu.memory_space<semaphore_mem>>) src(%dma_wait3A_167 : memref<128x64xbf16, #tpu.memory_space<vmem>>) dst(%dma_wait3A_173 : memref<10112x64xbf16, #tpu.memory_space<vmem_shared>>)
        tpu.yield
      }) : () -> ()
      %add3A_102 = arith.constant 2 : i32
      %add3A_103 = arith.addi %mul3A_86, %add3A_102 : i32
      %dma_start3A_104 = arith.constant 0 : i32
      %dma_start3A_105 = arith.constant 0 : i32
      %dma_start3A_106 = arith.constant 0 : i32
      %dma_start3A_107 = arith.constant 0 : i32
      %dma_start3A_108 = tpu.memref_slice %arg9[%dma_start3A_104, %dma_start3A_106, %dma_start3A_107] : memref<2x128x64xbf16, #tpu.memory_space<vmem>> -> memref<1x128x64xbf16, #tpu.memory_space<vmem>>
      %dma_start3A_109 = tpu.memref_squeeze %dma_start3A_108 : memref<1x128x64xbf16, #tpu.memory_space<vmem>> -> memref<128x64xbf16, #tpu.memory_space<vmem>>
      %dma_start3A_110 = arith.constant 0 : i32
      %dma_start3A_111 = tpu.memref_slice %arg8[%add3A_103, %dma_start3A_110] : memref<80x128xi32, #tpu.memory_space<vmem>> -> memref<1x128xi32, #tpu.memory_space<vmem>>
      %dma_start3A_112 = tpu.memref_squeeze %dma_start3A_111 : memref<1x128xi32, #tpu.memory_space<vmem>> -> memref<128xi32, #tpu.memory_space<vmem>>
      %dma_start3A_113 = arith.constant 0 : i32
      %dma_start3A_114 = arith.constant 0 : i32
      %dma_start3A_115 = tpu.memref_slice %arg11[%dma_start3A_113, %dma_start3A_114] : memref<10112x64xbf16, #tpu.memory_space<vmem_shared>> -> memref<10112x64xbf16, #tpu.memory_space<vmem_shared>>
      %dma_start3A_116 = tpu.memref_slice %arg12[%dma_start3A_105] : memref<2x!tpu.dma_semaphore, #tpu.memory_space<semaphore_mem>> -> memref<1x!tpu.dma_semaphore, #tpu.memory_space<semaphore_mem>>
      %dma_start3A_117 = tpu.memref_squeeze %dma_start3A_116 : memref<1x!tpu.dma_semaphore, #tpu.memory_space<semaphore_mem>> -> memref<!tpu.dma_semaphore, #tpu.memory_space<semaphore_mem>>
      tpu.enqueue_indirect_dma source(%dma_start3A_115 : memref<10112x64xbf16, #tpu.memory_space<vmem_shared>>) target(%dma_start3A_109 : memref<128x64xbf16, #tpu.memory_space<vmem>>) offsets(%dma_start3A_112 : memref<128xi32, #tpu.memory_space<vmem>>) semaphore(%dma_start3A_117 : memref<!tpu.dma_semaphore, #tpu.memory_space<semaphore_mem>>)
      %add3A_118 = arith.constant 1 : i32
      %add3A_119 = arith.addi %mul3A_86, %add3A_118 : i32
      %dma_wait3A_120 = arith.constant 1 : i32
      %dma_wait3A_121 = arith.constant 1 : i32
      %dma_wait3A_122 = arith.constant 0 : i32
      %dma_wait3A_123 = arith.constant 0 : i32
      %dma_wait3A_124 = tpu.memref_slice %arg9[%dma_wait3A_120, %dma_wait3A_122, %dma_wait3A_123] : memref<2x128x64xbf16, #tpu.memory_space<vmem>> -> memref<1x128x64xbf16, #tpu.memory_space<vmem>>
      %dma_wait3A_125 = tpu.memref_squeeze %dma_wait3A_124 : memref<1x128x64xbf16, #tpu.memory_space<vmem>> -> memref<128x64xbf16, #tpu.memory_space<vmem>>
      %dma_wait3A_126 = arith.constant 0 : i32
      %dma_wait3A_127 = tpu.memref_slice %arg8[%add3A_119, %dma_wait3A_126] : memref<80x128xi32, #tpu.memory_space<vmem>> -> memref<1x128xi32, #tpu.memory_space<vmem>>
      %dma_wait3A_128 = tpu.memref_squeeze %dma_wait3A_127 : memref<1x128xi32, #tpu.memory_space<vmem>> -> memref<128xi32, #tpu.memory_space<vmem>>
      %dma_wait3A_129 = arith.constant 0 : i32
      %dma_wait3A_130 = arith.constant 0 : i32
      %dma_wait3A_131 = tpu.memref_slice %arg11[%dma_wait3A_129, %dma_wait3A_130] : memref<10112x64xbf16, #tpu.memory_space<vmem_shared>> -> memref<10112x64xbf16, #tpu.memory_space<vmem_shared>>
      %dma_wait3A_132 = tpu.memref_slice %arg12[%dma_wait3A_121] : memref<2x!tpu.dma_semaphore, #tpu.memory_space<semaphore_mem>> -> memref<1x!tpu.dma_semaphore, #tpu.memory_space<semaphore_mem>>
      %dma_wait3A_133 = tpu.memref_squeeze %dma_wait3A_132 : memref<1x!tpu.dma_semaphore, #tpu.memory_space<semaphore_mem>> -> memref<!tpu.dma_semaphore, #tpu.memory_space<semaphore_mem>>
      tpu.wait_indirect_dma semaphore(%dma_wait3A_133 : memref<!tpu.dma_semaphore, #tpu.memory_space<semaphore_mem>>) src(%dma_wait3A_131 : memref<10112x64xbf16, #tpu.memory_space<vmem_shared>>) dst(%dma_wait3A_125 : memref<128x64xbf16, #tpu.memory_space<vmem>>)
      %add3A_134 = arith.constant 1 : i32
      %add3A_135 = arith.addi %mul3A_86, %add3A_134 : i32
      %run_scoped3A_136 = arith.constant 1 : i32
      "tpu.region"() ({
        %run_scoped3A_153 = tpu.sem_alloc : memref<!tpu.dma_semaphore, #tpu.memory_space<semaphore_mem>>
        %dma_start3A_154 = arith.constant 0 : i32
        %dma_start3A_155 = arith.constant 0 : i32
        %dma_start3A_156 = tpu.memref_slice %arg9[%run_scoped3A_136, %dma_start3A_154, %dma_start3A_155] : memref<2x128x64xbf16, #tpu.memory_space<vmem>> -> memref<1x128x64xbf16, #tpu.memory_space<vmem>>
        %dma_start3A_157 = tpu.memref_squeeze %dma_start3A_156 : memref<1x128x64xbf16, #tpu.memory_space<vmem>> -> memref<128x64xbf16, #tpu.memory_space<vmem>>
        %dma_start3A_158 = arith.constant 0 : i32
        %dma_start3A_159 = tpu.memref_slice %arg7[%add3A_135, %dma_start3A_158] : memref<80x128xi32, #tpu.memory_space<vmem>> -> memref<1x128xi32, #tpu.memory_space<vmem>>
        %dma_start3A_160 = tpu.memref_squeeze %dma_start3A_159 : memref<1x128xi32, #tpu.memory_space<vmem>> -> memref<128xi32, #tpu.memory_space<vmem>>
        %dma_start3A_161 = arith.constant 0 : i32
        %dma_start3A_162 = arith.constant 0 : i32
        %dma_start3A_163 = tpu.memref_slice %arg10[%dma_start3A_161, %dma_start3A_162] : memref<10112x64xbf16, #tpu.memory_space<vmem_shared>> -> memref<10112x64xbf16, #tpu.memory_space<vmem_shared>>
        tpu.enqueue_indirect_dma source(%dma_start3A_157 : memref<128x64xbf16, #tpu.memory_space<vmem>>) target(%dma_start3A_163 : memref<10112x64xbf16, #tpu.memory_space<vmem_shared>>) offsets(%dma_start3A_160 : memref<128xi32, #tpu.memory_space<vmem>>) semaphore(%run_scoped3A_153 : memref<!tpu.dma_semaphore, #tpu.memory_space<semaphore_mem>>) {add = true}
        %dma_wait3A_164 = arith.constant 0 : i32
        %dma_wait3A_165 = arith.constant 0 : i32
        %dma_wait3A_166 = tpu.memref_slice %arg9[%run_scoped3A_136, %dma_wait3A_164, %dma_wait3A_165] : memref<2x128x64xbf16, #tpu.memory_space<vmem>> -> memref<1x128x64xbf16, #tpu.memory_space<vmem>>
        %dma_wait3A_167 = tpu.memref_squeeze %dma_wait3A_166 : memref<1x128x64xbf16, #tpu.memory_space<vmem>> -> memref<128x64xbf16, #tpu.memory_space<vmem>>
        %dma_wait3A_168 = arith.constant 0 : i32
        %dma_wait3A_169 = tpu.memref_slice %arg7[%add3A_135, %dma_wait3A_168] : memref<80x128xi32, #tpu.memory_space<vmem>> -> memref<1x128xi32, #tpu.memory_space<vmem>>
        %dma_wait3A_170 = tpu.memref_squeeze %dma_wait3A_169 : memref<1x128xi32, #tpu.memory_space<vmem>> -> memref<128xi32, #tpu.memory_space<vmem>>
        %dma_wait3A_171 = arith.constant 0 : i32
        %dma_wait3A_172 = arith.constant 0 : i32
        %dma_wait3A_173 = tpu.memref_slice %arg10[%dma_wait3A_171, %dma_wait3A_172] : memref<10112x64xbf16, #tpu.memory_space<vmem_shared>> -> memref<10112x64xbf16, #tpu.memory_space<vmem_shared>>
        tpu.wait_indirect_dma semaphore(%run_scoped3A_153 : memref<!tpu.dma_semaphore, #tpu.memory_space<semaphore_mem>>) src(%dma_wait3A_167 : memref<128x64xbf16, #tpu.memory_space<vmem>>) dst(%dma_wait3A_173 : memref<10112x64xbf16, #tpu.memory_space<vmem_shared>>)
        tpu.yield
      }) : () -> ()
      %add3A_137 = arith.constant 3 : i32
      %add3A_138 = arith.addi %mul3A_86, %add3A_137 : i32
      %dma_start3A_139 = arith.constant 1 : i32
      %dma_start3A_140 = arith.constant 1 : i32
      %dma_start3A_141 = arith.constant 0 : i32
      %dma_start3A_142 = arith.constant 0 : i32
      %dma_start3A_143 = tpu.memref_slice %arg9[%dma_start3A_139, %dma_start3A_141, %dma_start3A_142] : memref<2x128x64xbf16, #tpu.memory_space<vmem>> -> memref<1x128x64xbf16, #tpu.memory_space<vmem>>
      %dma_start3A_144 = tpu.memref_squeeze %dma_start3A_143 : memref<1x128x64xbf16, #tpu.memory_space<vmem>> -> memref<128x64xbf16, #tpu.memory_space<vmem>>
      %dma_start3A_145 = arith.constant 0 : i32
      %dma_start3A_146 = tpu.memref_slice %arg8[%add3A_138, %dma_start3A_145] : memref<80x128xi32, #tpu.memory_space<vmem>> -> memref<1x128xi32, #tpu.memory_space<vmem>>
      %dma_start3A_147 = tpu.memref_squeeze %dma_start3A_146 : memref<1x128xi32, #tpu.memory_space<vmem>> -> memref<128xi32, #tpu.memory_space<vmem>>
      %dma_start3A_148 = arith.constant 0 : i32
      %dma_start3A_149 = arith.constant 0 : i32
      %dma_start3A_150 = tpu.memref_slice %arg11[%dma_start3A_148, %dma_start3A_149] : memref<10112x64xbf16, #tpu.memory_space<vmem_shared>> -> memref<10112x64xbf16, #tpu.memory_space<vmem_shared>>
      %dma_start3A_151 = tpu.memref_slice %arg12[%dma_start3A_140] : memref<2x!tpu.dma_semaphore, #tpu.memory_space<semaphore_mem>> -> memref<1x!tpu.dma_semaphore, #tpu.memory_space<semaphore_mem>>
      %dma_start3A_152 = tpu.memref_squeeze %dma_start3A_151 : memref<1x!tpu.dma_semaphore, #tpu.memory_space<semaphore_mem>> -> memref<!tpu.dma_semaphore, #tpu.memory_space<semaphore_mem>>
      tpu.enqueue_indirect_dma source(%dma_start3A_150 : memref<10112x64xbf16, #tpu.memory_space<vmem_shared>>) target(%dma_start3A_144 : memref<128x64xbf16, #tpu.memory_space<vmem>>) offsets(%dma_start3A_147 : memref<128xi32, #tpu.memory_space<vmem>>) semaphore(%dma_start3A_152 : memref<!tpu.dma_semaphore, #tpu.memory_space<semaphore_mem>>)
    }
    %scan3A_46 = arith.constant 39 : i32
    %dma_wait3A = arith.constant 78 : i32
    %dma_wait3A_47 = arith.constant 0 : i32
    %dma_wait3A_48 = arith.constant 0 : i32
    %dma_wait3A_49 = arith.constant 0 : i32
    %dma_wait3A_50 = arith.constant 0 : i32
    %dma_wait3A_51 = tpu.memref_slice %arg9[%dma_wait3A_47, %dma_wait3A_49, %dma_wait3A_50] : memref<2x128x64xbf16, #tpu.memory_space<vmem>> -> memref<1x128x64xbf16, #tpu.memory_space<vmem>>
    %dma_wait3A_52 = tpu.memref_squeeze %dma_wait3A_51 : memref<1x128x64xbf16, #tpu.memory_space<vmem>> -> memref<128x64xbf16, #tpu.memory_space<vmem>>
    %dma_wait3A_53 = arith.constant 0 : i32
    %dma_wait3A_54 = tpu.memref_slice %arg8[%dma_wait3A, %dma_wait3A_53] : memref<80x128xi32, #tpu.memory_space<vmem>> -> memref<1x128xi32, #tpu.memory_space<vmem>>
    %dma_wait3A_55 = tpu.memref_squeeze %dma_wait3A_54 : memref<1x128xi32, #tpu.memory_space<vmem>> -> memref<128xi32, #tpu.memory_space<vmem>>
    %dma_wait3A_56 = arith.constant 0 : i32
    %dma_wait3A_57 = arith.constant 0 : i32
    %dma_wait3A_58 = tpu.memref_slice %arg11[%dma_wait3A_56, %dma_wait3A_57] : memref<10112x64xbf16, #tpu.memory_space<vmem_shared>> -> memref<10112x64xbf16, #tpu.memory_space<vmem_shared>>
    %dma_wait3A_59 = tpu.memref_slice %arg12[%dma_wait3A_48] : memref<2x!tpu.dma_semaphore, #tpu.memory_space<semaphore_mem>> -> memref<1x!tpu.dma_semaphore, #tpu.memory_space<semaphore_mem>>
    %dma_wait3A_60 = tpu.memref_squeeze %dma_wait3A_59 : memref<1x!tpu.dma_semaphore, #tpu.memory_space<semaphore_mem>> -> memref<!tpu.dma_semaphore, #tpu.memory_space<semaphore_mem>>
    tpu.wait_indirect_dma semaphore(%dma_wait3A_60 : memref<!tpu.dma_semaphore, #tpu.memory_space<semaphore_mem>>) src(%dma_wait3A_58 : memref<10112x64xbf16, #tpu.memory_space<vmem_shared>>) dst(%dma_wait3A_52 : memref<128x64xbf16, #tpu.memory_space<vmem>>)
    %run_scoped3A = arith.constant 0 : i32
    %run_scoped3A_61 = arith.constant 78 : i32
    "tpu.region"() ({
      %run_scoped3A_84 = tpu.sem_alloc : memref<!tpu.dma_semaphore, #tpu.memory_space<semaphore_mem>>
      %dma_start3A_85 = arith.constant 0 : i32
      %dma_start3A_86 = arith.constant 0 : i32
      %dma_start3A_87 = tpu.memref_slice %arg9[%run_scoped3A, %dma_start3A_85, %dma_start3A_86] : memref<2x128x64xbf16, #tpu.memory_space<vmem>> -> memref<1x128x64xbf16, #tpu.memory_space<vmem>>
      %dma_start3A_88 = tpu.memref_squeeze %dma_start3A_87 : memref<1x128x64xbf16, #tpu.memory_space<vmem>> -> memref<128x64xbf16, #tpu.memory_space<vmem>>
      %dma_start3A_89 = arith.constant 0 : i32
      %dma_start3A_90 = tpu.memref_slice %arg7[%run_scoped3A_61, %dma_start3A_89] : memref<80x128xi32, #tpu.memory_space<vmem>> -> memref<1x128xi32, #tpu.memory_space<vmem>>
      %dma_start3A_91 = tpu.memref_squeeze %dma_start3A_90 : memref<1x128xi32, #tpu.memory_space<vmem>> -> memref<128xi32, #tpu.memory_space<vmem>>
      %dma_start3A_92 = arith.constant 0 : i32
      %dma_start3A_93 = arith.constant 0 : i32
      %dma_start3A_94 = tpu.memref_slice %arg10[%dma_start3A_92, %dma_start3A_93] : memref<10112x64xbf16, #tpu.memory_space<vmem_shared>> -> memref<10112x64xbf16, #tpu.memory_space<vmem_shared>>
      tpu.enqueue_indirect_dma source(%dma_start3A_88 : memref<128x64xbf16, #tpu.memory_space<vmem>>) target(%dma_start3A_94 : memref<10112x64xbf16, #tpu.memory_space<vmem_shared>>) offsets(%dma_start3A_91 : memref<128xi32, #tpu.memory_space<vmem>>) semaphore(%run_scoped3A_84 : memref<!tpu.dma_semaphore, #tpu.memory_space<semaphore_mem>>) {add = true}
      %dma_wait3A_95 = arith.constant 0 : i32
      %dma_wait3A_96 = arith.constant 0 : i32
      %dma_wait3A_97 = tpu.memref_slice %arg9[%run_scoped3A, %dma_wait3A_95, %dma_wait3A_96] : memref<2x128x64xbf16, #tpu.memory_space<vmem>> -> memref<1x128x64xbf16, #tpu.memory_space<vmem>>
      %dma_wait3A_98 = tpu.memref_squeeze %dma_wait3A_97 : memref<1x128x64xbf16, #tpu.memory_space<vmem>> -> memref<128x64xbf16, #tpu.memory_space<vmem>>
      %dma_wait3A_99 = arith.constant 0 : i32
      %dma_wait3A_100 = tpu.memref_slice %arg7[%run_scoped3A_61, %dma_wait3A_99] : memref<80x128xi32, #tpu.memory_space<vmem>> -> memref<1x128xi32, #tpu.memory_space<vmem>>
      %dma_wait3A_101 = tpu.memref_squeeze %dma_wait3A_100 : memref<1x128xi32, #tpu.memory_space<vmem>> -> memref<128xi32, #tpu.memory_space<vmem>>
      %dma_wait3A_102 = arith.constant 0 : i32
      %dma_wait3A_103 = arith.constant 0 : i32
      %dma_wait3A_104 = tpu.memref_slice %arg10[%dma_wait3A_102, %dma_wait3A_103] : memref<10112x64xbf16, #tpu.memory_space<vmem_shared>> -> memref<10112x64xbf16, #tpu.memory_space<vmem_shared>>
      tpu.wait_indirect_dma semaphore(%run_scoped3A_84 : memref<!tpu.dma_semaphore, #tpu.memory_space<semaphore_mem>>) src(%dma_wait3A_98 : memref<128x64xbf16, #tpu.memory_space<vmem>>) dst(%dma_wait3A_104 : memref<10112x64xbf16, #tpu.memory_space<vmem_shared>>)
      tpu.yield
    }) : () -> ()
    %dma_wait3A_62 = arith.constant 79 : i32
    %dma_wait3A_63 = arith.constant 1 : i32
    %dma_wait3A_64 = arith.constant 1 : i32
    %dma_wait3A_65 = arith.constant 0 : i32
    %dma_wait3A_66 = arith.constant 0 : i32
    %dma_wait3A_67 = tpu.memref_slice %arg9[%dma_wait3A_63, %dma_wait3A_65, %dma_wait3A_66] : memref<2x128x64xbf16, #tpu.memory_space<vmem>> -> memref<1x128x64xbf16, #tpu.memory_space<vmem>>
    %dma_wait3A_68 = tpu.memref_squeeze %dma_wait3A_67 : memref<1x128x64xbf16, #tpu.memory_space<vmem>> -> memref<128x64xbf16, #tpu.memory_space<vmem>>
    %dma_wait3A_69 = arith.constant 0 : i32
    %dma_wait3A_70 = tpu.memref_slice %arg8[%dma_wait3A_62, %dma_wait3A_69] : memref<80x128xi32, #tpu.memory_space<vmem>> -> memref<1x128xi32, #tpu.memory_space<vmem>>
    %dma_wait3A_71 = tpu.memref_squeeze %dma_wait3A_70 : memref<1x128xi32, #tpu.memory_space<vmem>> -> memref<128xi32, #tpu.memory_space<vmem>>
    %dma_wait3A_72 = arith.constant 0 : i32
    %dma_wait3A_73 = arith.constant 0 : i32
    %dma_wait3A_74 = tpu.memref_slice %arg11[%dma_wait3A_72, %dma_wait3A_73] : memref<10112x64xbf16, #tpu.memory_space<vmem_shared>> -> memref<10112x64xbf16, #tpu.memory_space<vmem_shared>>
    %dma_wait3A_75 = tpu.memref_slice %arg12[%dma_wait3A_64] : memref<2x!tpu.dma_semaphore, #tpu.memory_space<semaphore_mem>> -> memref<1x!tpu.dma_semaphore, #tpu.memory_space<semaphore_mem>>
    %dma_wait3A_76 = tpu.memref_squeeze %dma_wait3A_75 : memref<1x!tpu.dma_semaphore, #tpu.memory_space<semaphore_mem>> -> memref<!tpu.dma_semaphore, #tpu.memory_space<semaphore_mem>>
    tpu.wait_indirect_dma semaphore(%dma_wait3A_76 : memref<!tpu.dma_semaphore, #tpu.memory_space<semaphore_mem>>) src(%dma_wait3A_74 : memref<10112x64xbf16, #tpu.memory_space<vmem_shared>>) dst(%dma_wait3A_68 : memref<128x64xbf16, #tpu.memory_space<vmem>>)
    %run_scoped3A_77 = arith.constant 1 : i32
    %run_scoped3A_78 = arith.constant 79 : i32
    "tpu.region"() ({
      %run_scoped3A_84 = tpu.sem_alloc : memref<!tpu.dma_semaphore, #tpu.memory_space<semaphore_mem>>
      %dma_start3A_85 = arith.constant 0 : i32
      %dma_start3A_86 = arith.constant 0 : i32
      %dma_start3A_87 = tpu.memref_slice %arg9[%run_scoped3A_77, %dma_start3A_85, %dma_start3A_86] : memref<2x128x64xbf16, #tpu.memory_space<vmem>> -> memref<1x128x64xbf16, #tpu.memory_space<vmem>>
      %dma_start3A_88 = tpu.memref_squeeze %dma_start3A_87 : memref<1x128x64xbf16, #tpu.memory_space<vmem>> -> memref<128x64xbf16, #tpu.memory_space<vmem>>
      %dma_start3A_89 = arith.constant 0 : i32
      %dma_start3A_90 = tpu.memref_slice %arg7[%run_scoped3A_78, %dma_start3A_89] : memref<80x128xi32, #tpu.memory_space<vmem>> -> memref<1x128xi32, #tpu.memory_space<vmem>>
      %dma_start3A_91 = tpu.memref_squeeze %dma_start3A_90 : memref<1x128xi32, #tpu.memory_space<vmem>> -> memref<128xi32, #tpu.memory_space<vmem>>
      %dma_start3A_92 = arith.constant 0 : i32
      %dma_start3A_93 = arith.constant 0 : i32
      %dma_start3A_94 = tpu.memref_slice %arg10[%dma_start3A_92, %dma_start3A_93] : memref<10112x64xbf16, #tpu.memory_space<vmem_shared>> -> memref<10112x64xbf16, #tpu.memory_space<vmem_shared>>
      tpu.enqueue_indirect_dma source(%dma_start3A_88 : memref<128x64xbf16, #tpu.memory_space<vmem>>) target(%dma_start3A_94 : memref<10112x64xbf16, #tpu.memory_space<vmem_shared>>) offsets(%dma_start3A_91 : memref<128xi32, #tpu.memory_space<vmem>>) semaphore(%run_scoped3A_84 : memref<!tpu.dma_semaphore, #tpu.memory_space<semaphore_mem>>) {add = true}
      %dma_wait3A_95 = arith.constant 0 : i32
      %dma_wait3A_96 = arith.constant 0 : i32
      %dma_wait3A_97 = tpu.memref_slice %arg9[%run_scoped3A_77, %dma_wait3A_95, %dma_wait3A_96] : memref<2x128x64xbf16, #tpu.memory_space<vmem>> -> memref<1x128x64xbf16, #tpu.memory_space<vmem>>
      %dma_wait3A_98 = tpu.memref_squeeze %dma_wait3A_97 : memref<1x128x64xbf16, #tpu.memory_space<vmem>> -> memref<128x64xbf16, #tpu.memory_space<vmem>>
      %dma_wait3A_99 = arith.constant 0 : i32
      %dma_wait3A_100 = tpu.memref_slice %arg7[%run_scoped3A_78, %dma_wait3A_99] : memref<80x128xi32, #tpu.memory_space<vmem>> -> memref<1x128xi32, #tpu.memory_space<vmem>>
      %dma_wait3A_101 = tpu.memref_squeeze %dma_wait3A_100 : memref<1x128xi32, #tpu.memory_space<vmem>> -> memref<128xi32, #tpu.memory_space<vmem>>
      %dma_wait3A_102 = arith.constant 0 : i32
      %dma_wait3A_103 = arith.constant 0 : i32
      %dma_wait3A_104 = tpu.memref_slice %arg10[%dma_wait3A_102, %dma_wait3A_103] : memref<10112x64xbf16, #tpu.memory_space<vmem_shared>> -> memref<10112x64xbf16, #tpu.memory_space<vmem_shared>>
      tpu.wait_indirect_dma semaphore(%run_scoped3A_84 : memref<!tpu.dma_semaphore, #tpu.memory_space<semaphore_mem>>) src(%dma_wait3A_98 : memref<128x64xbf16, #tpu.memory_space<vmem>>) dst(%dma_wait3A_104 : memref<10112x64xbf16, #tpu.memory_space<vmem_shared>>)
      tpu.yield
    }) : () -> ()
    %barrier3A_79 = arith.constant 0 : index
    tpu.barrier barrier_id(%barrier3A_79)
    "tpu.trace_stop"() : () -> ()
    "tpu.trace_start"() <{level = 10 : i32, message = "sc_out"}> : () -> ()
    %mul3A_80 = arith.constant 632 : i32
    %mul3A_81 = arith.muli %arg1, %mul3A_80 : i32
    %mul3A_82 = arith.constant 632 : i32
    %mul3A_83 = arith.muli %arg1, %mul3A_82 : i32
    "tpu.region"() ({
      %run_scoped3A_84 = tpu.sem_alloc : memref<!tpu.dma_semaphore, #tpu.memory_space<semaphore_mem>>
      %dma_start3A_85 = arith.constant 0 : i32
      %dma_start3A_86 = tpu.memref_slice %arg6[%arg0, %mul3A_83, %dma_start3A_85] : memref<2x10112x64xbf16, #tpu.memory_space<hbm>> -> memref<1x632x64xbf16, #tpu.memory_space<hbm>>
      %dma_start3A_87 = tpu.memref_squeeze %dma_start3A_86 : memref<1x632x64xbf16, #tpu.memory_space<hbm>> -> memref<632x64xbf16, #tpu.memory_space<hbm>>
      %dma_start3A_88 = arith.constant 0 : i32
      %dma_start3A_89 = tpu.memref_slice %arg10[%mul3A_81, %dma_start3A_88] : memref<10112x64xbf16, #tpu.memory_space<vmem_shared>> -> memref<632x64xbf16, #tpu.memory_space<vmem_shared>>
      tpu.enqueue_dma source(%dma_start3A_89 : memref<632x64xbf16, #tpu.memory_space<vmem_shared>>) target(%dma_start3A_87 : memref<632x64xbf16, #tpu.memory_space<hbm>>) target_semaphore(%run_scoped3A_84 : memref<!tpu.dma_semaphore, #tpu.memory_space<semaphore_mem>>)
      %dma_wait3A_90 = arith.constant 0 : i32
      %dma_wait3A_91 = tpu.memref_slice %arg6[%arg0, %mul3A_83, %dma_wait3A_90] : memref<2x10112x64xbf16, #tpu.memory_space<hbm>> -> memref<1x632x64xbf16, #tpu.memory_space<hbm>>
      %dma_wait3A_92 = tpu.memref_squeeze %dma_wait3A_91 : memref<1x632x64xbf16, #tpu.memory_space<hbm>> -> memref<632x64xbf16, #tpu.memory_space<hbm>>
      %dma_wait3A_93 = arith.constant 0 : i32
      %dma_wait3A_94 = tpu.memref_slice %arg10[%mul3A_81, %dma_wait3A_93] : memref<10112x64xbf16, #tpu.memory_space<vmem_shared>> -> memref<632x64xbf16, #tpu.memory_space<vmem_shared>>
      tpu.wait_dma2 semaphore(%run_scoped3A_84 : memref<!tpu.dma_semaphore, #tpu.memory_space<semaphore_mem>>) src(%dma_wait3A_94 : memref<632x64xbf16, #tpu.memory_space<vmem_shared>>) dst(%dma_wait3A_92 : memref<632x64xbf16, #tpu.memory_space<hbm>>)
      tpu.yield
    }) : () -> ()
    "tpu.trace_stop"() : () -> ()
    return
  }
}

#map = affine_map<(d0, d1) -> (0, 0)>
#map1 = affine_map<(d0, d1) -> (0, 0, 0)>
module attributes {stable_mosaic.version = 14 : i64} {
  func.func @_sc_scatter_body(%arg0: i32, %arg1: i32, %arg2: memref<10112x64xbf16, #tpu.memory_space<hbm>>, %arg3: memref<2560x128xi32, #tpu.memory_space<hbm>>, %arg4: memref<2560x128xi32, #tpu.memory_space<hbm>>, %arg5: memref<10112x64xbf16, #tpu.memory_space<hbm>>, %arg6: memref<2x10112x64xbf16, #tpu.memory_space<hbm>>, %arg7: memref<80x128xi32, #tpu.memory_space<vmem>>, %arg8: memref<80x128xi32, #tpu.memory_space<vmem>>, %arg9: memref<2x128x64xbf16, #tpu.memory_space<vmem>>, %arg10: memref<10112x64xbf16, #tpu.memory_space<vmem_shared>>, %arg11: memref<10112x64xbf16, #tpu.memory_space<vmem_shared>>, %arg12: memref<2x!tpu.dma_semaphore, #tpu.memory_space<semaphore_mem>>, %arg13: memref<2x!tpu.dma_semaphore, #tpu.memory_space<semaphore_mem>>) attributes {dimension_semantics = [#tpu.dimension_semantics<core_parallel>, #tpu.dimension_semantics<subcore_parallel>], iteration_bounds = array<i64: 2, 16>, scalar_prefetch = 0 : i64, scratch_operands = 7 : i64, tpu.core_type = #tpu.core_type<sc_vector_subcore>, window_params = [{transform_indices = #map}, {transform_indices = #map}, {transform_indices = #map}, {transform_indices = #map}, {transform_indices = #map1}]} {
    %mul3A = arith.constant 16 : i32
    %mul3A_0 = arith.muli %arg0, %mul3A : i32
    %add3A = arith.addi %mul3A_0, %arg1 : i32
    "tpu.trace_start"() <{level = 10 : i32, message = "sc_init"}> : () -> ()
    %mul3A_1 = arith.constant 632 : i32
    %mul3A_2 = arith.muli %arg1, %mul3A_1 : i32
    %mul3A_3 = arith.constant 632 : i32
    %mul3A_4 = arith.muli %arg1, %mul3A_3 : i32
    "tpu.region"() ({
      %run_scoped3A_84 = tpu.sem_alloc : memref<!tpu.dma_semaphore, #tpu.memory_space<semaphore_mem>>
      %dma_start3A_85 = arith.constant 0 : i32
      %dma_start3A_86 = tpu.memref_slice %arg11[%mul3A_4, %dma_start3A_85] : memref<10112x64xbf16, #tpu.memory_space<vmem_shared>> -> memref<632x64xbf16, #tpu.memory_space<vmem_shared>>
      %dma_start3A_87 = arith.constant 0 : i32
      %dma_start3A_88 = tpu.memref_slice %arg2[%mul3A_2, %dma_start3A_87] : memref<10112x64xbf16, #tpu.memory_space<hbm>> -> memref<632x64xbf16, #tpu.memory_space<hbm>>
      tpu.enqueue_dma source(%dma_start3A_88 : memref<632x64xbf16, #tpu.memory_space<hbm>>) target(%dma_start3A_86 : memref<632x64xbf16, #tpu.memory_space<vmem_shared>>) target_semaphore(%run_scoped3A_84 : memref<!tpu.dma_semaphore, #tpu.memory_space<semaphore_mem>>)
      %dma_wait3A_89 = arith.constant 0 : i32
      %dma_wait3A_90 = tpu.memref_slice %arg11[%mul3A_4, %dma_wait3A_89] : memref<10112x64xbf16, #tpu.memory_space<vmem_shared>> -> memref<632x64xbf16, #tpu.memory_space<vmem_shared>>
      %dma_wait3A_91 = arith.constant 0 : i32
      %dma_wait3A_92 = tpu.memref_slice %arg2[%mul3A_2, %dma_wait3A_91] : memref<10112x64xbf16, #tpu.memory_space<hbm>> -> memref<632x64xbf16, #tpu.memory_space<hbm>>
      tpu.wait_dma2 semaphore(%run_scoped3A_84 : memref<!tpu.dma_semaphore, #tpu.memory_space<semaphore_mem>>) src(%dma_wait3A_92 : memref<632x64xbf16, #tpu.memory_space<hbm>>) dst(%dma_wait3A_90 : memref<632x64xbf16, #tpu.memory_space<vmem_shared>>)
      tpu.yield
    }) : () -> ()
    %eq3A = arith.constant 0 : i32
    %eq3A_5 = arith.cmpi eq, %arg0, %eq3A : i32
    %convert_element_type3A = arith.extui %eq3A_5 : i1 to i32
    %cond3A = arith.constant 0 : i32
    %cond3A_6 = arith.cmpi ne, %convert_element_type3A, %cond3A : i32
    scf.if %cond3A_6 {
      %mul3A_84 = arith.constant 632 : i32
      %mul3A_85 = arith.muli %arg1, %mul3A_84 : i32
      %mul3A_86 = arith.constant 632 : i32
      %mul3A_87 = arith.muli %arg1, %mul3A_86 : i32
      "tpu.region"() ({
        %run_scoped3A_88 = tpu.sem_alloc : memref<!tpu.dma_semaphore, #tpu.memory_space<semaphore_mem>>
        %dma_start3A_89 = arith.constant 0 : i32
        %dma_start3A_90 = tpu.memref_slice %arg10[%mul3A_87, %dma_start3A_89] : memref<10112x64xbf16, #tpu.memory_space<vmem_shared>> -> memref<632x64xbf16, #tpu.memory_space<vmem_shared>>
        %dma_start3A_91 = arith.constant 0 : i32
        %dma_start3A_92 = tpu.memref_slice %arg2[%mul3A_85, %dma_start3A_91] : memref<10112x64xbf16, #tpu.memory_space<hbm>> -> memref<632x64xbf16, #tpu.memory_space<hbm>>
        tpu.enqueue_dma source(%dma_start3A_92 : memref<632x64xbf16, #tpu.memory_space<hbm>>) target(%dma_start3A_90 : memref<632x64xbf16, #tpu.memory_space<vmem_shared>>) target_semaphore(%run_scoped3A_88 : memref<!tpu.dma_semaphore, #tpu.memory_space<semaphore_mem>>)
        %dma_wait3A_93 = arith.constant 0 : i32
        %dma_wait3A_94 = tpu.memref_slice %arg10[%mul3A_87, %dma_wait3A_93] : memref<10112x64xbf16, #tpu.memory_space<vmem_shared>> -> memref<632x64xbf16, #tpu.memory_space<vmem_shared>>
        %dma_wait3A_95 = arith.constant 0 : i32
        %dma_wait3A_96 = tpu.memref_slice %arg2[%mul3A_85, %dma_wait3A_95] : memref<10112x64xbf16, #tpu.memory_space<hbm>> -> memref<632x64xbf16, #tpu.memory_space<hbm>>
        tpu.wait_dma2 semaphore(%run_scoped3A_88 : memref<!tpu.dma_semaphore, #tpu.memory_space<semaphore_mem>>) src(%dma_wait3A_96 : memref<632x64xbf16, #tpu.memory_space<hbm>>) dst(%dma_wait3A_94 : memref<632x64xbf16, #tpu.memory_space<vmem_shared>>)
        tpu.yield
      }) : () -> ()
    } else {
    }
    %ne3A = arith.constant 0 : i32
    %ne3A_7 = arith.cmpi ne, %arg0, %ne3A : i32
    %convert_element_type3A_8 = arith.extui %ne3A_7 : i1 to i32
    %cond3A_9 = arith.constant 0 : i32
    %cond3A_10 = arith.cmpi ne, %convert_element_type3A_8, %cond3A_9 : i32
    scf.if %cond3A_10 {
      %mul3A_84 = arith.constant 632 : i32
      %mul3A_85 = arith.muli %arg1, %mul3A_84 : i32
      %mul3A_86 = arith.constant 632 : i32
      %mul3A_87 = arith.muli %arg1, %mul3A_86 : i32
      "tpu.region"() ({
        %run_scoped3A_88 = tpu.sem_alloc : memref<!tpu.dma_semaphore, #tpu.memory_space<semaphore_mem>>
        %dma_start3A_89 = arith.constant 0 : i32
        %dma_start3A_90 = tpu.memref_slice %arg10[%mul3A_87, %dma_start3A_89] : memref<10112x64xbf16, #tpu.memory_space<vmem_shared>> -> memref<632x64xbf16, #tpu.memory_space<vmem_shared>>
        %dma_start3A_91 = arith.constant 0 : i32
        %dma_start3A_92 = tpu.memref_slice %arg5[%mul3A_85, %dma_start3A_91] : memref<10112x64xbf16, #tpu.memory_space<hbm>> -> memref<632x64xbf16, #tpu.memory_space<hbm>>
        tpu.enqueue_dma source(%dma_start3A_92 : memref<632x64xbf16, #tpu.memory_space<hbm>>) target(%dma_start3A_90 : memref<632x64xbf16, #tpu.memory_space<vmem_shared>>) target_semaphore(%run_scoped3A_88 : memref<!tpu.dma_semaphore, #tpu.memory_space<semaphore_mem>>)
        %dma_wait3A_93 = arith.constant 0 : i32
        %dma_wait3A_94 = tpu.memref_slice %arg10[%mul3A_87, %dma_wait3A_93] : memref<10112x64xbf16, #tpu.memory_space<vmem_shared>> -> memref<632x64xbf16, #tpu.memory_space<vmem_shared>>
        %dma_wait3A_95 = arith.constant 0 : i32
        %dma_wait3A_96 = tpu.memref_slice %arg5[%mul3A_85, %dma_wait3A_95] : memref<10112x64xbf16, #tpu.memory_space<hbm>> -> memref<632x64xbf16, #tpu.memory_space<hbm>>
        tpu.wait_dma2 semaphore(%run_scoped3A_88 : memref<!tpu.dma_semaphore, #tpu.memory_space<semaphore_mem>>) src(%dma_wait3A_96 : memref<632x64xbf16, #tpu.memory_space<hbm>>) dst(%dma_wait3A_94 : memref<632x64xbf16, #tpu.memory_space<vmem_shared>>)
        tpu.yield
      }) : () -> ()
    } else {
    }
    %mul3A_11 = arith.constant 80 : i32
    %mul3A_12 = arith.muli %add3A, %mul3A_11 : i32
    "tpu.region"() ({
      %run_scoped3A_84 = tpu.sem_alloc : memref<!tpu.dma_semaphore, #tpu.memory_space<semaphore_mem>>
      %dma_start3A_85 = arith.constant 0 : i32
      %dma_start3A_86 = tpu.memref_slice %arg3[%mul3A_12, %dma_start3A_85] : memref<2560x128xi32, #tpu.memory_space<hbm>> -> memref<80x128xi32, #tpu.memory_space<hbm>>
      %dma_start3A_87 = arith.constant 0 : i32
      %dma_start3A_88 = tpu.memref_slice %arg3[%mul3A_12, %dma_start3A_87] : memref<2560x128xi32, #tpu.memory_space<hbm>> -> memref<80x128xi32, #tpu.memory_space<hbm>>
      tpu.enqueue_dma source(%dma_start3A_88 : memref<80x128xi32, #tpu.memory_space<hbm>>) target(%arg7 : memref<80x128xi32, #tpu.memory_space<vmem>>) target_semaphore(%run_scoped3A_84 : memref<!tpu.dma_semaphore, #tpu.memory_space<semaphore_mem>>)
      %dma_wait3A_89 = arith.constant 0 : i32
      %dma_wait3A_90 = tpu.memref_slice %arg3[%mul3A_12, %dma_wait3A_89] : memref<2560x128xi32, #tpu.memory_space<hbm>> -> memref<80x128xi32, #tpu.memory_space<hbm>>
      %dma_wait3A_91 = arith.constant 0 : i32
      %dma_wait3A_92 = tpu.memref_slice %arg3[%mul3A_12, %dma_wait3A_91] : memref<2560x128xi32, #tpu.memory_space<hbm>> -> memref<80x128xi32, #tpu.memory_space<hbm>>
      tpu.wait_dma2 semaphore(%run_scoped3A_84 : memref<!tpu.dma_semaphore, #tpu.memory_space<semaphore_mem>>) src(%dma_wait3A_92 : memref<80x128xi32, #tpu.memory_space<hbm>>) dst(%arg7 : memref<80x128xi32, #tpu.memory_space<vmem>>)
      tpu.yield
    }) : () -> ()
    "tpu.region"() ({
      %run_scoped3A_84 = tpu.sem_alloc : memref<!tpu.dma_semaphore, #tpu.memory_space<semaphore_mem>>
      %dma_start3A_85 = arith.constant 0 : i32
      %dma_start3A_86 = tpu.memref_slice %arg4[%mul3A_12, %dma_start3A_85] : memref<2560x128xi32, #tpu.memory_space<hbm>> -> memref<80x128xi32, #tpu.memory_space<hbm>>
      %dma_start3A_87 = arith.constant 0 : i32
      %dma_start3A_88 = tpu.memref_slice %arg4[%mul3A_12, %dma_start3A_87] : memref<2560x128xi32, #tpu.memory_space<hbm>> -> memref<80x128xi32, #tpu.memory_space<hbm>>
      tpu.enqueue_dma source(%dma_start3A_88 : memref<80x128xi32, #tpu.memory_space<hbm>>) target(%arg8 : memref<80x128xi32, #tpu.memory_space<vmem>>) target_semaphore(%run_scoped3A_84 : memref<!tpu.dma_semaphore, #tpu.memory_space<semaphore_mem>>)
      %dma_wait3A_89 = arith.constant 0 : i32
      %dma_wait3A_90 = tpu.memref_slice %arg4[%mul3A_12, %dma_wait3A_89] : memref<2560x128xi32, #tpu.memory_space<hbm>> -> memref<80x128xi32, #tpu.memory_space<hbm>>
      %dma_wait3A_91 = arith.constant 0 : i32
      %dma_wait3A_92 = tpu.memref_slice %arg4[%mul3A_12, %dma_wait3A_91] : memref<2560x128xi32, #tpu.memory_space<hbm>> -> memref<80x128xi32, #tpu.memory_space<hbm>>
      tpu.wait_dma2 semaphore(%run_scoped3A_84 : memref<!tpu.dma_semaphore, #tpu.memory_space<semaphore_mem>>) src(%dma_wait3A_92 : memref<80x128xi32, #tpu.memory_space<hbm>>) dst(%arg8 : memref<80x128xi32, #tpu.memory_space<vmem>>)
      tpu.yield
    }) : () -> ()
    %barrier3A = arith.constant 0 : index
    tpu.barrier barrier_id(%barrier3A)
    %dma_start3A = arith.constant 0 : i32
    %dma_start3A_13 = arith.constant 0 : i32
    %dma_start3A_14 = arith.constant 0 : i32
    "tpu.trace_stop"() : () -> ()
    "tpu.trace_start"() <{level = 10 : i32, message = "sc_edges"}> : () -> ()
    %dma_start3A_15 = arith.constant 0 : i32
    %dma_start3A_16 = arith.constant 0 : i32
    %dma_start3A_17 = tpu.memref_slice %arg9[%dma_start3A_13, %dma_start3A_15, %dma_start3A_16] : memref<2x128x64xbf16, #tpu.memory_space<vmem>> -> memref<1x128x64xbf16, #tpu.memory_space<vmem>>
    %dma_start3A_18 = tpu.memref_squeeze %dma_start3A_17 : memref<1x128x64xbf16, #tpu.memory_space<vmem>> -> memref<128x64xbf16, #tpu.memory_space<vmem>>
    %dma_start3A_19 = arith.constant 0 : i32
    %dma_start3A_20 = tpu.memref_slice %arg8[%dma_start3A, %dma_start3A_19] : memref<80x128xi32, #tpu.memory_space<vmem>> -> memref<1x128xi32, #tpu.memory_space<vmem>>
    %dma_start3A_21 = tpu.memref_squeeze %dma_start3A_20 : memref<1x128xi32, #tpu.memory_space<vmem>> -> memref<128xi32, #tpu.memory_space<vmem>>
    %dma_start3A_22 = arith.constant 0 : i32
    %dma_start3A_23 = arith.constant 0 : i32
    %dma_start3A_24 = tpu.memref_slice %arg11[%dma_start3A_22, %dma_start3A_23] : memref<10112x64xbf16, #tpu.memory_space<vmem_shared>> -> memref<10112x64xbf16, #tpu.memory_space<vmem_shared>>
    %dma_start3A_25 = tpu.memref_slice %arg12[%dma_start3A_14] : memref<2x!tpu.dma_semaphore, #tpu.memory_space<semaphore_mem>> -> memref<1x!tpu.dma_semaphore, #tpu.memory_space<semaphore_mem>>
    %dma_start3A_26 = tpu.memref_squeeze %dma_start3A_25 : memref<1x!tpu.dma_semaphore, #tpu.memory_space<semaphore_mem>> -> memref<!tpu.dma_semaphore, #tpu.memory_space<semaphore_mem>>
    tpu.enqueue_indirect_dma source(%dma_start3A_24 : memref<10112x64xbf16, #tpu.memory_space<vmem_shared>>) target(%dma_start3A_18 : memref<128x64xbf16, #tpu.memory_space<vmem>>) offsets(%dma_start3A_21 : memref<128xi32, #tpu.memory_space<vmem>>) semaphore(%dma_start3A_26 : memref<!tpu.dma_semaphore, #tpu.memory_space<semaphore_mem>>)
    %dma_start3A_27 = arith.constant 1 : i32
    %dma_start3A_28 = arith.constant 1 : i32
    %dma_start3A_29 = arith.constant 1 : i32
    %dma_start3A_30 = arith.constant 0 : i32
    %dma_start3A_31 = arith.constant 0 : i32
    %dma_start3A_32 = tpu.memref_slice %arg9[%dma_start3A_28, %dma_start3A_30, %dma_start3A_31] : memref<2x128x64xbf16, #tpu.memory_space<vmem>> -> memref<1x128x64xbf16, #tpu.memory_space<vmem>>
    %dma_start3A_33 = tpu.memref_squeeze %dma_start3A_32 : memref<1x128x64xbf16, #tpu.memory_space<vmem>> -> memref<128x64xbf16, #tpu.memory_space<vmem>>
    %dma_start3A_34 = arith.constant 0 : i32
    %dma_start3A_35 = tpu.memref_slice %arg8[%dma_start3A_27, %dma_start3A_34] : memref<80x128xi32, #tpu.memory_space<vmem>> -> memref<1x128xi32, #tpu.memory_space<vmem>>
    %dma_start3A_36 = tpu.memref_squeeze %dma_start3A_35 : memref<1x128xi32, #tpu.memory_space<vmem>> -> memref<128xi32, #tpu.memory_space<vmem>>
    %dma_start3A_37 = arith.constant 0 : i32
    %dma_start3A_38 = arith.constant 0 : i32
    %dma_start3A_39 = tpu.memref_slice %arg11[%dma_start3A_37, %dma_start3A_38] : memref<10112x64xbf16, #tpu.memory_space<vmem_shared>> -> memref<10112x64xbf16, #tpu.memory_space<vmem_shared>>
    %dma_start3A_40 = tpu.memref_slice %arg12[%dma_start3A_29] : memref<2x!tpu.dma_semaphore, #tpu.memory_space<semaphore_mem>> -> memref<1x!tpu.dma_semaphore, #tpu.memory_space<semaphore_mem>>
    %dma_start3A_41 = tpu.memref_squeeze %dma_start3A_40 : memref<1x!tpu.dma_semaphore, #tpu.memory_space<semaphore_mem>> -> memref<!tpu.dma_semaphore, #tpu.memory_space<semaphore_mem>>
    tpu.enqueue_indirect_dma source(%dma_start3A_39 : memref<10112x64xbf16, #tpu.memory_space<vmem_shared>>) target(%dma_start3A_33 : memref<128x64xbf16, #tpu.memory_space<vmem>>) offsets(%dma_start3A_36 : memref<128xi32, #tpu.memory_space<vmem>>) semaphore(%dma_start3A_41 : memref<!tpu.dma_semaphore, #tpu.memory_space<semaphore_mem>>)
    %scan3A = arith.constant 0 : i32
    %scan3A_42 = arith.constant 0 : i32
    %scan3A_43 = arith.constant 39 : i32
    %scan3A_44 = arith.addi %scan3A_42, %scan3A_43 : i32
    %scan3A_45 = arith.constant 1 : i32
    scf.for %scan3A_84 = %scan3A_42 to %scan3A_44 step %scan3A_45  : i32 {
      %mul3A_85 = arith.constant 2 : i32
      %mul3A_86 = arith.muli %mul3A_85, %scan3A_84 : i32
      %dma_wait3A_87 = arith.constant 0 : i32
      %dma_wait3A_88 = arith.constant 0 : i32
      %dma_wait3A_89 = arith.constant 0 : i32
      %dma_wait3A_90 = arith.constant 0 : i32
      %dma_wait3A_91 = tpu.memref_slice %arg9[%dma_wait3A_87, %dma_wait3A_89, %dma_wait3A_90] : memref<2x128x64xbf16, #tpu.memory_space<vmem>> -> memref<1x128x64xbf16, #tpu.memory_space<vmem>>
      %dma_wait3A_92 = tpu.memref_squeeze %dma_wait3A_91 : memref<1x128x64xbf16, #tpu.memory_space<vmem>> -> memref<128x64xbf16, #tpu.memory_space<vmem>>
      %dma_wait3A_93 = arith.constant 0 : i32
      %dma_wait3A_94 = tpu.memref_slice %arg8[%mul3A_86, %dma_wait3A_93] : memref<80x128xi32, #tpu.memory_space<vmem>> -> memref<1x128xi32, #tpu.memory_space<vmem>>
      %dma_wait3A_95 = tpu.memref_squeeze %dma_wait3A_94 : memref<1x128xi32, #tpu.memory_space<vmem>> -> memref<128xi32, #tpu.memory_space<vmem>>
      %dma_wait3A_96 = arith.constant 0 : i32
      %dma_wait3A_97 = arith.constant 0 : i32
      %dma_wait3A_98 = tpu.memref_slice %arg11[%dma_wait3A_96, %dma_wait3A_97] : memref<10112x64xbf16, #tpu.memory_space<vmem_shared>> -> memref<10112x64xbf16, #tpu.memory_space<vmem_shared>>
      %dma_wait3A_99 = tpu.memref_slice %arg12[%dma_wait3A_88] : memref<2x!tpu.dma_semaphore, #tpu.memory_space<semaphore_mem>> -> memref<1x!tpu.dma_semaphore, #tpu.memory_space<semaphore_mem>>
      %dma_wait3A_100 = tpu.memref_squeeze %dma_wait3A_99 : memref<1x!tpu.dma_semaphore, #tpu.memory_space<semaphore_mem>> -> memref<!tpu.dma_semaphore, #tpu.memory_space<semaphore_mem>>
      tpu.wait_indirect_dma semaphore(%dma_wait3A_100 : memref<!tpu.dma_semaphore, #tpu.memory_space<semaphore_mem>>) src(%dma_wait3A_98 : memref<10112x64xbf16, #tpu.memory_space<vmem_shared>>) dst(%dma_wait3A_92 : memref<128x64xbf16, #tpu.memory_space<vmem>>)
      %run_scoped3A_101 = arith.constant 0 : i32
      "tpu.region"() ({
        %run_scoped3A_153 = tpu.sem_alloc : memref<!tpu.dma_semaphore, #tpu.memory_space<semaphore_mem>>
        %dma_start3A_154 = arith.constant 0 : i32
        %dma_start3A_155 = arith.constant 0 : i32
        %dma_start3A_156 = tpu.memref_slice %arg9[%run_scoped3A_101, %dma_start3A_154, %dma_start3A_155] : memref<2x128x64xbf16, #tpu.memory_space<vmem>> -> memref<1x128x64xbf16, #tpu.memory_space<vmem>>
        %dma_start3A_157 = tpu.memref_squeeze %dma_start3A_156 : memref<1x128x64xbf16, #tpu.memory_space<vmem>> -> memref<128x64xbf16, #tpu.memory_space<vmem>>
        %dma_start3A_158 = arith.constant 0 : i32
        %dma_start3A_159 = tpu.memref_slice %arg7[%mul3A_86, %dma_start3A_158] : memref<80x128xi32, #tpu.memory_space<vmem>> -> memref<1x128xi32, #tpu.memory_space<vmem>>
        %dma_start3A_160 = tpu.memref_squeeze %dma_start3A_159 : memref<1x128xi32, #tpu.memory_space<vmem>> -> memref<128xi32, #tpu.memory_space<vmem>>
        %dma_start3A_161 = arith.constant 0 : i32
        %dma_start3A_162 = arith.constant 0 : i32
        %dma_start3A_163 = tpu.memref_slice %arg10[%dma_start3A_161, %dma_start3A_162] : memref<10112x64xbf16, #tpu.memory_space<vmem_shared>> -> memref<10112x64xbf16, #tpu.memory_space<vmem_shared>>
        tpu.enqueue_indirect_dma source(%dma_start3A_157 : memref<128x64xbf16, #tpu.memory_space<vmem>>) target(%dma_start3A_163 : memref<10112x64xbf16, #tpu.memory_space<vmem_shared>>) offsets(%dma_start3A_160 : memref<128xi32, #tpu.memory_space<vmem>>) semaphore(%run_scoped3A_153 : memref<!tpu.dma_semaphore, #tpu.memory_space<semaphore_mem>>) {add = true}
        %dma_wait3A_164 = arith.constant 0 : i32
        %dma_wait3A_165 = arith.constant 0 : i32
        %dma_wait3A_166 = tpu.memref_slice %arg9[%run_scoped3A_101, %dma_wait3A_164, %dma_wait3A_165] : memref<2x128x64xbf16, #tpu.memory_space<vmem>> -> memref<1x128x64xbf16, #tpu.memory_space<vmem>>
        %dma_wait3A_167 = tpu.memref_squeeze %dma_wait3A_166 : memref<1x128x64xbf16, #tpu.memory_space<vmem>> -> memref<128x64xbf16, #tpu.memory_space<vmem>>
        %dma_wait3A_168 = arith.constant 0 : i32
        %dma_wait3A_169 = tpu.memref_slice %arg7[%mul3A_86, %dma_wait3A_168] : memref<80x128xi32, #tpu.memory_space<vmem>> -> memref<1x128xi32, #tpu.memory_space<vmem>>
        %dma_wait3A_170 = tpu.memref_squeeze %dma_wait3A_169 : memref<1x128xi32, #tpu.memory_space<vmem>> -> memref<128xi32, #tpu.memory_space<vmem>>
        %dma_wait3A_171 = arith.constant 0 : i32
        %dma_wait3A_172 = arith.constant 0 : i32
        %dma_wait3A_173 = tpu.memref_slice %arg10[%dma_wait3A_171, %dma_wait3A_172] : memref<10112x64xbf16, #tpu.memory_space<vmem_shared>> -> memref<10112x64xbf16, #tpu.memory_space<vmem_shared>>
        tpu.wait_indirect_dma semaphore(%run_scoped3A_153 : memref<!tpu.dma_semaphore, #tpu.memory_space<semaphore_mem>>) src(%dma_wait3A_167 : memref<128x64xbf16, #tpu.memory_space<vmem>>) dst(%dma_wait3A_173 : memref<10112x64xbf16, #tpu.memory_space<vmem_shared>>)
        tpu.yield
      }) : () -> ()
      %add3A_102 = arith.constant 2 : i32
      %add3A_103 = arith.addi %mul3A_86, %add3A_102 : i32
      %dma_start3A_104 = arith.constant 0 : i32
      %dma_start3A_105 = arith.constant 0 : i32
      %dma_start3A_106 = arith.constant 0 : i32
      %dma_start3A_107 = arith.constant 0 : i32
      %dma_start3A_108 = tpu.memref_slice %arg9[%dma_start3A_104, %dma_start3A_106, %dma_start3A_107] : memref<2x128x64xbf16, #tpu.memory_space<vmem>> -> memref<1x128x64xbf16, #tpu.memory_space<vmem>>
      %dma_start3A_109 = tpu.memref_squeeze %dma_start3A_108 : memref<1x128x64xbf16, #tpu.memory_space<vmem>> -> memref<128x64xbf16, #tpu.memory_space<vmem>>
      %dma_start3A_110 = arith.constant 0 : i32
      %dma_start3A_111 = tpu.memref_slice %arg8[%add3A_103, %dma_start3A_110] : memref<80x128xi32, #tpu.memory_space<vmem>> -> memref<1x128xi32, #tpu.memory_space<vmem>>
      %dma_start3A_112 = tpu.memref_squeeze %dma_start3A_111 : memref<1x128xi32, #tpu.memory_space<vmem>> -> memref<128xi32, #tpu.memory_space<vmem>>
      %dma_start3A_113 = arith.constant 0 : i32
      %dma_start3A_114 = arith.constant 0 : i32
      %dma_start3A_115 = tpu.memref_slice %arg11[%dma_start3A_113, %dma_start3A_114] : memref<10112x64xbf16, #tpu.memory_space<vmem_shared>> -> memref<10112x64xbf16, #tpu.memory_space<vmem_shared>>
      %dma_start3A_116 = tpu.memref_slice %arg12[%dma_start3A_105] : memref<2x!tpu.dma_semaphore, #tpu.memory_space<semaphore_mem>> -> memref<1x!tpu.dma_semaphore, #tpu.memory_space<semaphore_mem>>
      %dma_start3A_117 = tpu.memref_squeeze %dma_start3A_116 : memref<1x!tpu.dma_semaphore, #tpu.memory_space<semaphore_mem>> -> memref<!tpu.dma_semaphore, #tpu.memory_space<semaphore_mem>>
      tpu.enqueue_indirect_dma source(%dma_start3A_115 : memref<10112x64xbf16, #tpu.memory_space<vmem_shared>>) target(%dma_start3A_109 : memref<128x64xbf16, #tpu.memory_space<vmem>>) offsets(%dma_start3A_112 : memref<128xi32, #tpu.memory_space<vmem>>) semaphore(%dma_start3A_117 : memref<!tpu.dma_semaphore, #tpu.memory_space<semaphore_mem>>)
      %add3A_118 = arith.constant 1 : i32
      %add3A_119 = arith.addi %mul3A_86, %add3A_118 : i32
      %dma_wait3A_120 = arith.constant 1 : i32
      %dma_wait3A_121 = arith.constant 1 : i32
      %dma_wait3A_122 = arith.constant 0 : i32
      %dma_wait3A_123 = arith.constant 0 : i32
      %dma_wait3A_124 = tpu.memref_slice %arg9[%dma_wait3A_120, %dma_wait3A_122, %dma_wait3A_123] : memref<2x128x64xbf16, #tpu.memory_space<vmem>> -> memref<1x128x64xbf16, #tpu.memory_space<vmem>>
      %dma_wait3A_125 = tpu.memref_squeeze %dma_wait3A_124 : memref<1x128x64xbf16, #tpu.memory_space<vmem>> -> memref<128x64xbf16, #tpu.memory_space<vmem>>
      %dma_wait3A_126 = arith.constant 0 : i32
      %dma_wait3A_127 = tpu.memref_slice %arg8[%add3A_119, %dma_wait3A_126] : memref<80x128xi32, #tpu.memory_space<vmem>> -> memref<1x128xi32, #tpu.memory_space<vmem>>
      %dma_wait3A_128 = tpu.memref_squeeze %dma_wait3A_127 : memref<1x128xi32, #tpu.memory_space<vmem>> -> memref<128xi32, #tpu.memory_space<vmem>>
      %dma_wait3A_129 = arith.constant 0 : i32
      %dma_wait3A_130 = arith.constant 0 : i32
      %dma_wait3A_131 = tpu.memref_slice %arg11[%dma_wait3A_129, %dma_wait3A_130] : memref<10112x64xbf16, #tpu.memory_space<vmem_shared>> -> memref<10112x64xbf16, #tpu.memory_space<vmem_shared>>
      %dma_wait3A_132 = tpu.memref_slice %arg12[%dma_wait3A_121] : memref<2x!tpu.dma_semaphore, #tpu.memory_space<semaphore_mem>> -> memref<1x!tpu.dma_semaphore, #tpu.memory_space<semaphore_mem>>
      %dma_wait3A_133 = tpu.memref_squeeze %dma_wait3A_132 : memref<1x!tpu.dma_semaphore, #tpu.memory_space<semaphore_mem>> -> memref<!tpu.dma_semaphore, #tpu.memory_space<semaphore_mem>>
      tpu.wait_indirect_dma semaphore(%dma_wait3A_133 : memref<!tpu.dma_semaphore, #tpu.memory_space<semaphore_mem>>) src(%dma_wait3A_131 : memref<10112x64xbf16, #tpu.memory_space<vmem_shared>>) dst(%dma_wait3A_125 : memref<128x64xbf16, #tpu.memory_space<vmem>>)
      %add3A_134 = arith.constant 1 : i32
      %add3A_135 = arith.addi %mul3A_86, %add3A_134 : i32
      %run_scoped3A_136 = arith.constant 1 : i32
      "tpu.region"() ({
        %run_scoped3A_153 = tpu.sem_alloc : memref<!tpu.dma_semaphore, #tpu.memory_space<semaphore_mem>>
        %dma_start3A_154 = arith.constant 0 : i32
        %dma_start3A_155 = arith.constant 0 : i32
        %dma_start3A_156 = tpu.memref_slice %arg9[%run_scoped3A_136, %dma_start3A_154, %dma_start3A_155] : memref<2x128x64xbf16, #tpu.memory_space<vmem>> -> memref<1x128x64xbf16, #tpu.memory_space<vmem>>
        %dma_start3A_157 = tpu.memref_squeeze %dma_start3A_156 : memref<1x128x64xbf16, #tpu.memory_space<vmem>> -> memref<128x64xbf16, #tpu.memory_space<vmem>>
        %dma_start3A_158 = arith.constant 0 : i32
        %dma_start3A_159 = tpu.memref_slice %arg7[%add3A_135, %dma_start3A_158] : memref<80x128xi32, #tpu.memory_space<vmem>> -> memref<1x128xi32, #tpu.memory_space<vmem>>
        %dma_start3A_160 = tpu.memref_squeeze %dma_start3A_159 : memref<1x128xi32, #tpu.memory_space<vmem>> -> memref<128xi32, #tpu.memory_space<vmem>>
        %dma_start3A_161 = arith.constant 0 : i32
        %dma_start3A_162 = arith.constant 0 : i32
        %dma_start3A_163 = tpu.memref_slice %arg10[%dma_start3A_161, %dma_start3A_162] : memref<10112x64xbf16, #tpu.memory_space<vmem_shared>> -> memref<10112x64xbf16, #tpu.memory_space<vmem_shared>>
        tpu.enqueue_indirect_dma source(%dma_start3A_157 : memref<128x64xbf16, #tpu.memory_space<vmem>>) target(%dma_start3A_163 : memref<10112x64xbf16, #tpu.memory_space<vmem_shared>>) offsets(%dma_start3A_160 : memref<128xi32, #tpu.memory_space<vmem>>) semaphore(%run_scoped3A_153 : memref<!tpu.dma_semaphore, #tpu.memory_space<semaphore_mem>>) {add = true}
        %dma_wait3A_164 = arith.constant 0 : i32
        %dma_wait3A_165 = arith.constant 0 : i32
        %dma_wait3A_166 = tpu.memref_slice %arg9[%run_scoped3A_136, %dma_wait3A_164, %dma_wait3A_165] : memref<2x128x64xbf16, #tpu.memory_space<vmem>> -> memref<1x128x64xbf16, #tpu.memory_space<vmem>>
        %dma_wait3A_167 = tpu.memref_squeeze %dma_wait3A_166 : memref<1x128x64xbf16, #tpu.memory_space<vmem>> -> memref<128x64xbf16, #tpu.memory_space<vmem>>
        %dma_wait3A_168 = arith.constant 0 : i32
        %dma_wait3A_169 = tpu.memref_slice %arg7[%add3A_135, %dma_wait3A_168] : memref<80x128xi32, #tpu.memory_space<vmem>> -> memref<1x128xi32, #tpu.memory_space<vmem>>
        %dma_wait3A_170 = tpu.memref_squeeze %dma_wait3A_169 : memref<1x128xi32, #tpu.memory_space<vmem>> -> memref<128xi32, #tpu.memory_space<vmem>>
        %dma_wait3A_171 = arith.constant 0 : i32
        %dma_wait3A_172 = arith.constant 0 : i32
        %dma_wait3A_173 = tpu.memref_slice %arg10[%dma_wait3A_171, %dma_wait3A_172] : memref<10112x64xbf16, #tpu.memory_space<vmem_shared>> -> memref<10112x64xbf16, #tpu.memory_space<vmem_shared>>
        tpu.wait_indirect_dma semaphore(%run_scoped3A_153 : memref<!tpu.dma_semaphore, #tpu.memory_space<semaphore_mem>>) src(%dma_wait3A_167 : memref<128x64xbf16, #tpu.memory_space<vmem>>) dst(%dma_wait3A_173 : memref<10112x64xbf16, #tpu.memory_space<vmem_shared>>)
        tpu.yield
      }) : () -> ()
      %add3A_137 = arith.constant 3 : i32
      %add3A_138 = arith.addi %mul3A_86, %add3A_137 : i32
      %dma_start3A_139 = arith.constant 1 : i32
      %dma_start3A_140 = arith.constant 1 : i32
      %dma_start3A_141 = arith.constant 0 : i32
      %dma_start3A_142 = arith.constant 0 : i32
      %dma_start3A_143 = tpu.memref_slice %arg9[%dma_start3A_139, %dma_start3A_141, %dma_start3A_142] : memref<2x128x64xbf16, #tpu.memory_space<vmem>> -> memref<1x128x64xbf16, #tpu.memory_space<vmem>>
      %dma_start3A_144 = tpu.memref_squeeze %dma_start3A_143 : memref<1x128x64xbf16, #tpu.memory_space<vmem>> -> memref<128x64xbf16, #tpu.memory_space<vmem>>
      %dma_start3A_145 = arith.constant 0 : i32
      %dma_start3A_146 = tpu.memref_slice %arg8[%add3A_138, %dma_start3A_145] : memref<80x128xi32, #tpu.memory_space<vmem>> -> memref<1x128xi32, #tpu.memory_space<vmem>>
      %dma_start3A_147 = tpu.memref_squeeze %dma_start3A_146 : memref<1x128xi32, #tpu.memory_space<vmem>> -> memref<128xi32, #tpu.memory_space<vmem>>
      %dma_start3A_148 = arith.constant 0 : i32
      %dma_start3A_149 = arith.constant 0 : i32
      %dma_start3A_150 = tpu.memref_slice %arg11[%dma_start3A_148, %dma_start3A_149] : memref<10112x64xbf16, #tpu.memory_space<vmem_shared>> -> memref<10112x64xbf16, #tpu.memory_space<vmem_shared>>
      %dma_start3A_151 = tpu.memref_slice %arg12[%dma_start3A_140] : memref<2x!tpu.dma_semaphore, #tpu.memory_space<semaphore_mem>> -> memref<1x!tpu.dma_semaphore, #tpu.memory_space<semaphore_mem>>
      %dma_start3A_152 = tpu.memref_squeeze %dma_start3A_151 : memref<1x!tpu.dma_semaphore, #tpu.memory_space<semaphore_mem>> -> memref<!tpu.dma_semaphore, #tpu.memory_space<semaphore_mem>>
      tpu.enqueue_indirect_dma source(%dma_start3A_150 : memref<10112x64xbf16, #tpu.memory_space<vmem_shared>>) target(%dma_start3A_144 : memref<128x64xbf16, #tpu.memory_space<vmem>>) offsets(%dma_start3A_147 : memref<128xi32, #tpu.memory_space<vmem>>) semaphore(%dma_start3A_152 : memref<!tpu.dma_semaphore, #tpu.memory_space<semaphore_mem>>)
    }
    %scan3A_46 = arith.constant 39 : i32
    %dma_wait3A = arith.constant 78 : i32
    %dma_wait3A_47 = arith.constant 0 : i32
    %dma_wait3A_48 = arith.constant 0 : i32
    %dma_wait3A_49 = arith.constant 0 : i32
    %dma_wait3A_50 = arith.constant 0 : i32
    %dma_wait3A_51 = tpu.memref_slice %arg9[%dma_wait3A_47, %dma_wait3A_49, %dma_wait3A_50] : memref<2x128x64xbf16, #tpu.memory_space<vmem>> -> memref<1x128x64xbf16, #tpu.memory_space<vmem>>
    %dma_wait3A_52 = tpu.memref_squeeze %dma_wait3A_51 : memref<1x128x64xbf16, #tpu.memory_space<vmem>> -> memref<128x64xbf16, #tpu.memory_space<vmem>>
    %dma_wait3A_53 = arith.constant 0 : i32
    %dma_wait3A_54 = tpu.memref_slice %arg8[%dma_wait3A, %dma_wait3A_53] : memref<80x128xi32, #tpu.memory_space<vmem>> -> memref<1x128xi32, #tpu.memory_space<vmem>>
    %dma_wait3A_55 = tpu.memref_squeeze %dma_wait3A_54 : memref<1x128xi32, #tpu.memory_space<vmem>> -> memref<128xi32, #tpu.memory_space<vmem>>
    %dma_wait3A_56 = arith.constant 0 : i32
    %dma_wait3A_57 = arith.constant 0 : i32
    %dma_wait3A_58 = tpu.memref_slice %arg11[%dma_wait3A_56, %dma_wait3A_57] : memref<10112x64xbf16, #tpu.memory_space<vmem_shared>> -> memref<10112x64xbf16, #tpu.memory_space<vmem_shared>>
    %dma_wait3A_59 = tpu.memref_slice %arg12[%dma_wait3A_48] : memref<2x!tpu.dma_semaphore, #tpu.memory_space<semaphore_mem>> -> memref<1x!tpu.dma_semaphore, #tpu.memory_space<semaphore_mem>>
    %dma_wait3A_60 = tpu.memref_squeeze %dma_wait3A_59 : memref<1x!tpu.dma_semaphore, #tpu.memory_space<semaphore_mem>> -> memref<!tpu.dma_semaphore, #tpu.memory_space<semaphore_mem>>
    tpu.wait_indirect_dma semaphore(%dma_wait3A_60 : memref<!tpu.dma_semaphore, #tpu.memory_space<semaphore_mem>>) src(%dma_wait3A_58 : memref<10112x64xbf16, #tpu.memory_space<vmem_shared>>) dst(%dma_wait3A_52 : memref<128x64xbf16, #tpu.memory_space<vmem>>)
    %run_scoped3A = arith.constant 0 : i32
    %run_scoped3A_61 = arith.constant 78 : i32
    "tpu.region"() ({
      %run_scoped3A_84 = tpu.sem_alloc : memref<!tpu.dma_semaphore, #tpu.memory_space<semaphore_mem>>
      %dma_start3A_85 = arith.constant 0 : i32
      %dma_start3A_86 = arith.constant 0 : i32
      %dma_start3A_87 = tpu.memref_slice %arg9[%run_scoped3A, %dma_start3A_85, %dma_start3A_86] : memref<2x128x64xbf16, #tpu.memory_space<vmem>> -> memref<1x128x64xbf16, #tpu.memory_space<vmem>>
      %dma_start3A_88 = tpu.memref_squeeze %dma_start3A_87 : memref<1x128x64xbf16, #tpu.memory_space<vmem>> -> memref<128x64xbf16, #tpu.memory_space<vmem>>
      %dma_start3A_89 = arith.constant 0 : i32
      %dma_start3A_90 = tpu.memref_slice %arg7[%run_scoped3A_61, %dma_start3A_89] : memref<80x128xi32, #tpu.memory_space<vmem>> -> memref<1x128xi32, #tpu.memory_space<vmem>>
      %dma_start3A_91 = tpu.memref_squeeze %dma_start3A_90 : memref<1x128xi32, #tpu.memory_space<vmem>> -> memref<128xi32, #tpu.memory_space<vmem>>
      %dma_start3A_92 = arith.constant 0 : i32
      %dma_start3A_93 = arith.constant 0 : i32
      %dma_start3A_94 = tpu.memref_slice %arg10[%dma_start3A_92, %dma_start3A_93] : memref<10112x64xbf16, #tpu.memory_space<vmem_shared>> -> memref<10112x64xbf16, #tpu.memory_space<vmem_shared>>
      tpu.enqueue_indirect_dma source(%dma_start3A_88 : memref<128x64xbf16, #tpu.memory_space<vmem>>) target(%dma_start3A_94 : memref<10112x64xbf16, #tpu.memory_space<vmem_shared>>) offsets(%dma_start3A_91 : memref<128xi32, #tpu.memory_space<vmem>>) semaphore(%run_scoped3A_84 : memref<!tpu.dma_semaphore, #tpu.memory_space<semaphore_mem>>) {add = true}
      %dma_wait3A_95 = arith.constant 0 : i32
      %dma_wait3A_96 = arith.constant 0 : i32
      %dma_wait3A_97 = tpu.memref_slice %arg9[%run_scoped3A, %dma_wait3A_95, %dma_wait3A_96] : memref<2x128x64xbf16, #tpu.memory_space<vmem>> -> memref<1x128x64xbf16, #tpu.memory_space<vmem>>
      %dma_wait3A_98 = tpu.memref_squeeze %dma_wait3A_97 : memref<1x128x64xbf16, #tpu.memory_space<vmem>> -> memref<128x64xbf16, #tpu.memory_space<vmem>>
      %dma_wait3A_99 = arith.constant 0 : i32
      %dma_wait3A_100 = tpu.memref_slice %arg7[%run_scoped3A_61, %dma_wait3A_99] : memref<80x128xi32, #tpu.memory_space<vmem>> -> memref<1x128xi32, #tpu.memory_space<vmem>>
      %dma_wait3A_101 = tpu.memref_squeeze %dma_wait3A_100 : memref<1x128xi32, #tpu.memory_space<vmem>> -> memref<128xi32, #tpu.memory_space<vmem>>
      %dma_wait3A_102 = arith.constant 0 : i32
      %dma_wait3A_103 = arith.constant 0 : i32
      %dma_wait3A_104 = tpu.memref_slice %arg10[%dma_wait3A_102, %dma_wait3A_103] : memref<10112x64xbf16, #tpu.memory_space<vmem_shared>> -> memref<10112x64xbf16, #tpu.memory_space<vmem_shared>>
      tpu.wait_indirect_dma semaphore(%run_scoped3A_84 : memref<!tpu.dma_semaphore, #tpu.memory_space<semaphore_mem>>) src(%dma_wait3A_98 : memref<128x64xbf16, #tpu.memory_space<vmem>>) dst(%dma_wait3A_104 : memref<10112x64xbf16, #tpu.memory_space<vmem_shared>>)
      tpu.yield
    }) : () -> ()
    %dma_wait3A_62 = arith.constant 79 : i32
    %dma_wait3A_63 = arith.constant 1 : i32
    %dma_wait3A_64 = arith.constant 1 : i32
    %dma_wait3A_65 = arith.constant 0 : i32
    %dma_wait3A_66 = arith.constant 0 : i32
    %dma_wait3A_67 = tpu.memref_slice %arg9[%dma_wait3A_63, %dma_wait3A_65, %dma_wait3A_66] : memref<2x128x64xbf16, #tpu.memory_space<vmem>> -> memref<1x128x64xbf16, #tpu.memory_space<vmem>>
    %dma_wait3A_68 = tpu.memref_squeeze %dma_wait3A_67 : memref<1x128x64xbf16, #tpu.memory_space<vmem>> -> memref<128x64xbf16, #tpu.memory_space<vmem>>
    %dma_wait3A_69 = arith.constant 0 : i32
    %dma_wait3A_70 = tpu.memref_slice %arg8[%dma_wait3A_62, %dma_wait3A_69] : memref<80x128xi32, #tpu.memory_space<vmem>> -> memref<1x128xi32, #tpu.memory_space<vmem>>
    %dma_wait3A_71 = tpu.memref_squeeze %dma_wait3A_70 : memref<1x128xi32, #tpu.memory_space<vmem>> -> memref<128xi32, #tpu.memory_space<vmem>>
    %dma_wait3A_72 = arith.constant 0 : i32
    %dma_wait3A_73 = arith.constant 0 : i32
    %dma_wait3A_74 = tpu.memref_slice %arg11[%dma_wait3A_72, %dma_wait3A_73] : memref<10112x64xbf16, #tpu.memory_space<vmem_shared>> -> memref<10112x64xbf16, #tpu.memory_space<vmem_shared>>
    %dma_wait3A_75 = tpu.memref_slice %arg12[%dma_wait3A_64] : memref<2x!tpu.dma_semaphore, #tpu.memory_space<semaphore_mem>> -> memref<1x!tpu.dma_semaphore, #tpu.memory_space<semaphore_mem>>
    %dma_wait3A_76 = tpu.memref_squeeze %dma_wait3A_75 : memref<1x!tpu.dma_semaphore, #tpu.memory_space<semaphore_mem>> -> memref<!tpu.dma_semaphore, #tpu.memory_space<semaphore_mem>>
    tpu.wait_indirect_dma semaphore(%dma_wait3A_76 : memref<!tpu.dma_semaphore, #tpu.memory_space<semaphore_mem>>) src(%dma_wait3A_74 : memref<10112x64xbf16, #tpu.memory_space<vmem_shared>>) dst(%dma_wait3A_68 : memref<128x64xbf16, #tpu.memory_space<vmem>>)
    %run_scoped3A_77 = arith.constant 1 : i32
    %run_scoped3A_78 = arith.constant 79 : i32
    "tpu.region"() ({
      %run_scoped3A_84 = tpu.sem_alloc : memref<!tpu.dma_semaphore, #tpu.memory_space<semaphore_mem>>
      %dma_start3A_85 = arith.constant 0 : i32
      %dma_start3A_86 = arith.constant 0 : i32
      %dma_start3A_87 = tpu.memref_slice %arg9[%run_scoped3A_77, %dma_start3A_85, %dma_start3A_86] : memref<2x128x64xbf16, #tpu.memory_space<vmem>> -> memref<1x128x64xbf16, #tpu.memory_space<vmem>>
      %dma_start3A_88 = tpu.memref_squeeze %dma_start3A_87 : memref<1x128x64xbf16, #tpu.memory_space<vmem>> -> memref<128x64xbf16, #tpu.memory_space<vmem>>
      %dma_start3A_89 = arith.constant 0 : i32
      %dma_start3A_90 = tpu.memref_slice %arg7[%run_scoped3A_78, %dma_start3A_89] : memref<80x128xi32, #tpu.memory_space<vmem>> -> memref<1x128xi32, #tpu.memory_space<vmem>>
      %dma_start3A_91 = tpu.memref_squeeze %dma_start3A_90 : memref<1x128xi32, #tpu.memory_space<vmem>> -> memref<128xi32, #tpu.memory_space<vmem>>
      %dma_start3A_92 = arith.constant 0 : i32
      %dma_start3A_93 = arith.constant 0 : i32
      %dma_start3A_94 = tpu.memref_slice %arg10[%dma_start3A_92, %dma_start3A_93] : memref<10112x64xbf16, #tpu.memory_space<vmem_shared>> -> memref<10112x64xbf16, #tpu.memory_space<vmem_shared>>
      tpu.enqueue_indirect_dma source(%dma_start3A_88 : memref<128x64xbf16, #tpu.memory_space<vmem>>) target(%dma_start3A_94 : memref<10112x64xbf16, #tpu.memory_space<vmem_shared>>) offsets(%dma_start3A_91 : memref<128xi32, #tpu.memory_space<vmem>>) semaphore(%run_scoped3A_84 : memref<!tpu.dma_semaphore, #tpu.memory_space<semaphore_mem>>) {add = true}
      %dma_wait3A_95 = arith.constant 0 : i32
      %dma_wait3A_96 = arith.constant 0 : i32
      %dma_wait3A_97 = tpu.memref_slice %arg9[%run_scoped3A_77, %dma_wait3A_95, %dma_wait3A_96] : memref<2x128x64xbf16, #tpu.memory_space<vmem>> -> memref<1x128x64xbf16, #tpu.memory_space<vmem>>
      %dma_wait3A_98 = tpu.memref_squeeze %dma_wait3A_97 : memref<1x128x64xbf16, #tpu.memory_space<vmem>> -> memref<128x64xbf16, #tpu.memory_space<vmem>>
      %dma_wait3A_99 = arith.constant 0 : i32
      %dma_wait3A_100 = tpu.memref_slice %arg7[%run_scoped3A_78, %dma_wait3A_99] : memref<80x128xi32, #tpu.memory_space<vmem>> -> memref<1x128xi32, #tpu.memory_space<vmem>>
      %dma_wait3A_101 = tpu.memref_squeeze %dma_wait3A_100 : memref<1x128xi32, #tpu.memory_space<vmem>> -> memref<128xi32, #tpu.memory_space<vmem>>
      %dma_wait3A_102 = arith.constant 0 : i32
      %dma_wait3A_103 = arith.constant 0 : i32
      %dma_wait3A_104 = tpu.memref_slice %arg10[%dma_wait3A_102, %dma_wait3A_103] : memref<10112x64xbf16, #tpu.memory_space<vmem_shared>> -> memref<10112x64xbf16, #tpu.memory_space<vmem_shared>>
      tpu.wait_indirect_dma semaphore(%run_scoped3A_84 : memref<!tpu.dma_semaphore, #tpu.memory_space<semaphore_mem>>) src(%dma_wait3A_98 : memref<128x64xbf16, #tpu.memory_space<vmem>>) dst(%dma_wait3A_104 : memref<10112x64xbf16, #tpu.memory_space<vmem_shared>>)
      tpu.yield
    }) : () -> ()
    %barrier3A_79 = arith.constant 0 : index
    tpu.barrier barrier_id(%barrier3A_79)
    "tpu.trace_stop"() : () -> ()
    "tpu.trace_start"() <{level = 10 : i32, message = "sc_out"}> : () -> ()
    %mul3A_80 = arith.constant 632 : i32
    %mul3A_81 = arith.muli %arg1, %mul3A_80 : i32
    %mul3A_82 = arith.constant 632 : i32
    %mul3A_83 = arith.muli %arg1, %mul3A_82 : i32
    "tpu.region"() ({
      %run_scoped3A_84 = tpu.sem_alloc : memref<!tpu.dma_semaphore, #tpu.memory_space<semaphore_mem>>
      %dma_start3A_85 = arith.constant 0 : i32
      %dma_start3A_86 = tpu.memref_slice %arg6[%arg0, %mul3A_83, %dma_start3A_85] : memref<2x10112x64xbf16, #tpu.memory_space<hbm>> -> memref<1x632x64xbf16, #tpu.memory_space<hbm>>
      %dma_start3A_87 = tpu.memref_squeeze %dma_start3A_86 : memref<1x632x64xbf16, #tpu.memory_space<hbm>> -> memref<632x64xbf16, #tpu.memory_space<hbm>>
      %dma_start3A_88 = arith.constant 0 : i32
      %dma_start3A_89 = tpu.memref_slice %arg10[%mul3A_81, %dma_start3A_88] : memref<10112x64xbf16, #tpu.memory_space<vmem_shared>> -> memref<632x64xbf16, #tpu.memory_space<vmem_shared>>
      tpu.enqueue_dma source(%dma_start3A_89 : memref<632x64xbf16, #tpu.memory_space<vmem_shared>>) target(%dma_start3A_87 : memref<632x64xbf16, #tpu.memory_space<hbm>>) target_semaphore(%run_scoped3A_84 : memref<!tpu.dma_semaphore, #tpu.memory_space<semaphore_mem>>)
      %dma_wait3A_90 = arith.constant 0 : i32
      %dma_wait3A_91 = tpu.memref_slice %arg6[%arg0, %mul3A_83, %dma_wait3A_90] : memref<2x10112x64xbf16, #tpu.memory_space<hbm>> -> memref<1x632x64xbf16, #tpu.memory_space<hbm>>
      %dma_wait3A_92 = tpu.memref_squeeze %dma_wait3A_91 : memref<1x632x64xbf16, #tpu.memory_space<hbm>> -> memref<632x64xbf16, #tpu.memory_space<hbm>>
      %dma_wait3A_93 = arith.constant 0 : i32
      %dma_wait3A_94 = tpu.memref_slice %arg10[%mul3A_81, %dma_wait3A_93] : memref<10112x64xbf16, #tpu.memory_space<vmem_shared>> -> memref<632x64xbf16, #tpu.memory_space<vmem_shared>>
      tpu.wait_dma2 semaphore(%run_scoped3A_84 : memref<!tpu.dma_semaphore, #tpu.memory_space<semaphore_mem>>) src(%dma_wait3A_94 : memref<632x64xbf16, #tpu.memory_space<vmem_shared>>) dst(%dma_wait3A_92 : memref<632x64xbf16, #tpu.memory_space<hbm>>)
      tpu.yield
    }) : () -> ()
    "tpu.trace_stop"() : () -> ()
    return
  }
}

module attributes {stable_mosaic.version = 14 : i64} {
  func.func @_mlp_body(%arg0: i32, %arg1: memref<2000x128xf32, #tpu.memory_space<vmem>>, %arg2: memref<128x32xf32, #tpu.memory_space<vmem>>, %arg3: memref<1x32xf32, #tpu.memory_space<vmem>>, %arg4: memref<32x64xf32, #tpu.memory_space<vmem>>, %arg5: memref<1x64xf32, #tpu.memory_space<vmem>>, %arg6: memref<2000x64xbf16, #tpu.memory_space<vmem>>) attributes {dimension_semantics = [#tpu.dimension_semantics<arbitrary>], iteration_bounds = array<i64: 5>, scalar_prefetch = 0 : i64, scratch_operands = 0 : i64, tpu.core_type = #tpu.core_type<tc>, window_params = [{transform_indices = @transform_0, window_bounds = array<i64: 2000, 128>}, {pipeline_mode = #tpu.pipeline_mode<synchronous>, transform_indices = @transform_1, window_bounds = array<i64: 128, 32>}, {pipeline_mode = #tpu.pipeline_mode<synchronous>, transform_indices = @transform_2, window_bounds = array<i64: 1, 32>}, {pipeline_mode = #tpu.pipeline_mode<synchronous>, transform_indices = @transform_3, window_bounds = array<i64: 32, 64>}, {pipeline_mode = #tpu.pipeline_mode<synchronous>, transform_indices = @transform_4, window_bounds = array<i64: 1, 64>}, {transform_indices = @transform_5, window_bounds = array<i64: 2000, 64>}]} {
    %get3A = arith.constant 0 : index
    %get3A_0 = arith.constant 0 : index
    %get3A_1 = vector.load %arg1[%get3A, %get3A_0] : memref<2000x128xf32, #tpu.memory_space<vmem>>, vector<2000x128xf32>
    %get3A_2 = arith.constant 0 : index
    %get3A_3 = arith.constant 0 : index
    %get3A_4 = vector.load %arg2[%get3A_2, %get3A_3] : memref<128x32xf32, #tpu.memory_space<vmem>>, vector<128x32xf32>
    %dot_general3A = arith.constant dense<0.000000e+00> : vector<2000x32xf32>
    %dot_general3A_5 = tpu.matmul %get3A_1, %get3A_4, %dot_general3A {dimension_numbers = #tpu.dot_dimension_numbers<[1], [0], [0], [1], [0, 0, 1, 1], [], []>, transpose_lhs_hint = false} : vector<2000x128xf32>, vector<128x32xf32>, vector<2000x32xf32> -> vector<2000x32xf32>
    %get3A_6 = arith.constant 0 : index
    %get3A_7 = arith.constant 0 : index
    %get3A_8 = vector.load %arg3[%get3A_6, %get3A_7] : memref<1x32xf32, #tpu.memory_space<vmem>>, vector<1x32xf32>
    %add3A = vector.broadcast %get3A_8 : vector<1x32xf32> to vector<2000x32xf32>
    %add3A_9 = arith.addf %dot_general3A_5, %add3A : vector<2000x32xf32>
    %max3A = arith.constant 0.000000e+00 : f32
    %max3A_10 = vector.broadcast %max3A : f32 to vector<2000x32xf32>
    %max3A_11 = arith.maximumf %add3A_9, %max3A_10 : vector<2000x32xf32>
    %get3A_12 = arith.constant 0 : index
    %get3A_13 = arith.constant 0 : index
    %get3A_14 = vector.load %arg4[%get3A_12, %get3A_13] : memref<32x64xf32, #tpu.memory_space<vmem>>, vector<32x64xf32>
    %dot_general3A_15 = arith.constant dense<0.000000e+00> : vector<2000x64xf32>
    %dot_general3A_16 = tpu.matmul %max3A_11, %get3A_14, %dot_general3A_15 {dimension_numbers = #tpu.dot_dimension_numbers<[1], [0], [0], [1], [0, 0, 1, 1], [], []>, transpose_lhs_hint = false} : vector<2000x32xf32>, vector<32x64xf32>, vector<2000x64xf32> -> vector<2000x64xf32>
    %get3A_17 = arith.constant 0 : index
    %get3A_18 = arith.constant 0 : index
    %get3A_19 = vector.load %arg5[%get3A_17, %get3A_18] : memref<1x64xf32, #tpu.memory_space<vmem>>, vector<1x64xf32>
    %add3A_20 = vector.broadcast %get3A_19 : vector<1x64xf32> to vector<2000x64xf32>
    %add3A_21 = arith.addf %dot_general3A_16, %add3A_20 : vector<2000x64xf32>
    %reduce_max3A = arith.constant dense<0xFF800000> : vector<2000xf32>
    %reduce_max3A_22 = vector.multi_reduction <maximumf>, %add3A_21, %reduce_max3A [1] : vector<2000x64xf32> to vector<2000xf32>
    %broadcast_in_dim3A = vector.shape_cast %reduce_max3A_22 : vector<2000xf32> to vector<2000x1xf32>
    %sub3A = vector.broadcast %broadcast_in_dim3A : vector<2000x1xf32> to vector<2000x64xf32>
    %sub3A_23 = arith.subf %add3A_21, %sub3A : vector<2000x64xf32>
    %exp3A = math.exp %sub3A_23 : vector<2000x64xf32>
    %reduce_sum3A = arith.constant dense<0.000000e+00> : vector<2000xf32>
    %reduce_sum3A_24 = vector.multi_reduction <add>, %exp3A, %reduce_sum3A [1] : vector<2000x64xf32> to vector<2000xf32>
    %broadcast_in_dim3A_25 = vector.shape_cast %reduce_sum3A_24 : vector<2000xf32> to vector<2000x1xf32>
    %div3A = vector.broadcast %broadcast_in_dim3A_25 : vector<2000x1xf32> to vector<2000x64xf32>
    %div3A_26 = arith.divf %exp3A, %div3A : vector<2000x64xf32>
    %convert_element_type3A = arith.truncf %div3A_26 : vector<2000x64xf32> to vector<2000x64xbf16>
    %swap3A = arith.constant 0 : index
    %swap3A_27 = arith.constant 0 : index
    %swap3A_28 = vector.load %arg6[%swap3A, %swap3A_27] : memref<2000x64xbf16, #tpu.memory_space<vmem>>, vector<2000x64xbf16>
    tpu.vector_store %arg6[%swap3A, %swap3A_27], %convert_element_type3A {strides = array<i32>} : memref<2000x64xbf16, #tpu.memory_space<vmem>>, vector<2000x64xbf16>,
    return
  }
  func.func @transform_0(%arg0: i32) -> (i32, i32) {
    %c0_i32 = arith.constant 0 : i32
    %c0_i32_0 = arith.constant 0 : i32
    return %arg0, %c0_i32 : i32, i32
  }
  func.func @transform_1(%arg0: i32) -> (i32, i32) {
    %c0_i32 = arith.constant 0 : i32
    %c0_i32_0 = arith.constant 0 : i32
    %c0_i32_1 = arith.constant 0 : i32
    return %c0_i32, %c0_i32_0 : i32, i32
  }
  func.func @transform_2(%arg0: i32) -> (i32, i32) {
    %c0_i32 = arith.constant 0 : i32
    %c0_i32_0 = arith.constant 0 : i32
    %c0_i32_1 = arith.constant 0 : i32
    return %c0_i32, %c0_i32_0 : i32, i32
  }
  func.func @transform_3(%arg0: i32) -> (i32, i32) {
    %c0_i32 = arith.constant 0 : i32
    %c0_i32_0 = arith.constant 0 : i32
    %c0_i32_1 = arith.constant 0 : i32
    return %c0_i32, %c0_i32_0 : i32, i32
  }
  func.func @transform_4(%arg0: i32) -> (i32, i32) {
    %c0_i32 = arith.constant 0 : i32
    %c0_i32_0 = arith.constant 0 : i32
    %c0_i32_1 = arith.constant 0 : i32
    return %c0_i32, %c0_i32_0 : i32, i32
  }
  func.func @transform_5(%arg0: i32) -> (i32, i32) {
    %c0_i32 = arith.constant 0 : i32
    %c0_i32_0 = arith.constant 0 : i32
    return %arg0, %c0_i32 : i32, i32
  }
}

module attributes {stable_mosaic.version = 14 : i64} {
  func.func @_hop_body(%arg0: i32, %arg1: memref<2x1264x128xbf16, #tpu.memory_space<vmem>>, %arg2: memref<1264x128xf32, #tpu.memory_space<vmem>>, %arg3: memref<1264x128xbf16, #tpu.memory_space<vmem>>, %arg4: memref<1264x128xf32, #tpu.memory_space<vmem>>) attributes {dimension_semantics = [#tpu.dimension_semantics<arbitrary>], iteration_bounds = array<i64: 4>, scalar_prefetch = 0 : i64, scratch_operands = 0 : i64, tpu.core_type = #tpu.core_type<tc>, window_params = [{transform_indices = @transform_0, window_bounds = array<i64: 2, 1264, 128>}, {transform_indices = @transform_1, window_bounds = array<i64: 1264, 128>}, {transform_indices = @transform_2, window_bounds = array<i64: 1264, 128>}, {transform_indices = @transform_3, window_bounds = array<i64: 1264, 128>}]} {
    %get3A = arith.constant 0 : index
    %get3A_0 = arith.constant 0 : index
    %get3A_1 = arith.constant 0 : index
    %get3A_2 = vector.load %arg1[%get3A, %get3A_0, %get3A_1] : memref<2x1264x128xbf16, #tpu.memory_space<vmem>>, vector<1x1264x128xbf16>
    %get3A_3 = vector.shape_cast %get3A_2 : vector<1x1264x128xbf16> to vector<1264x128xbf16>
    %convert_element_type3A = arith.extf %get3A_3 : vector<1264x128xbf16> to vector<1264x128xf32>
    %get3A_4 = arith.constant 1 : index
    %get3A_5 = arith.constant 0 : index
    %get3A_6 = arith.constant 0 : index
    %get3A_7 = vector.load %arg1[%get3A_4, %get3A_5, %get3A_6] : memref<2x1264x128xbf16, #tpu.memory_space<vmem>>, vector<1x1264x128xbf16>
    %get3A_8 = vector.shape_cast %get3A_7 : vector<1x1264x128xbf16> to vector<1264x128xbf16>
    %convert_element_type3A_9 = arith.extf %get3A_8 : vector<1264x128xbf16> to vector<1264x128xf32>
    %add3A = arith.addf %convert_element_type3A, %convert_element_type3A_9 : vector<1264x128xf32>
    %mul3A = arith.constant 1.000000e+00 : f32
    %mul3A_10 = vector.broadcast %mul3A : f32 to vector<1264x128xf32>
    %mul3A_11 = arith.mulf %mul3A_10, %add3A : vector<1264x128xf32>
    %add3A_12 = arith.constant 5.000000e-01 : f32
    %add3A_13 = vector.broadcast %add3A_12 : f32 to vector<1264x128xf32>
    %add3A_14 = arith.addf %mul3A_11, %add3A_13 : vector<1264x128xf32>
    %logistic3A = arith.negf %add3A_14 : vector<1264x128xf32>
    %logistic3A_15 = math.exp %logistic3A : vector<1264x128xf32>
    %logistic3A_16 = arith.constant 1.000000e+00 : f32
    %logistic3A_17 = vector.broadcast %logistic3A_16 : f32 to vector<1264x128xf32>
    %logistic3A_18 = arith.addf %logistic3A_17, %logistic3A_15 : vector<1264x128xf32>
    %logistic3A_19 = arith.divf %logistic3A_17, %logistic3A_18 : vector<1264x128xf32>
    %convert_element_type3A_20 = arith.truncf %logistic3A_19 : vector<1264x128xf32> to vector<1264x128xbf16>
    %swap3A = arith.constant 0 : index
    %swap3A_21 = arith.constant 0 : index
    %swap3A_22 = vector.load %arg3[%swap3A, %swap3A_21] : memref<1264x128xbf16, #tpu.memory_space<vmem>>, vector<1264x128xbf16>
    tpu.vector_store %arg3[%swap3A, %swap3A_21], %convert_element_type3A_20 {strides = array<i32>} : memref<1264x128xbf16, #tpu.memory_space<vmem>>, vector<1264x128xbf16>,
    %slice3A = vector.extract_strided_slice %logistic3A_19 {offsets = [0, 0], sizes = [1264, 64], strides = [1, 1]} : vector<1264x128xf32> to vector<1264x64xf32>
    %reduce_max3A = arith.constant dense<0xFF800000> : vector<1264xf32>
    %reduce_max3A_23 = vector.multi_reduction <maximumf>, %slice3A, %reduce_max3A [1] : vector<1264x64xf32> to vector<1264xf32>
    %broadcast_in_dim3A = vector.shape_cast %reduce_max3A_23 : vector<1264xf32> to vector<1264x1xf32>
    %sub3A = vector.broadcast %broadcast_in_dim3A : vector<1264x1xf32> to vector<1264x64xf32>
    %sub3A_24 = arith.subf %slice3A, %sub3A : vector<1264x64xf32>
    %exp3A = math.exp %sub3A_24 : vector<1264x64xf32>
    %reduce_sum3A = arith.constant dense<0.000000e+00> : vector<1264xf32>
    %reduce_sum3A_25 = vector.multi_reduction <add>, %exp3A, %reduce_sum3A [1] : vector<1264x64xf32> to vector<1264xf32>
    %broadcast_in_dim3A_26 = vector.shape_cast %reduce_sum3A_25 : vector<1264xf32> to vector<1264x1xf32>
    %div3A = vector.broadcast %broadcast_in_dim3A_26 : vector<1264x1xf32> to vector<1264x64xf32>
    %div3A_27 = arith.divf %exp3A, %div3A : vector<1264x64xf32>
    %slice3A_28 = vector.extract_strided_slice %logistic3A_19 {offsets = [0, 64], sizes = [1264, 64], strides = [1, 1]} : vector<1264x128xf32> to vector<1264x64xf32>
    %reduce_max3A_29 = arith.constant dense<0xFF800000> : vector<1264xf32>
    %reduce_max3A_30 = vector.multi_reduction <maximumf>, %slice3A_28, %reduce_max3A_29 [1] : vector<1264x64xf32> to vector<1264xf32>
    %broadcast_in_dim3A_31 = vector.shape_cast %reduce_max3A_30 : vector<1264xf32> to vector<1264x1xf32>
    %sub3A_32 = vector.broadcast %broadcast_in_dim3A_31 : vector<1264x1xf32> to vector<1264x64xf32>
    %sub3A_33 = arith.subf %slice3A_28, %sub3A_32 : vector<1264x64xf32>
    %exp3A_34 = math.exp %sub3A_33 : vector<1264x64xf32>
    %reduce_sum3A_35 = arith.constant dense<0.000000e+00> : vector<1264xf32>
    %reduce_sum3A_36 = vector.multi_reduction <add>, %exp3A_34, %reduce_sum3A_35 [1] : vector<1264x64xf32> to vector<1264xf32>
    %broadcast_in_dim3A_37 = vector.shape_cast %reduce_sum3A_36 : vector<1264xf32> to vector<1264x1xf32>
    %div3A_38 = vector.broadcast %broadcast_in_dim3A_37 : vector<1264x1xf32> to vector<1264x64xf32>
    %div3A_39 = arith.divf %exp3A_34, %div3A_38 : vector<1264x64xf32>
    %concatenate3A = tpu.concatenate %div3A_27, %div3A_39 in 1 : vector<1264x64xf32>, vector<1264x64xf32> -> vector<1264x128xf32>
    %get3A_40 = arith.constant 0 : index
    %get3A_41 = arith.constant 0 : index
    %get3A_42 = vector.load %arg2[%get3A_40, %get3A_41] : memref<1264x128xf32, #tpu.memory_space<vmem>>, vector<1264x128xf32>
    %add3A_43 = arith.addf %get3A_42, %concatenate3A : vector<1264x128xf32>
    %swap3A_44 = arith.constant 0 : index
    %swap3A_45 = arith.constant 0 : index
    %swap3A_46 = vector.load %arg4[%swap3A_44, %swap3A_45] : memref<1264x128xf32, #tpu.memory_space<vmem>>, vector<1264x128xf32>
    tpu.vector_store %arg4[%swap3A_44, %swap3A_45], %add3A_43 {strides = array<i32>} : memref<1264x128xf32, #tpu.memory_space<vmem>>, vector<1264x128xf32>,
    return
  }
  func.func @transform_0(%arg0: i32) -> (i32, i32, i32) {
    %c0_i32 = arith.constant 0 : i32
    %c0_i32_0 = arith.constant 0 : i32
    %c0_i32_1 = arith.constant 0 : i32
    return %c0_i32, %arg0, %c0_i32_0 : i32, i32, i32
  }
  func.func @transform_1(%arg0: i32) -> (i32, i32) {
    %c0_i32 = arith.constant 0 : i32
    %c0_i32_0 = arith.constant 0 : i32
    return %arg0, %c0_i32 : i32, i32
  }
  func.func @transform_2(%arg0: i32) -> (i32, i32) {
    %c0_i32 = arith.constant 0 : i32
    %c0_i32_0 = arith.constant 0 : i32
    return %arg0, %c0_i32 : i32, i32
  }
  func.func @transform_3(%arg0: i32) -> (i32, i32) {
    %c0_i32 = arith.constant 0 : i32
    %c0_i32_0 = arith.constant 0 : i32
    return %arg0, %c0_i32 : i32, i32
  }
}

module attributes {stable_mosaic.version = 14 : i64} {
  func.func @_hop_body(%arg0: i32, %arg1: memref<2x1264x128xbf16, #tpu.memory_space<vmem>>, %arg2: memref<1264x128xf32, #tpu.memory_space<vmem>>, %arg3: memref<1264x128xbf16, #tpu.memory_space<vmem>>, %arg4: memref<1264x128xf32, #tpu.memory_space<vmem>>) attributes {dimension_semantics = [#tpu.dimension_semantics<arbitrary>], iteration_bounds = array<i64: 4>, scalar_prefetch = 0 : i64, scratch_operands = 0 : i64, tpu.core_type = #tpu.core_type<tc>, window_params = [{transform_indices = @transform_0, window_bounds = array<i64: 2, 1264, 128>}, {transform_indices = @transform_1, window_bounds = array<i64: 1264, 128>}, {transform_indices = @transform_2, window_bounds = array<i64: 1264, 128>}, {transform_indices = @transform_3, window_bounds = array<i64: 1264, 128>}]} {
    %get3A = arith.constant 0 : index
    %get3A_0 = arith.constant 0 : index
    %get3A_1 = arith.constant 0 : index
    %get3A_2 = vector.load %arg1[%get3A, %get3A_0, %get3A_1] : memref<2x1264x128xbf16, #tpu.memory_space<vmem>>, vector<1x1264x128xbf16>
    %get3A_3 = vector.shape_cast %get3A_2 : vector<1x1264x128xbf16> to vector<1264x128xbf16>
    %convert_element_type3A = arith.extf %get3A_3 : vector<1264x128xbf16> to vector<1264x128xf32>
    %get3A_4 = arith.constant 1 : index
    %get3A_5 = arith.constant 0 : index
    %get3A_6 = arith.constant 0 : index
    %get3A_7 = vector.load %arg1[%get3A_4, %get3A_5, %get3A_6] : memref<2x1264x128xbf16, #tpu.memory_space<vmem>>, vector<1x1264x128xbf16>
    %get3A_8 = vector.shape_cast %get3A_7 : vector<1x1264x128xbf16> to vector<1264x128xbf16>
    %convert_element_type3A_9 = arith.extf %get3A_8 : vector<1264x128xbf16> to vector<1264x128xf32>
    %add3A = arith.addf %convert_element_type3A, %convert_element_type3A_9 : vector<1264x128xf32>
    %mul3A = arith.constant 1.000000e+00 : f32
    %mul3A_10 = vector.broadcast %mul3A : f32 to vector<1264x128xf32>
    %mul3A_11 = arith.mulf %mul3A_10, %add3A : vector<1264x128xf32>
    %add3A_12 = arith.constant 5.000000e-01 : f32
    %add3A_13 = vector.broadcast %add3A_12 : f32 to vector<1264x128xf32>
    %add3A_14 = arith.addf %mul3A_11, %add3A_13 : vector<1264x128xf32>
    %logistic3A = arith.negf %add3A_14 : vector<1264x128xf32>
    %logistic3A_15 = math.exp %logistic3A : vector<1264x128xf32>
    %logistic3A_16 = arith.constant 1.000000e+00 : f32
    %logistic3A_17 = vector.broadcast %logistic3A_16 : f32 to vector<1264x128xf32>
    %logistic3A_18 = arith.addf %logistic3A_17, %logistic3A_15 : vector<1264x128xf32>
    %logistic3A_19 = arith.divf %logistic3A_17, %logistic3A_18 : vector<1264x128xf32>
    %convert_element_type3A_20 = arith.truncf %logistic3A_19 : vector<1264x128xf32> to vector<1264x128xbf16>
    %swap3A = arith.constant 0 : index
    %swap3A_21 = arith.constant 0 : index
    %swap3A_22 = vector.load %arg3[%swap3A, %swap3A_21] : memref<1264x128xbf16, #tpu.memory_space<vmem>>, vector<1264x128xbf16>
    tpu.vector_store %arg3[%swap3A, %swap3A_21], %convert_element_type3A_20 {strides = array<i32>} : memref<1264x128xbf16, #tpu.memory_space<vmem>>, vector<1264x128xbf16>,
    %slice3A = vector.extract_strided_slice %logistic3A_19 {offsets = [0, 0], sizes = [1264, 64], strides = [1, 1]} : vector<1264x128xf32> to vector<1264x64xf32>
    %reduce_max3A = arith.constant dense<0xFF800000> : vector<1264xf32>
    %reduce_max3A_23 = vector.multi_reduction <maximumf>, %slice3A, %reduce_max3A [1] : vector<1264x64xf32> to vector<1264xf32>
    %broadcast_in_dim3A = vector.shape_cast %reduce_max3A_23 : vector<1264xf32> to vector<1264x1xf32>
    %sub3A = vector.broadcast %broadcast_in_dim3A : vector<1264x1xf32> to vector<1264x64xf32>
    %sub3A_24 = arith.subf %slice3A, %sub3A : vector<1264x64xf32>
    %exp3A = math.exp %sub3A_24 : vector<1264x64xf32>
    %reduce_sum3A = arith.constant dense<0.000000e+00> : vector<1264xf32>
    %reduce_sum3A_25 = vector.multi_reduction <add>, %exp3A, %reduce_sum3A [1] : vector<1264x64xf32> to vector<1264xf32>
    %broadcast_in_dim3A_26 = vector.shape_cast %reduce_sum3A_25 : vector<1264xf32> to vector<1264x1xf32>
    %div3A = vector.broadcast %broadcast_in_dim3A_26 : vector<1264x1xf32> to vector<1264x64xf32>
    %div3A_27 = arith.divf %exp3A, %div3A : vector<1264x64xf32>
    %slice3A_28 = vector.extract_strided_slice %logistic3A_19 {offsets = [0, 64], sizes = [1264, 64], strides = [1, 1]} : vector<1264x128xf32> to vector<1264x64xf32>
    %reduce_max3A_29 = arith.constant dense<0xFF800000> : vector<1264xf32>
    %reduce_max3A_30 = vector.multi_reduction <maximumf>, %slice3A_28, %reduce_max3A_29 [1] : vector<1264x64xf32> to vector<1264xf32>
    %broadcast_in_dim3A_31 = vector.shape_cast %reduce_max3A_30 : vector<1264xf32> to vector<1264x1xf32>
    %sub3A_32 = vector.broadcast %broadcast_in_dim3A_31 : vector<1264x1xf32> to vector<1264x64xf32>
    %sub3A_33 = arith.subf %slice3A_28, %sub3A_32 : vector<1264x64xf32>
    %exp3A_34 = math.exp %sub3A_33 : vector<1264x64xf32>
    %reduce_sum3A_35 = arith.constant dense<0.000000e+00> : vector<1264xf32>
    %reduce_sum3A_36 = vector.multi_reduction <add>, %exp3A_34, %reduce_sum3A_35 [1] : vector<1264x64xf32> to vector<1264xf32>
    %broadcast_in_dim3A_37 = vector.shape_cast %reduce_sum3A_36 : vector<1264xf32> to vector<1264x1xf32>
    %div3A_38 = vector.broadcast %broadcast_in_dim3A_37 : vector<1264x1xf32> to vector<1264x64xf32>
    %div3A_39 = arith.divf %exp3A_34, %div3A_38 : vector<1264x64xf32>
    %concatenate3A = tpu.concatenate %div3A_27, %div3A_39 in 1 : vector<1264x64xf32>, vector<1264x64xf32> -> vector<1264x128xf32>
    %get3A_40 = arith.constant 0 : index
    %get3A_41 = arith.constant 0 : index
    %get3A_42 = vector.load %arg2[%get3A_40, %get3A_41] : memref<1264x128xf32, #tpu.memory_space<vmem>>, vector<1264x128xf32>
    %add3A_43 = arith.addf %get3A_42, %concatenate3A : vector<1264x128xf32>
    %swap3A_44 = arith.constant 0 : index
    %swap3A_45 = arith.constant 0 : index
    %swap3A_46 = vector.load %arg4[%swap3A_44, %swap3A_45] : memref<1264x128xf32, #tpu.memory_space<vmem>>, vector<1264x128xf32>
    tpu.vector_store %arg4[%swap3A_44, %swap3A_45], %add3A_43 {strides = array<i32>} : memref<1264x128xf32, #tpu.memory_space<vmem>>, vector<1264x128xf32>,
    return
  }
  func.func @transform_0(%arg0: i32) -> (i32, i32, i32) {
    %c0_i32 = arith.constant 0 : i32
    %c0_i32_0 = arith.constant 0 : i32
    %c0_i32_1 = arith.constant 0 : i32
    return %c0_i32, %arg0, %c0_i32_0 : i32, i32, i32
  }
  func.func @transform_1(%arg0: i32) -> (i32, i32) {
    %c0_i32 = arith.constant 0 : i32
    %c0_i32_0 = arith.constant 0 : i32
    return %arg0, %c0_i32 : i32, i32
  }
  func.func @transform_2(%arg0: i32) -> (i32, i32) {
    %c0_i32 = arith.constant 0 : i32
    %c0_i32_0 = arith.constant 0 : i32
    return %arg0, %c0_i32 : i32, i32
  }
  func.func @transform_3(%arg0: i32) -> (i32, i32) {
    %c0_i32 = arith.constant 0 : i32
    %c0_i32_0 = arith.constant 0 : i32
    return %arg0, %c0_i32 : i32, i32
  }
}

</mosaic_0001>

<sc_bundles>
// kernel: kernel.12.cloned.1.call-start
scs
__scs_entry_jumppad:
0x0: {  	(pc) =	sbr.rel $0x88, $3  }
0x1: {  	(tag) =	ssettag $0x0;
	lr =	simm.s32 $0x1  }
0x2: {  	[smem:$0x3F9B] =	sst lr;
	_ =	strace $0xD0000000  }
0x3: {  	_ = 	snop  }
0x4: {  	_ = 	snop  }
0x5: {  	_ = 	snop  }
0x6: {  	_ = 	snop  }
0x7: {  	_ = 	snop  }
__scs_overlays_trampoline_lowered:
0x8: {  	[smem:$0x3FAA] =	sst s0  }
0x9: {  	[smem:$0x3FAB] =	sst s1  }
0xa: {  	[smem:$0x3FAC] =	sst s2  }
0xb: {  	[smem:$0x3FAD] =	sst s3  }
0xc: {  	[smem:$0x3FAE] =	sst s4  }
0xd: {  	[smem:$0x3FAF] =	sst s5  }
0xe: {  	[smem:$0x3FB0] =	sst s6  }
0xf: {  	[smem:$0x3FB1] =	sst s7  }
0x10: {  	[smem:$0x3FB2] =	sst s8  }
0x11: {  	[smem:$0x3FB3] =	sst s9;
	s0 =	simm.s32 @!p0 $0x0  }
0x12: {  	s1 =	sld [smem:$0x3F99];
	s0 =	simm.s32 @p0 $0x1  }
0x13: {  	[smem:$0x3FB4] =	sst s0;
	s0 =	simm.s32 @!p1 $0x0  }
0x14: {  	s2 =	sld [smem:$0x3F98];
	s0 =	simm.s32 @p1 $0x1  }
0x15: {  	[smem:$0x3FB5] =	sst s0;
	s0 =	simm.s32 @!p2 $0x0  }
0x16: {  	s3 =	sld [smem:$0x3FDB];
	s0 =	simm.s32 @p2 $0x1  }
0x17: {  	s4 =	simm.s32 $0x1BF5;
	[smem:$0x3FB7] =	sst s0  }
0x18: {  	s0 =	sld [smem:$0x3F9A];
	_ =	swait.ge [sflag:s4], $0x0  }
0x19: {  	s7 =	sld [smem:$0x3F9B]  }
0x1a: {  	s8 =	sadd.s32 $0xFFFFE003, lr  }
0x1b: {  	s9 =	sadd.s32 $0xFFFFFEF7, lr;
	s5 =	simm.s32 $0xFFFFFFFF;
	p2 =	slt.u32 s8, $0xFFFFF086  }
0x1c: {  	p1 =	slt.u32 s9, $0xF7A;
	s5 =	simm.s32 @!p2 $0x0  }
0x1d: {  	s5 =	simm.s32 @p1 $0x1;
	p0 =	seq.s32 s7, s2  }
0x1e: {  	s7 =	smul.u32 @!p0 $0xF7A, s2;
	p2 =	seq.s32 @!p0 s5, $0x0  }
0x1f: {  	s9 =	smul.u32 $0xF7A, s1;
	s8 =	simm.s32 @!p0 $0x1BF5;
	p2 =	por !p2, p0  }
0x20: {  	[sflag:s8] =	ssyncset.s32 @!p0 $0xFFFFF086;
	s6 =	sadd.s32 @!p0 s3, s7;
	s7 =	simm.s32 @!p0 $0x108  }
0x21: {  	s3 =	sadd.s32 s3, s9;
	s6 =	sadd.s32 @!p0 $0x88, s6;
	s7 =	simm.s32 @p2 $0x1082  }
0x22: {  	[simem:s7], [sflag:s8] =	dma.local @!p0 [hbm:s6], $0xF7A  }
0x23: {  	s9 =	sor.u32 $0xD0000000, s2;
	s6 =	simm.s32 $0x108;
	_ =	swait.ge @!p0 [sflag:s8], $0x0  }
0x24: {  	s3 =	sadd.s32 $0x88, s3;
	s6 =	simm.s32 @!p1 $0x1082;
	[sflag:s4] =	ssyncset.s32 $0xFFFFF086  }
0x25: {  	[simem:s6], [sflag:s4] =	dma.local [hbm:s3], $0xF7A  }
0x26: {  	[smem:$0x3F9B] =	sst s1;
	(tag) =	ssettag s2;
	_ =	strace s9  }
0x27: {  	s1 =	sld [smem:$0x3FAB]  }
0x28: {  	s2 =	sld [smem:$0x3FAC]  }
0x29: {  	s4 =	sld [smem:$0x3FAE]  }
0x2a: {  	p0 =	seq.s32 s5, $0x0;
	s5 =	sld [smem:$0x3FAF]  }
0x2b: {  	s6 =	sld [smem:$0x3FB0]  }
0x2c: {  	s7 =	sld [smem:$0x3FB1]  }
0x2d: {  	s3 =	simm.s32 $0x108;
	s8 =	sld [smem:$0x3FB2]  }
0x2e: {  	s3 =	simm.s32 @!p0 $0x1082;
	s9 =	sld [smem:$0x3FB3]  }
0x2f: {  	lr =	sadd.s32 s0, s3;
	s0 =	sld [smem:$0x3FAA]  }
0x30: {  	s3 =	sld [smem:$0x3FAD]  }
0x31: {  	[smem:$0x3FB6] =	sst s10  }
0x32: {  	s10 =	sld [smem:$0x3FB4];
	_ =	sdelay $0x3  }
0x33: {  	p0 =	seq.s32 s10, $0x1;
	s10 =	sld [smem:$0x3FB6];
	_ =	sdelay $0x3  }
0x34: {  	[smem:$0x3FB6] =	sst s10  }
0x35: {  	s10 =	sld [smem:$0x3FB5];
	_ =	sdelay $0x3  }
0x36: {  	p1 =	seq.s32 s10, $0x1;
	s10 =	sld [smem:$0x3FB6];
	_ =	sdelay $0x3  }
0x37: {  	[smem:$0x3FB6] =	sst s10  }
0x38: {  	s10 =	sld [smem:$0x3FB7]  }
0x39: {  	_ = 	snop;
	(pc) =	sbr.ind lr, $3  }
0x3a: {  	_ = 	snop  }
0x3b: {  	_ = 	snop  }
0x3c: {  	p2 =	seq.s32 s10, $0x1;
	s10 =	sld [smem:$0x3FB6]  }
0x3d: {  	_ =	shalt  }
0x3e: {  	_ =	shalt  }
0x3f: {  	_ =	shalt  }
0x40: {  	_ =	shalt  }
0x41: {  	_ =	shalt  }
0x42: {  	_ =	shalt  }
0x43: {  	_ =	shalt  }
0x44: {  	_ =	shalt  }
0x45: {  	_ =	shalt  }
0x46: {  	_ =	shalt  }
0x47: {  	_ =	shalt  }
0x48: {  	_ =	shalt  }
0x49: {  	_ =	shalt  }
0x4a: {  	_ =	shalt  }
0x4b: {  	_ =	shalt  }
0x4c: {  	_ =	shalt  }
0x4d: {  	_ =	shalt  }
0x4e: {  	_ =	shalt  }
0x4f: {  	_ =	shalt  }
0x50: {  	_ =	shalt  }
0x51: {  	_ =	shalt  }
0x52: {  	_ =	shalt  }
0x53: {  	_ =	shalt  }
0x54: {  	_ =	shalt  }
0x55: {  	_ =	shalt  }
0x56: {  	_ =	shalt  }
0x57: {  	_ =	shalt  }
0x58: {  	_ =	shalt  }
0x59: {  	_ =	shalt  }
0x5a: {  	_ =	shalt  }
0x5b: {  	_ =	shalt  }
0x5c: {  	_ =	shalt  }
0x5d: {  	_ =	shalt  }
0x5e: {  	_ =	shalt  }
0x5f: {  	_ =	shalt  }
0x60: {  	_ =	shalt  }
0x61: {  	_ =	shalt  }
0x62: {  	_ =	shalt  }
0x63: {  	_ =	shalt  }
0x64: {  	_ =	shalt  }
0x65: {  	_ =	shalt  }
0x66: {  	_ =	shalt  }
0x67: {  	_ =	shalt  }
0x68: {  	_ =	shalt  }
0x69: {  	_ =	shalt  }
0x6a: {  	_ =	shalt  }
0x6b: {  	_ =	shalt  }
0x6c: {  	_ =	shalt  }
0x6d: {  	_ =	shalt  }
0x6e: {  	_ =	shalt  }
0x6f: {  	_ =	shalt  }
0x70: {  	_ =	shalt  }
0x71: {  	_ =	shalt  }
0x72: {  	_ =	shalt  }
0x73: {  	_ =	shalt  }
0x74: {  	_ =	shalt  }
0x75: {  	_ =	shalt  }
0x76: {  	_ =	shalt  }
0x77: {  	_ =	shalt  }
0x78: {  	_ =	shalt  }
0x79: {  	_ =	shalt  }
0x7a: {  	_ =	shalt  }
0x7b: {  	_ =	shalt  }
0x7c: {  	_ =	shalt  }
0x7d: {  	_ =	shalt  }
0x7e: {  	_ =	shalt  }
0x7f: {  	_ =	shalt  }
0x80: {  	_ =	shalt  }
0x81: {  	_ =	shalt  }
0x82: {  	_ =	shalt  }
0x83: {  	_ =	shalt  }
0x84: {  	_ =	shalt  }
0x85: {  	_ =	shalt  }
0x86: {  	_ =	shalt  }
0x87: {  	_ =	shalt  }
.Lfunc_end0:
.L_simem_size_0:
called_computation.1_lowered:
.L_overlay_start_0:
0x88: {  	s2 =	sld [smem:$0x3FD9]  }
0x89: {  	s3 =	sld [smem:$0x3FFE];
	_ =	sdelay $0x1  }
0x8a: {  	s1 =	srdreg.scid  }
0x8b: {  	s0 =	sand.u32 $0x1, s1  }
0x8c: {  	s17 =	sshll.u32 s0, $0xA;
	s2 =	sadd.s32 s3, s2  }
0x8d: {  	s2 =	sadd.s32 s2, s17  }
0x8e: {  	[smem:$0x3FC2] =	sst s2  }
0x8f: {  	_ = 	snop  }
0x90: {  	s2 =	sld [smem:$0x3FD0];
	(tm) =	ssettm $0x1  }
0x91: {  	s18 =	sld [smem:$0x3FFB];
	_ =	sdelay $0x3  }
0x92: {  	_ =	strace s18  }
0x93: {  	s3 =	sld [smem:$0x3FFC];
	_ =	sdelay $0x3  }
0x94: {  	_ =	strace s3  }
0x95: {  	s3 =	sld [smem:$0x3FFD];
	_ =	sdelay $0x3  }
0x96: {  	_ =	strace s3  }
0x97: {  	_ =	strace $0x8FFFFFFF  }
0x98: {  	s19 =	sld [smem:$0x3FDB];
	_ =	sdelay $0x1  }
0x99: {  	s4 =	simm.s32 $_scs_section_size  }
0x9a: {  	s5 =	simm.s32 $_size__tile_overlayer_lowered;
	s6 =	simm.s32 $_tile_overlayer_lowered  }
0x9b: {  	s22 =	simm.s32 $0x1BFF;
	s21 =	sshll.u32 s6, $0x1;
	s3 =	sadd.s32 s4, s19  }
0x9c: {  	s7 =	simm.s32 $0x0;
	s20 =	sshll.u32 s5, $0x1;
	s5 =	sadd.s32 s21, s3  }
0x9d: {  	[timem:s7], [sflag:s22] =	dma.local [hbm:s5], s20  }
0x9e: {  	_ =	swait.ge [sflag:s22], s20  }
0x9f: {  	s4 =	ssub.s32 $0x0, s20;
	[sflag:s22] =	ssyncset.done $0x0  }
0xa0: {  	[sflag:s22] =	ssyncadd.s32 s4;
	_ =	sdelay $0x1  }
0xa1: {  	s23 =	simm.s32 $0x1B8B  }
0xa2: {  	_ =	swait.ge [sflag:s23], $0x1  }
0xa3: {  	[sflag:s23] =	ssyncset.done $0x0  }
0xa4: {  	s25 =	simm.s32 $0x1B8E;
	s24 =	sld [smem:$0x3FFE];
	[sflag:s23] =	ssyncadd.s32 $0xFFFFFFFF  }
0xa5: {  	s26 =	simm.s32 $execute0_lowered;
	[smem:$0x3FD2] =	sst s25  }
0xa6: {  	s5 =	sshll.u32 s26, $0x1;
	_ =	strace $0x8000004C;
	[dreg:$0x1] =	wrdreg $0xFFFFFFFF  }
0xa7: {  	s28 =	simm.s32 $_size_execute0_lowered;
	s3 =	sadd.s32 s3, s5;
	[dreg:$0x0] =	wrdreg $0x0  }
0xa8: {  	s5 =	sshll.u32 s28, $0x1;
	[dreg:$0x2] =	wrdreg s3  }
0xa9: {  	[dreg:$0x3] =	wrdreg s5  }
0xaa: {  	[dreg:$0x4] =	wrdreg $0xC0  }
0xab: {  	_ =	task [dreg:s7], $0x5FFFF  }
0xac: {  	[dreg:$0x1] =	wrdreg $0xFFFFFFFF  }
0xad: {  	[dreg:$0x0] =	wrdreg $0x60  }
0xae: {  	[dreg:$0x2] =	wrdreg s24  }
0xaf: {  	[dreg:$0x3] =	wrdreg s2  }
0xb0: {  	[dreg:$0x4] =	wrdreg $0xBF000  }
0xb1: {  	[dreg:$0x5] =	wrdreg $0x70000  }
0xb2: {  	[dreg:$0x6] =	wrdreg $0x9  }
0xb3: {  	_ =	task.clear_ibuf [dreg:s7], $0x7FFFF;
	_ =	strace $0x9000004C  }
0xb4: {  	s29 =	simm.s32 $0x9;
	_ =	strace $0x80000051  }
0xb5: {  	_ =	swait.ge [sflag:s29], $0x1  }
0xb6: {  	[sflag:s29] =	ssyncadd.s32 $0xFFFFFFFF  }
0xb7: {  	_ =	strace $0x90000051  }
0xb8: {  	_ =	sfence  }
0xb9: {  	s30 =	sld [smem:$0x0];
	_ =	sdelay $0x2  }
0xba: {  	s31 =	sshll.u32 s1, $0xD;
	s1 =	sshrl.u32 s1, $0x2  }
0xbb: {  	s3 =	sand.u32 $0x4000, s31;
	s1 =	sadd.s32 s1, s30  }
0xbc: {  	s0 =	sor.u32 s3, s0;
	s1 =	sshll.u32 s1, $0x11  }
0xbd: {  	s0 =	sor.u32 s1, s0  }
0xbe: {  	s0 =	sadd.s32 $0x8F2B, s0  }
0xbf: {  	[sflag:s0] =	ssyncadd.remote.s32 $0x1  }
0xc0: {  	_ =	sfence.sel $0xFFFF  }
0xc1: {  	[dreg:$0x0] =	wrdreg $0xFFFFFFFF;
	(pc) =	sbr.abs _section_cstart, $3  }
0xc2: {  	[dreg:$0x1] =	wrdreg $0xFFFFFFFF  }
0xc3: {  	_ =	task.clear_ibuf [dreg:s7], $0x2FFFF;
	_ =	strace $0x9FFFFFFF  }
0xc4: {  	(tm) =	ssettm $0x7FFFFFFF  }
0xc5: {  	_ =	shalt  }
tec
execute0_lowered:
.L_overlay_start_1:
0x0: {  	(tag) =	ssettag $0x1  }
0x1: {  	s5 =	rddreg [dreg:$0x0]  }
0x2: {  	s9 =	rddreg [dreg:$0x1]  }
0x3: {  	s2 =	rddreg [dreg:$0x2]  }
0x4: {  	s0 =	srdreg.scid;
	s3 =	rddreg [dreg:$0x3]  }
0x5: {  	s4 =	simm.s32 $0x0;
	s16 =	simm.s32 $0x80;
	s17 =	simm.s32 $0x5000  }
0x6: {  	s18 =	simm.s32 $0x2880;
	s19 =	simm.s32 $0x6000;
	s20 =	simm.s32 $0x1  }
0x7: {  	s21 =	simm.s32 $0x2;
	s22 =	simm.s32 $0x2700;
	s23 =	simm.s32 $0x2780  }
0x8: {  	s24 =	simm.s32 $0x0;
	s11 =	sand.u32 $0x1, s0;
	s0 =	stileid.u32  }
0x9: {  	[smem:$0x7FF] =	sst s4;
	s1 =	sshll.u32 s11, $0x4;
	s7 =	smul.u32 $0x9E00, s0  }
0xa: {  	s28 =	ssub.s32 $0x2, s11;
	s13 =	smul.u32 $0x9E000, s11;
	p0 =	seq.s32 s11, $0x0  }
0xb: {  	s31 =	sshll.u32 s0, $0x6;
	s6 =	sor.u32 s0, s1;
	s1 =	rddreg [dreg:$0x4]  }
0xc: {  	_ =	strace $0x8000004D;
	s12 =	sshrl.u32 s28, $0x1;
	s11 =	sor.u32 $0x1C03, s31  }
0xd: {  	s6 =	smul.u32 $0x500, s6;
	s10 =	sshrl.u32 s7, $0x4;
	s12 =	ssub.s32 s28, s12  }
0xe: {  	s29 =	sshrl.u32 s7, $0x1;
	s7 =	sadd.s32 s7, s13;
	s13 =	simm.s32 $0x3  }
0xf: {  	s10 =	sadd.s32 s10, s5;
	s14 =	sadd.s32 s29, s2;
	s15 =	sadd.s32 s29, s3  }
0x10: {  	s30 =	sshrl.u32 s7, $0x4;
	s8 =	sadd.s32 s6, s5;
	s5 =	sadd.s32 $0xB400, s10  }
0x11: {  	s6 =	sadd.s32 $0x1600, s10;
	s9 =	sadd.s32 s9, s30;
	s10 =	smax.u32 s12, $0x1  }
0x12: {  	s12 =	sshrl.u32 s14, $0x3;
	s14 =	sshrl.u32 s15, $0x3;
	s15 =	simm.s32 $0x2800  }
0x13: {  	s7 =	sadd.s32 $0x1F200, s8;
	s8 =	sadd.s32 $0x15200, s8;
	s6 =	smov.u32 @p0 s5  }
.LBB2_1:
0x14: {  	_ =	strace $0x8000004E  }
0x15: {  	[spmem:s12], [sflag:s11] =	dma.local [hbm:s5], $0x9E0  }
0x16: {  	_ =	swait.ge [sflag:s13], $0x9E0  }
0x17: {  	[sflag:s13] =	ssyncset.done $0x0  }
0x18: {  	[sflag:s13] =	ssyncadd.s32 $0xFFFFF620  }
0x19: {  	[spmem:s14], [sflag:s11] =	dma.local [hbm:s6], $0x9E0  }
0x1a: {  	_ =	swait.ge [sflag:s13], $0x9E0  }
0x1b: {  	[sflag:s13] =	ssyncset.done $0x0  }
0x1c: {  	[sflag:s13] =	ssyncadd.s32 $0xFFFFF620  }
0x1d: {  	[tilespmem:s4], [sflag:$0x3] =	stream.linear.gather [hbm4b:s7+s4], $0x2800, $0x200038;
	[tilespmem:$0x10E00] =	vst v63  }
0x1e: {  	_ =	swait.ge [sflag:s13], $0x2800  }
0x1f: {  	[sflag:s13] =	ssyncset.done $0x0  }
0x20: {  	[sflag:s13] =	ssyncadd.s32 $0xFFFFD800  }
0x21: {  	[tilespmem:s15], [sflag:$0x3] =	stream.linear.gather [hbm4b:s8+s4], $0x2800, $0x200038;
	[tilespmem:$0x10E00] =	vst v63  }
0x22: {  	_ =	swait.ge [sflag:s13], $0x2800  }
0x23: {  	[sflag:s13] =	ssyncset.done $0x0  }
0x24: {  	[sflag:s13] =	ssyncadd.s32 $0xFFFFD800  }
0x25: {  	[bflag:$0x0] =	sbarrier.arrive $0xFFFF  }
0x26: {  	_ =	strace $0x9000004E  }
0x27: {  	_ =	strace $0x8000004F  }
0x28: {  	[tilespmem:s17], [sflag:$0x1] =	stream.indirect.gather [spmem:s2], $0x20, s15, s16, $0x2000b8;
	[tilespmem:$0x10E00] =	vst v63  }
0x29: {  	_ = 	snop  }
0x2a: {  	[tilespmem:s19], [sflag:$0x2] =	stream.indirect.gather [spmem:s2], $0x20, s18, s16, $0x2000b8;
	[tilespmem:$0x10E00] =	vst v63  }
0x2b: {  	_ =	swait.ge [sflag:s20], $0x1000  }
0x2c: {  	[sflag:s20] =	ssyncset.done $0x0  }
0x2d: {  	s25 =	simm.s32 $0x0;
	[sflag:s20] =	ssyncadd.s32 $0xFFFFF000  }
0x2e: {  	[spmem:s3] =	stream.indirect.scatter.add.bf16 [tilespmem:s17], [sflag:$0x3], $0x20, s25, s16, $0x2000b8;
	[tilespmem:$0x10E00] =	vst v63  }
0x2f: {  	_ =	swait.ge [sflag:s13], $0x1000  }
0x30: {  	[sflag:s13] =	ssyncset.done $0x0  }
0x31: {  	s30 =	simm.s32 $0x2900;
	[sflag:s13] =	ssyncadd.s32 $0xFFFFF000  }
0x32: {  	[tilespmem:s17], [sflag:$0x1] =	stream.indirect.gather [spmem:s2], $0x20, s30, s16, $0x2000b8;
	[tilespmem:$0x10E00] =	vst v63  }
0x33: {  	_ =	swait.ge [sflag:s21], $0x1000  }
0x34: {  	[sflag:s21] =	ssyncset.done $0x0  }
0x35: {  	s31 =	simm.s32 $0x80;
	[sflag:s21] =	ssyncadd.s32 $0xFFFFF000  }
0x36: {  	[spmem:s3] =	stream.indirect.scatter.add.bf16 [tilespmem:s19], [sflag:$0x3], $0x20, s31, s16, $0x2000b8;
	[tilespmem:$0x10E00] =	vst v63  }
0x37: {  	_ =	swait.ge [sflag:s13], $0x1000  }
0x38: {  	[sflag:s13] =	ssyncset.done $0x0  }
0x39: {  	s26 =	simm.s32 $0x2980;
	s25 =	simm.s32 $0x400;
	[sflag:s13] =	ssyncadd.s32 $0xFFFFF000  }
.LBB2_2:
0x3a: {  	[tilespmem:s19], [sflag:$0x2] =	stream.indirect.gather [spmem:s2], $0x20, s26, s16, $0x2000b8;
	[tilespmem:$0x10E00] =	vst v63  }
0x3b: {  	s26 =	smov.u32 s25  }
0x3c: {  	p0 =	sne.s32 s25, $0x9800;
	s25 =	sadd.s32 $0x400, s25;
	_ =	swait.ge [sflag:s20], $0x1000  }
0x3d: {  	[sflag:s20] =	ssyncset.done $0x0  }
0x3e: {  	s26 =	sshra.s32 s26, $0x2;
	[sflag:s20] =	ssyncadd.s32 $0xFFFFF000  }
0x3f: {  	[spmem:s3] =	stream.indirect.scatter.add.bf16 [tilespmem:s17], [sflag:$0x3], $0x20, s26, s16, $0x2000b8;
	[tilespmem:$0x10E00] =	vst v63  }
0x40: {  	_ =	swait.ge [sflag:s13], $0x1000  }
0x41: {  	[sflag:s13] =	ssyncset.done $0x0  }
0x42: {  	s28 =	sadd.s32 $0x2900, s26;
	[sflag:s13] =	ssyncadd.s32 $0xFFFFF000  }
0x43: {  	[tilespmem:s17], [sflag:$0x1] =	stream.indirect.gather [spmem:s2], $0x20, s28, s16, $0x2000b8;
	[tilespmem:$0x10E00] =	vst v63  }
0x44: {  	_ =	swait.ge [sflag:s21], $0x1000  }
0x45: {  	[sflag:s21] =	ssyncset.done $0x0  }
.Ltmp0:
0x46: {  	s28 =	sadd.s32 $0x80, s26;
	[sflag:s21] =	ssyncadd.s32 $0xFFFFF000;
	(pc) =	sbr.rel @p0 .LBB2_2-.Ltmp0, $4  }
0x47: {  	[spmem:s3] =	stream.indirect.scatter.add.bf16 [tilespmem:s19], [sflag:$0x3], $0x20, s28, s16, $0x2000b8;
	[tilespmem:$0x10E00] =	vst v63  }
0x48: {  	_ =	swait.ge [sflag:s13], $0x1000  }
0x49: {  	[sflag:s13] =	ssyncset.done $0x0  }
0x4a: {  	s26 =	sadd.s32 $0x2980, s26;
	[sflag:s13] =	ssyncadd.s32 $0xFFFFF000  }
0x4b: {  	[tilespmem:s19], [sflag:$0x2] =	stream.indirect.gather [spmem:s2], $0x20, s26, s16, $0x2000b8;
	[tilespmem:$0x10E00] =	vst v63  }
0x4c: {  	_ =	swait.ge [sflag:s20], $0x1000  }
0x4d: {  	[sflag:s20] =	ssyncset.done $0x0  }
0x4e: {  	[sflag:s20] =	ssyncadd.s32 $0xFFFFF000  }
0x4f: {  	[spmem:s3] =	stream.indirect.scatter.add.bf16 [tilespmem:s17], [sflag:$0x3], $0x20, s22, s16, $0x2000b8;
	[tilespmem:$0x10E00] =	vst v63  }
0x50: {  	_ =	swait.ge [sflag:s13], $0x1000  }
0x51: {  	[sflag:s13] =	ssyncset.done $0x0  }
0x52: {  	[sflag:s13] =	ssyncadd.s32 $0xFFFFF000  }
0x53: {  	_ =	swait.ge [sflag:s21], $0x1000  }
0x54: {  	[sflag:s21] =	ssyncset.done $0x0  }
0x55: {  	[sflag:s21] =	ssyncadd.s32 $0xFFFFF000  }
0x56: {  	[spmem:s3] =	stream.indirect.scatter.add.bf16 [tilespmem:s19], [sflag:$0x3], $0x20, s23, s16, $0x2000b8;
	[tilespmem:$0x10E00] =	vst v63  }
0x57: {  	_ =	swait.ge [sflag:s13], $0x1000  }
0x58: {  	[sflag:s13] =	ssyncset.done $0x0  }
0x59: {  	[sflag:s13] =	ssyncadd.s32 $0xFFFFF000  }
0x5a: {  	[bflag:$0x0] =	sbarrier.arrive $0xFFFF  }
0x5b: {  	s24 =	sadd.s32 $0x1, s24;
	_ =	strace $0x9000004F  }
0x5c: {  	p0 =	sne.s32 s24, s10;
	_ =	strace $0x80000050  }
0x5d: {  	[hbm:s9], [sflag:s11] =	dma.local [spmem:s14], $0x9E0  }
.Ltmp1:
0x5e: {  	_ = 	snop;
	(pc) =	sbr.rel @p0 .LBB2_1-.Ltmp1, $4  }
0x5f: {  	_ =	swait.ge [sflag:s13], $0x9E0  }
0x60: {  	[sflag:s13] =	ssyncset.done $0x0  }
0x61: {  	[sflag:s13] =	ssyncadd.s32 $0xFFFFF620  }
0x62: {  	_ =	strace $0x90000050  }
0x63: {  	_ =	sfence.sel $0x180000  }
0x64: {  	[bflag:$0x0] =	sbarrier.arrive $0xFFFF  }
0x65: {  	p0 =	sne.s32 s0, $0x0;
	_ =	strace $0x9000004D  }
0x66: {  	s0 =	sadd.s32 @!p0 $0x100000, s1;
	[bflag:$0x2] =	sbarrier.arrive $0xFFFF  }
0x67: {  	[sflag:s0] =	ssyncadd.tile.s32 @!p0 $0x1;
	_ =	shalt  }
.Lfunc_end2:
_tile_overlayer_lowered:
.L_overlay_start_2:
0x68: {  	(tag) =	ssettag $0x2  }
0x69: {  	s0 =	rddreg [dreg:$0x0];
	s2 =	stileid.u32  }
0x6a: {  	s1 =	rddreg [dreg:$0x1];
	p0 =	sne.s32 s2, $0x0  }
0x6b: {  	s3 =	rddreg [dreg:$0x2];
	[bflag:$0x3] =	sbarrier.arrive $0xFFFF;
	s2 =	simm.s32 @!p0 $0x1C03  }
0x6c: {  	[timem:s3], [sflag:s2] =	dma.local @!p0 [hbm:s0], s1  }
0x6d: {  	s0 =	simm.s32 @!p0 $0x3  }
0x6e: {  	_ =	swait.ge @!p0 [sflag:s0], s1  }
0x6f: {  	s1 =	ssub.s32 @!p0 $0x0, s1;
	[sflag:s0] =	ssyncset.done @!p0 $0x0  }
0x70: {  	[sflag:s0] =	ssyncadd.s32 @!p0 s1  }
0x71: {  	[bflag:$0x3] =	sbarrier.arrive $0xFFFF  }
0x72: {  	_ =	shalt  }

// kernel: kernel.15.cloned.1.call-start
scs
__scs_entry_jumppad:
0x0: {  	(pc) =	sbr.rel $0x88, $3  }
0x1: {  	(tag) =	ssettag $0x0;
	lr =	simm.s32 $0x1  }
0x2: {  	[smem:$0x3F9B] =	sst lr;
	_ =	strace $0xD0000000  }
0x3: {  	_ = 	snop  }
0x4: {  	_ = 	snop  }
0x5: {  	_ = 	snop  }
0x6: {  	_ = 	snop  }
0x7: {  	_ = 	snop  }
__scs_overlays_trampoline_lowered:
0x8: {  	[smem:$0x3FAA] =	sst s0  }
0x9: {  	[smem:$0x3FAB] =	sst s1  }
0xa: {  	[smem:$0x3FAC] =	sst s2  }
0xb: {  	[smem:$0x3FAD] =	sst s3  }
0xc: {  	[smem:$0x3FAE] =	sst s4  }
0xd: {  	[smem:$0x3FAF] =	sst s5  }
0xe: {  	[smem:$0x3FB0] =	sst s6  }
0xf: {  	[smem:$0x3FB1] =	sst s7  }
0x10: {  	[smem:$0x3FB2] =	sst s8  }
0x11: {  	[smem:$0x3FB3] =	sst s9;
	s0 =	simm.s32 @!p0 $0x0  }
0x12: {  	s1 =	sld [smem:$0x3F99];
	s0 =	simm.s32 @p0 $0x1  }
0x13: {  	[smem:$0x3FB4] =	sst s0;
	s0 =	simm.s32 @!p1 $0x0  }
0x14: {  	s2 =	sld [smem:$0x3F98];
	s0 =	simm.s32 @p1 $0x1  }
0x15: {  	[smem:$0x3FB5] =	sst s0;
	s0 =	simm.s32 @!p2 $0x0  }
0x16: {  	s3 =	sld [smem:$0x3FDB];
	s0 =	simm.s32 @p2 $0x1  }
0x17: {  	s4 =	simm.s32 $0x1BF5;
	[smem:$0x3FB7] =	sst s0  }
0x18: {  	s0 =	sld [smem:$0x3F9A];
	_ =	swait.ge [sflag:s4], $0x0  }
0x19: {  	s7 =	sld [smem:$0x3F9B]  }
0x1a: {  	s8 =	sadd.s32 $0xFFFFE003, lr  }
0x1b: {  	s9 =	sadd.s32 $0xFFFFFEF7, lr;
	s5 =	simm.s32 $0xFFFFFFFF;
	p2 =	slt.u32 s8, $0xFFFFF086  }
0x1c: {  	p1 =	slt.u32 s9, $0xF7A;
	s5 =	simm.s32 @!p2 $0x0  }
0x1d: {  	s5 =	simm.s32 @p1 $0x1;
	p0 =	seq.s32 s7, s2  }
0x1e: {  	s7 =	smul.u32 @!p0 $0xF7A, s2;
	p2 =	seq.s32 @!p0 s5, $0x0  }
0x1f: {  	s9 =	smul.u32 $0xF7A, s1;
	s8 =	simm.s32 @!p0 $0x1BF5;
	p2 =	por !p2, p0  }
0x20: {  	[sflag:s8] =	ssyncset.s32 @!p0 $0xFFFFF086;
	s6 =	sadd.s32 @!p0 s3, s7;
	s7 =	simm.s32 @!p0 $0x108  }
0x21: {  	s3 =	sadd.s32 s3, s9;
	s6 =	sadd.s32 @!p0 $0x88, s6;
	s7 =	simm.s32 @p2 $0x1082  }
0x22: {  	[simem:s7], [sflag:s8] =	dma.local @!p0 [hbm:s6], $0xF7A  }
0x23: {  	s9 =	sor.u32 $0xD0000000, s2;
	s6 =	simm.s32 $0x108;
	_ =	swait.ge @!p0 [sflag:s8], $0x0  }
0x24: {  	s3 =	sadd.s32 $0x88, s3;
	s6 =	simm.s32 @!p1 $0x1082;
	[sflag:s4] =	ssyncset.s32 $0xFFFFF086  }
0x25: {  	[simem:s6], [sflag:s4] =	dma.local [hbm:s3], $0xF7A  }
0x26: {  	[smem:$0x3F9B] =	sst s1;
	(tag) =	ssettag s2;
	_ =	strace s9  }
0x27: {  	s1 =	sld [smem:$0x3FAB]  }
0x28: {  	s2 =	sld [smem:$0x3FAC]  }
0x29: {  	s4 =	sld [smem:$0x3FAE]  }
0x2a: {  	p0 =	seq.s32 s5, $0x0;
	s5 =	sld [smem:$0x3FAF]  }
0x2b: {  	s6 =	sld [smem:$0x3FB0]  }
0x2c: {  	s7 =	sld [smem:$0x3FB1]  }
0x2d: {  	s3 =	simm.s32 $0x108;
	s8 =	sld [smem:$0x3FB2]  }
0x2e: {  	s3 =	simm.s32 @!p0 $0x1082;
	s9 =	sld [smem:$0x3FB3]  }
0x2f: {  	lr =	sadd.s32 s0, s3;
	s0 =	sld [smem:$0x3FAA]  }
0x30: {  	s3 =	sld [smem:$0x3FAD]  }
0x31: {  	[smem:$0x3FB6] =	sst s10  }
0x32: {  	s10 =	sld [smem:$0x3FB4];
	_ =	sdelay $0x3  }
0x33: {  	p0 =	seq.s32 s10, $0x1;
	s10 =	sld [smem:$0x3FB6];
	_ =	sdelay $0x3  }
0x34: {  	[smem:$0x3FB6] =	sst s10  }
0x35: {  	s10 =	sld [smem:$0x3FB5];
	_ =	sdelay $0x3  }
0x36: {  	p1 =	seq.s32 s10, $0x1;
	s10 =	sld [smem:$0x3FB6];
	_ =	sdelay $0x3  }
0x37: {  	[smem:$0x3FB6] =	sst s10  }
0x38: {  	s10 =	sld [smem:$0x3FB7]  }
0x39: {  	_ = 	snop;
	(pc) =	sbr.ind lr, $3  }
0x3a: {  	_ = 	snop  }
0x3b: {  	_ = 	snop  }
0x3c: {  	p2 =	seq.s32 s10, $0x1;
	s10 =	sld [smem:$0x3FB6]  }
0x3d: {  	_ =	shalt  }
0x3e: {  	_ =	shalt  }
0x3f: {  	_ =	shalt  }
0x40: {  	_ =	shalt  }
0x41: {  	_ =	shalt  }
0x42: {  	_ =	shalt  }
0x43: {  	_ =	shalt  }
0x44: {  	_ =	shalt  }
0x45: {  	_ =	shalt  }
0x46: {  	_ =	shalt  }
0x47: {  	_ =	shalt  }
0x48: {  	_ =	shalt  }
0x49: {  	_ =	shalt  }
0x4a: {  	_ =	shalt  }
0x4b: {  	_ =	shalt  }
0x4c: {  	_ =	shalt  }
0x4d: {  	_ =	shalt  }
0x4e: {  	_ =	shalt  }
0x4f: {  	_ =	shalt  }
0x50: {  	_ =	shalt  }
0x51: {  	_ =	shalt  }
0x52: {  	_ =	shalt  }
0x53: {  	_ =	shalt  }
0x54: {  	_ =	shalt  }
0x55: {  	_ =	shalt  }
0x56: {  	_ =	shalt  }
0x57: {  	_ =	shalt  }
0x58: {  	_ =	shalt  }
0x59: {  	_ =	shalt  }
0x5a: {  	_ =	shalt  }
0x5b: {  	_ =	shalt  }
0x5c: {  	_ =	shalt  }
0x5d: {  	_ =	shalt  }
0x5e: {  	_ =	shalt  }
0x5f: {  	_ =	shalt  }
0x60: {  	_ =	shalt  }
0x61: {  	_ =	shalt  }
0x62: {  	_ =	shalt  }
0x63: {  	_ =	shalt  }
0x64: {  	_ =	shalt  }
0x65: {  	_ =	shalt  }
0x66: {  	_ =	shalt  }
0x67: {  	_ =	shalt  }
0x68: {  	_ =	shalt  }
0x69: {  	_ =	shalt  }
0x6a: {  	_ =	shalt  }
0x6b: {  	_ =	shalt  }
0x6c: {  	_ =	shalt  }
0x6d: {  	_ =	shalt  }
0x6e: {  	_ =	shalt  }
0x6f: {  	_ =	shalt  }
0x70: {  	_ =	shalt  }
0x71: {  	_ =	shalt  }
0x72: {  	_ =	shalt  }
0x73: {  	_ =	shalt  }
0x74: {  	_ =	shalt  }
0x75: {  	_ =	shalt  }
0x76: {  	_ =	shalt  }
0x77: {  	_ =	shalt  }
0x78: {  	_ =	shalt  }
0x79: {  	_ =	shalt  }
0x7a: {  	_ =	shalt  }
0x7b: {  	_ =	shalt  }
0x7c: {  	_ =	shalt  }
0x7d: {  	_ =	shalt  }
0x7e: {  	_ =	shalt  }
0x7f: {  	_ =	shalt  }
0x80: {  	_ =	shalt  }
0x81: {  	_ =	shalt  }
0x82: {  	_ =	shalt  }
0x83: {  	_ =	shalt  }
0x84: {  	_ =	shalt  }
0x85: {  	_ =	shalt  }
0x86: {  	_ =	shalt  }
0x87: {  	_ =	shalt  }
.Lfunc_end0:
.L_simem_size_0:
called_computation.2_lowered:
.L_overlay_start_0:
0x88: {  	s2 =	sld [smem:$0x3FD9]  }
0x89: {  	s3 =	sld [smem:$0x3FFE];
	_ =	sdelay $0x1  }
0x8a: {  	s1 =	srdreg.scid  }
0x8b: {  	s0 =	sand.u32 $0x1, s1  }
0x8c: {  	s17 =	sshll.u32 s0, $0xA;
	s2 =	sadd.s32 s3, s2  }
0x8d: {  	s2 =	sadd.s32 s2, s17  }
0x8e: {  	[smem:$0x3FC2] =	sst s2  }
0x8f: {  	_ = 	snop  }
0x90: {  	s2 =	sld [smem:$0x3FD0];
	(tm) =	ssettm $0x1  }
0x91: {  	s18 =	sld [smem:$0x3FFB];
	_ =	sdelay $0x3  }
0x92: {  	_ =	strace s18  }
0x93: {  	s3 =	sld [smem:$0x3FFC];
	_ =	sdelay $0x3  }
0x94: {  	_ =	strace s3  }
0x95: {  	s3 =	sld [smem:$0x3FFD];
	_ =	sdelay $0x3  }
0x96: {  	_ =	strace s3  }
0x97: {  	_ =	strace $0x8FFFFFFF  }
0x98: {  	s19 =	sld [smem:$0x3FDB];
	_ =	sdelay $0x1  }
0x99: {  	s4 =	simm.s32 $_scs_section_size  }
0x9a: {  	s5 =	simm.s32 $_size__tile_overlayer_lowered;
	s6 =	simm.s32 $_tile_overlayer_lowered  }
0x9b: {  	s22 =	simm.s32 $0x1BFF;
	s21 =	sshll.u32 s6, $0x1;
	s3 =	sadd.s32 s4, s19  }
0x9c: {  	s7 =	simm.s32 $0x0;
	s20 =	sshll.u32 s5, $0x1;
	s5 =	sadd.s32 s21, s3  }
0x9d: {  	[timem:s7], [sflag:s22] =	dma.local [hbm:s5], s20  }
0x9e: {  	_ =	swait.ge [sflag:s22], s20  }
0x9f: {  	s4 =	ssub.s32 $0x0, s20;
	[sflag:s22] =	ssyncset.done $0x0  }
0xa0: {  	[sflag:s22] =	ssyncadd.s32 s4;
	_ =	sdelay $0x1  }
0xa1: {  	s23 =	simm.s32 $0x1B8B  }
0xa2: {  	_ =	swait.ge [sflag:s23], $0x1  }
0xa3: {  	[sflag:s23] =	ssyncset.done $0x0  }
0xa4: {  	s25 =	simm.s32 $0x1B8E;
	s24 =	sld [smem:$0x3FFE];
	[sflag:s23] =	ssyncadd.s32 $0xFFFFFFFF  }
0xa5: {  	s26 =	simm.s32 $execute0_lowered;
	[smem:$0x3FD2] =	sst s25  }
0xa6: {  	s5 =	sshll.u32 s26, $0x1;
	_ =	strace $0x80000052;
	[dreg:$0x1] =	wrdreg $0xFFFFFFFF  }
0xa7: {  	s28 =	simm.s32 $_size_execute0_lowered;
	s3 =	sadd.s32 s3, s5;
	[dreg:$0x0] =	wrdreg $0x0  }
0xa8: {  	s5 =	sshll.u32 s28, $0x1;
	[dreg:$0x2] =	wrdreg s3  }
0xa9: {  	[dreg:$0x3] =	wrdreg s5  }
0xaa: {  	[dreg:$0x4] =	wrdreg $0xC0  }
0xab: {  	_ =	task [dreg:s7], $0x5FFFF  }
0xac: {  	[dreg:$0x1] =	wrdreg $0xFFFFFFFF  }
0xad: {  	[dreg:$0x0] =	wrdreg $0x60  }
0xae: {  	[dreg:$0x2] =	wrdreg s24  }
0xaf: {  	[dreg:$0x3] =	wrdreg s2  }
0xb0: {  	[dreg:$0x4] =	wrdreg $0xBF000  }
0xb1: {  	[dreg:$0x5] =	wrdreg $0x70000  }
0xb2: {  	[dreg:$0x6] =	wrdreg $0x9  }
0xb3: {  	_ =	task.clear_ibuf [dreg:s7], $0x7FFFF;
	_ =	strace $0x90000052  }
0xb4: {  	s29 =	simm.s32 $0x9;
	_ =	strace $0x80000057  }
0xb5: {  	_ =	swait.ge [sflag:s29], $0x1  }
0xb6: {  	[sflag:s29] =	ssyncadd.s32 $0xFFFFFFFF  }
0xb7: {  	_ =	strace $0x90000057  }
0xb8: {  	_ =	sfence  }
0xb9: {  	s30 =	sld [smem:$0x0];
	_ =	sdelay $0x2  }
0xba: {  	s31 =	sshll.u32 s1, $0xD;
	s1 =	sshrl.u32 s1, $0x2  }
0xbb: {  	s3 =	sand.u32 $0x4000, s31;
	s1 =	sadd.s32 s1, s30  }
0xbc: {  	s0 =	sor.u32 s3, s0;
	s1 =	sshll.u32 s1, $0x11  }
0xbd: {  	s0 =	sor.u32 s1, s0  }
0xbe: {  	s0 =	sadd.s32 $0x8F2B, s0  }
0xbf: {  	[sflag:s0] =	ssyncadd.remote.s32 $0x1  }
0xc0: {  	_ =	sfence.sel $0xFFFF  }
0xc1: {  	[dreg:$0x0] =	wrdreg $0xFFFFFFFF;
	(pc) =	sbr.abs _section_cstart, $3  }
0xc2: {  	[dreg:$0x1] =	wrdreg $0xFFFFFFFF  }
0xc3: {  	_ =	task.clear_ibuf [dreg:s7], $0x2FFFF;
	_ =	strace $0x9FFFFFFF  }
0xc4: {  	(tm) =	ssettm $0x7FFFFFFF  }
0xc5: {  	_ =	shalt  }
tec
execute0_lowered:
.L_overlay_start_1:
0x0: {  	(tag) =	ssettag $0x1  }
0x1: {  	s5 =	rddreg [dreg:$0x0]  }
0x2: {  	s9 =	rddreg [dreg:$0x1]  }
0x3: {  	s2 =	rddreg [dreg:$0x2]  }
0x4: {  	s0 =	srdreg.scid;
	s3 =	rddreg [dreg:$0x3]  }
0x5: {  	s4 =	simm.s32 $0x0;
	s16 =	simm.s32 $0x80;
	s17 =	simm.s32 $0x5000  }
0x6: {  	s18 =	simm.s32 $0x2880;
	s19 =	simm.s32 $0x6000;
	s20 =	simm.s32 $0x1  }
0x7: {  	s21 =	simm.s32 $0x2;
	s22 =	simm.s32 $0x2700;
	s23 =	simm.s32 $0x2780  }
0x8: {  	s24 =	simm.s32 $0x0;
	s11 =	sand.u32 $0x1, s0;
	s0 =	stileid.u32  }
0x9: {  	[smem:$0x7FF] =	sst s4;
	s1 =	sshll.u32 s11, $0x4;
	s7 =	smul.u32 $0x9E00, s0  }
0xa: {  	s28 =	ssub.s32 $0x2, s11;
	s13 =	smul.u32 $0x9E000, s11;
	p0 =	seq.s32 s11, $0x0  }
0xb: {  	s31 =	sshll.u32 s0, $0x6;
	s6 =	sor.u32 s0, s1;
	s1 =	rddreg [dreg:$0x4]  }
0xc: {  	_ =	strace $0x80000053;
	s12 =	sshrl.u32 s28, $0x1;
	s11 =	sor.u32 $0x1C03, s31  }
0xd: {  	s6 =	smul.u32 $0x500, s6;
	s10 =	sshrl.u32 s7, $0x4;
	s12 =	ssub.s32 s28, s12  }
0xe: {  	s29 =	sshrl.u32 s7, $0x1;
	s7 =	sadd.s32 s7, s13;
	s13 =	simm.s32 $0x3  }
0xf: {  	s10 =	sadd.s32 s10, s5;
	s14 =	sadd.s32 s29, s2;
	s15 =	sadd.s32 s29, s3  }
0x10: {  	s30 =	sshrl.u32 s7, $0x4;
	s8 =	sadd.s32 s6, s5;
	s5 =	sadd.s32 $0xB400, s10  }
0x11: {  	s6 =	sadd.s32 $0x1600, s10;
	s9 =	sadd.s32 s9, s30;
	s10 =	smax.u32 s12, $0x1  }
0x12: {  	s12 =	sshrl.u32 s14, $0x3;
	s14 =	sshrl.u32 s15, $0x3;
	s15 =	simm.s32 $0x2800  }
0x13: {  	s7 =	sadd.s32 $0x1F200, s8;
	s8 =	sadd.s32 $0x15200, s8;
	s6 =	smov.u32 @p0 s5  }
.LBB2_1:
0x14: {  	_ =	strace $0x80000054  }
0x15: {  	[spmem:s12], [sflag:s11] =	dma.local [hbm:s5], $0x9E0  }
0x16: {  	_ =	swait.ge [sflag:s13], $0x9E0  }
0x17: {  	[sflag:s13] =	ssyncset.done $0x0  }
0x18: {  	[sflag:s13] =	ssyncadd.s32 $0xFFFFF620  }
0x19: {  	[spmem:s14], [sflag:s11] =	dma.local [hbm:s6], $0x9E0  }
0x1a: {  	_ =	swait.ge [sflag:s13], $0x9E0  }
0x1b: {  	[sflag:s13] =	ssyncset.done $0x0  }
0x1c: {  	[sflag:s13] =	ssyncadd.s32 $0xFFFFF620  }
0x1d: {  	[tilespmem:s4], [sflag:$0x3] =	stream.linear.gather [hbm4b:s7+s4], $0x2800, $0x200038;
	[tilespmem:$0x10E00] =	vst v63  }
0x1e: {  	_ =	swait.ge [sflag:s13], $0x2800  }
0x1f: {  	[sflag:s13] =	ssyncset.done $0x0  }
0x20: {  	[sflag:s13] =	ssyncadd.s32 $0xFFFFD800  }
0x21: {  	[tilespmem:s15], [sflag:$0x3] =	stream.linear.gather [hbm4b:s8+s4], $0x2800, $0x200038;
	[tilespmem:$0x10E00] =	vst v63  }
0x22: {  	_ =	swait.ge [sflag:s13], $0x2800  }
0x23: {  	[sflag:s13] =	ssyncset.done $0x0  }
0x24: {  	[sflag:s13] =	ssyncadd.s32 $0xFFFFD800  }
0x25: {  	[bflag:$0x0] =	sbarrier.arrive $0xFFFF  }
0x26: {  	_ =	strace $0x90000054  }
0x27: {  	_ =	strace $0x80000055  }
0x28: {  	[tilespmem:s17], [sflag:$0x1] =	stream.indirect.gather [spmem:s2], $0x20, s15, s16, $0x2000b8;
	[tilespmem:$0x10E00] =	vst v63  }
0x29: {  	_ = 	snop  }
0x2a: {  	[tilespmem:s19], [sflag:$0x2] =	stream.indirect.gather [spmem:s2], $0x20, s18, s16, $0x2000b8;
	[tilespmem:$0x10E00] =	vst v63  }
0x2b: {  	_ =	swait.ge [sflag:s20], $0x1000  }
0x2c: {  	[sflag:s20] =	ssyncset.done $0x0  }
0x2d: {  	s25 =	simm.s32 $0x0;
	[sflag:s20] =	ssyncadd.s32 $0xFFFFF000  }
0x2e: {  	[spmem:s3] =	stream.indirect.scatter.add.bf16 [tilespmem:s17], [sflag:$0x3], $0x20, s25, s16, $0x2000b8;
	[tilespmem:$0x10E00] =	vst v63  }
0x2f: {  	_ =	swait.ge [sflag:s13], $0x1000  }
0x30: {  	[sflag:s13] =	ssyncset.done $0x0  }
0x31: {  	s30 =	simm.s32 $0x2900;
	[sflag:s13] =	ssyncadd.s32 $0xFFFFF000  }
0x32: {  	[tilespmem:s17], [sflag:$0x1] =	stream.indirect.gather [spmem:s2], $0x20, s30, s16, $0x2000b8;
	[tilespmem:$0x10E00] =	vst v63  }
0x33: {  	_ =	swait.ge [sflag:s21], $0x1000  }
0x34: {  	[sflag:s21] =	ssyncset.done $0x0  }
0x35: {  	s31 =	simm.s32 $0x80;
	[sflag:s21] =	ssyncadd.s32 $0xFFFFF000  }
0x36: {  	[spmem:s3] =	stream.indirect.scatter.add.bf16 [tilespmem:s19], [sflag:$0x3], $0x20, s31, s16, $0x2000b8;
	[tilespmem:$0x10E00] =	vst v63  }
0x37: {  	_ =	swait.ge [sflag:s13], $0x1000  }
0x38: {  	[sflag:s13] =	ssyncset.done $0x0  }
0x39: {  	s26 =	simm.s32 $0x2980;
	s25 =	simm.s32 $0x400;
	[sflag:s13] =	ssyncadd.s32 $0xFFFFF000  }
.LBB2_2:
0x3a: {  	[tilespmem:s19], [sflag:$0x2] =	stream.indirect.gather [spmem:s2], $0x20, s26, s16, $0x2000b8;
	[tilespmem:$0x10E00] =	vst v63  }
0x3b: {  	s26 =	smov.u32 s25  }
0x3c: {  	p0 =	sne.s32 s25, $0x9800;
	s25 =	sadd.s32 $0x400, s25;
	_ =	swait.ge [sflag:s20], $0x1000  }
0x3d: {  	[sflag:s20] =	ssyncset.done $0x0  }
0x3e: {  	s26 =	sshra.s32 s26, $0x2;
	[sflag:s20] =	ssyncadd.s32 $0xFFFFF000  }
0x3f: {  	[spmem:s3] =	stream.indirect.scatter.add.bf16 [tilespmem:s17], [sflag:$0x3], $0x20, s26, s16, $0x2000b8;
	[tilespmem:$0x10E00] =	vst v63  }
0x40: {  	_ =	swait.ge [sflag:s13], $0x1000  }
0x41: {  	[sflag:s13] =	ssyncset.done $0x0  }
0x42: {  	s28 =	sadd.s32 $0x2900, s26;
	[sflag:s13] =	ssyncadd.s32 $0xFFFFF000  }
0x43: {  	[tilespmem:s17], [sflag:$0x1] =	stream.indirect.gather [spmem:s2], $0x20, s28, s16, $0x2000b8;
	[tilespmem:$0x10E00] =	vst v63  }
0x44: {  	_ =	swait.ge [sflag:s21], $0x1000  }
0x45: {  	[sflag:s21] =	ssyncset.done $0x0  }
.Ltmp0:
0x46: {  	s28 =	sadd.s32 $0x80, s26;
	[sflag:s21] =	ssyncadd.s32 $0xFFFFF000;
	(pc) =	sbr.rel @p0 .LBB2_2-.Ltmp0, $4  }
0x47: {  	[spmem:s3] =	stream.indirect.scatter.add.bf16 [tilespmem:s19], [sflag:$0x3], $0x20, s28, s16, $0x2000b8;
	[tilespmem:$0x10E00] =	vst v63  }
0x48: {  	_ =	swait.ge [sflag:s13], $0x1000  }
0x49: {  	[sflag:s13] =	ssyncset.done $0x0  }
0x4a: {  	s26 =	sadd.s32 $0x2980, s26;
	[sflag:s13] =	ssyncadd.s32 $0xFFFFF000  }
0x4b: {  	[tilespmem:s19], [sflag:$0x2] =	stream.indirect.gather [spmem:s2], $0x20, s26, s16, $0x2000b8;
	[tilespmem:$0x10E00] =	vst v63  }
0x4c: {  	_ =	swait.ge [sflag:s20], $0x1000  }
0x4d: {  	[sflag:s20] =	ssyncset.done $0x0  }
0x4e: {  	[sflag:s20] =	ssyncadd.s32 $0xFFFFF000  }
0x4f: {  	[spmem:s3] =	stream.indirect.scatter.add.bf16 [tilespmem:s17], [sflag:$0x3], $0x20, s22, s16, $0x2000b8;
	[tilespmem:$0x10E00] =	vst v63  }
0x50: {  	_ =	swait.ge [sflag:s13], $0x1000  }
0x51: {  	[sflag:s13] =	ssyncset.done $0x0  }
0x52: {  	[sflag:s13] =	ssyncadd.s32 $0xFFFFF000  }
0x53: {  	_ =	swait.ge [sflag:s21], $0x1000  }
0x54: {  	[sflag:s21] =	ssyncset.done $0x0  }
0x55: {  	[sflag:s21] =	ssyncadd.s32 $0xFFFFF000  }
0x56: {  	[spmem:s3] =	stream.indirect.scatter.add.bf16 [tilespmem:s19], [sflag:$0x3], $0x20, s23, s16, $0x2000b8;
	[tilespmem:$0x10E00] =	vst v63  }
0x57: {  	_ =	swait.ge [sflag:s13], $0x1000  }
0x58: {  	[sflag:s13] =	ssyncset.done $0x0  }
0x59: {  	[sflag:s13] =	ssyncadd.s32 $0xFFFFF000  }
0x5a: {  	[bflag:$0x0] =	sbarrier.arrive $0xFFFF  }
0x5b: {  	s24 =	sadd.s32 $0x1, s24;
	_ =	strace $0x90000055  }
0x5c: {  	p0 =	sne.s32 s24, s10;
	_ =	strace $0x80000056  }
0x5d: {  	[hbm:s9], [sflag:s11] =	dma.local [spmem:s14], $0x9E0  }
.Ltmp1:
0x5e: {  	_ = 	snop;
	(pc) =	sbr.rel @p0 .LBB2_1-.Ltmp1, $4  }
0x5f: {  	_ =	swait.ge [sflag:s13], $0x9E0  }
0x60: {  	[sflag:s13] =	ssyncset.done $0x0  }
0x61: {  	[sflag:s13] =	ssyncadd.s32 $0xFFFFF620  }
0x62: {  	_ =	strace $0x90000056  }
0x63: {  	_ =	sfence.sel $0x180000  }
0x64: {  	[bflag:$0x0] =	sbarrier.arrive $0xFFFF  }
0x65: {  	p0 =	sne.s32 s0, $0x0;
	_ =	strace $0x90000053  }
0x66: {  	s0 =	sadd.s32 @!p0 $0x100000, s1;
	[bflag:$0x2] =	sbarrier.arrive $0xFFFF  }
0x67: {  	[sflag:s0] =	ssyncadd.tile.s32 @!p0 $0x1;
	_ =	shalt  }
.Lfunc_end2:
_tile_overlayer_lowered:
.L_overlay_start_2:
0x68: {  	(tag) =	ssettag $0x2  }
0x69: {  	s0 =	rddreg [dreg:$0x0];
	s2 =	stileid.u32  }
0x6a: {  	s1 =	rddreg [dreg:$0x1];
	p0 =	sne.s32 s2, $0x0  }
0x6b: {  	s3 =	rddreg [dreg:$0x2];
	[bflag:$0x3] =	sbarrier.arrive $0xFFFF;
	s2 =	simm.s32 @!p0 $0x1C03  }
0x6c: {  	[timem:s3], [sflag:s2] =	dma.local @!p0 [hbm:s0], s1  }
0x6d: {  	s0 =	simm.s32 @!p0 $0x3  }
0x6e: {  	_ =	swait.ge @!p0 [sflag:s0], s1  }
0x6f: {  	s1 =	ssub.s32 @!p0 $0x0, s1;
	[sflag:s0] =	ssyncset.done @!p0 $0x0  }
0x70: {  	[sflag:s0] =	ssyncadd.s32 @!p0 s1  }
0x71: {  	[bflag:$0x3] =	sbarrier.arrive $0xFFFF  }
0x72: {  	_ =	shalt  }

// kernel: kernel.9.cloned.1.call-start
scs
__scs_entry_jumppad:
0x0: {  	(pc) =	sbr.rel $0x88, $3  }
0x1: {  	(tag) =	ssettag $0x0;
	lr =	simm.s32 $0x1  }
0x2: {  	[smem:$0x3F9B] =	sst lr;
	_ =	strace $0xD0000000  }
0x3: {  	_ = 	snop  }
0x4: {  	_ = 	snop  }
0x5: {  	_ = 	snop  }
0x6: {  	_ = 	snop  }
0x7: {  	_ = 	snop  }
__scs_overlays_trampoline_lowered:
0x8: {  	[smem:$0x3FAA] =	sst s0  }
0x9: {  	[smem:$0x3FAB] =	sst s1  }
0xa: {  	[smem:$0x3FAC] =	sst s2  }
0xb: {  	[smem:$0x3FAD] =	sst s3  }
0xc: {  	[smem:$0x3FAE] =	sst s4  }
0xd: {  	[smem:$0x3FAF] =	sst s5  }
0xe: {  	[smem:$0x3FB0] =	sst s6  }
0xf: {  	[smem:$0x3FB1] =	sst s7  }
0x10: {  	[smem:$0x3FB2] =	sst s8  }
0x11: {  	[smem:$0x3FB3] =	sst s9;
	s0 =	simm.s32 @!p0 $0x0  }
0x12: {  	s1 =	sld [smem:$0x3F99];
	s0 =	simm.s32 @p0 $0x1  }
0x13: {  	[smem:$0x3FB4] =	sst s0;
	s0 =	simm.s32 @!p1 $0x0  }
0x14: {  	s2 =	sld [smem:$0x3F98];
	s0 =	simm.s32 @p1 $0x1  }
0x15: {  	[smem:$0x3FB5] =	sst s0;
	s0 =	simm.s32 @!p2 $0x0  }
0x16: {  	s3 =	sld [smem:$0x3FDB];
	s0 =	simm.s32 @p2 $0x1  }
0x17: {  	s4 =	simm.s32 $0x1BF5;
	[smem:$0x3FB7] =	sst s0  }
0x18: {  	s0 =	sld [smem:$0x3F9A];
	_ =	swait.ge [sflag:s4], $0x0  }
0x19: {  	s7 =	sld [smem:$0x3F9B]  }
0x1a: {  	s8 =	sadd.s32 $0xFFFFE003, lr  }
0x1b: {  	s9 =	sadd.s32 $0xFFFFFEF7, lr;
	s5 =	simm.s32 $0xFFFFFFFF;
	p2 =	slt.u32 s8, $0xFFFFF086  }
0x1c: {  	p1 =	slt.u32 s9, $0xF7A;
	s5 =	simm.s32 @!p2 $0x0  }
0x1d: {  	s5 =	simm.s32 @p1 $0x1;
	p0 =	seq.s32 s7, s2  }
0x1e: {  	s7 =	smul.u32 @!p0 $0xF7A, s2;
	p2 =	seq.s32 @!p0 s5, $0x0  }
0x1f: {  	s9 =	smul.u32 $0xF7A, s1;
	s8 =	simm.s32 @!p0 $0x1BF5;
	p2 =	por !p2, p0  }
0x20: {  	[sflag:s8] =	ssyncset.s32 @!p0 $0xFFFFF086;
	s6 =	sadd.s32 @!p0 s3, s7;
	s7 =	simm.s32 @!p0 $0x108  }
0x21: {  	s3 =	sadd.s32 s3, s9;
	s6 =	sadd.s32 @!p0 $0x88, s6;
	s7 =	simm.s32 @p2 $0x1082  }
0x22: {  	[simem:s7], [sflag:s8] =	dma.local @!p0 [hbm:s6], $0xF7A  }
0x23: {  	s9 =	sor.u32 $0xD0000000, s2;
	s6 =	simm.s32 $0x108;
	_ =	swait.ge @!p0 [sflag:s8], $0x0  }
0x24: {  	s3 =	sadd.s32 $0x88, s3;
	s6 =	simm.s32 @!p1 $0x1082;
	[sflag:s4] =	ssyncset.s32 $0xFFFFF086  }
0x25: {  	[simem:s6], [sflag:s4] =	dma.local [hbm:s3], $0xF7A  }
0x26: {  	[smem:$0x3F9B] =	sst s1;
	(tag) =	ssettag s2;
	_ =	strace s9  }
0x27: {  	s1 =	sld [smem:$0x3FAB]  }
0x28: {  	s2 =	sld [smem:$0x3FAC]  }
0x29: {  	s4 =	sld [smem:$0x3FAE]  }
0x2a: {  	p0 =	seq.s32 s5, $0x0;
	s5 =	sld [smem:$0x3FAF]  }
0x2b: {  	s6 =	sld [smem:$0x3FB0]  }
0x2c: {  	s7 =	sld [smem:$0x3FB1]  }
0x2d: {  	s3 =	simm.s32 $0x108;
	s8 =	sld [smem:$0x3FB2]  }
0x2e: {  	s3 =	simm.s32 @!p0 $0x1082;
	s9 =	sld [smem:$0x3FB3]  }
0x2f: {  	lr =	sadd.s32 s0, s3;
	s0 =	sld [smem:$0x3FAA]  }
0x30: {  	s3 =	sld [smem:$0x3FAD]  }
0x31: {  	[smem:$0x3FB6] =	sst s10  }
0x32: {  	s10 =	sld [smem:$0x3FB4];
	_ =	sdelay $0x3  }
0x33: {  	p0 =	seq.s32 s10, $0x1;
	s10 =	sld [smem:$0x3FB6];
	_ =	sdelay $0x3  }
0x34: {  	[smem:$0x3FB6] =	sst s10  }
0x35: {  	s10 =	sld [smem:$0x3FB5];
	_ =	sdelay $0x3  }
0x36: {  	p1 =	seq.s32 s10, $0x1;
	s10 =	sld [smem:$0x3FB6];
	_ =	sdelay $0x3  }
0x37: {  	[smem:$0x3FB6] =	sst s10  }
0x38: {  	s10 =	sld [smem:$0x3FB7]  }
0x39: {  	_ = 	snop;
	(pc) =	sbr.ind lr, $3  }
0x3a: {  	_ = 	snop  }
0x3b: {  	_ = 	snop  }
0x3c: {  	p2 =	seq.s32 s10, $0x1;
	s10 =	sld [smem:$0x3FB6]  }
0x3d: {  	_ =	shalt  }
0x3e: {  	_ =	shalt  }
0x3f: {  	_ =	shalt  }
0x40: {  	_ =	shalt  }
0x41: {  	_ =	shalt  }
0x42: {  	_ =	shalt  }
0x43: {  	_ =	shalt  }
0x44: {  	_ =	shalt  }
0x45: {  	_ =	shalt  }
0x46: {  	_ =	shalt  }
0x47: {  	_ =	shalt  }
0x48: {  	_ =	shalt  }
0x49: {  	_ =	shalt  }
0x4a: {  	_ =	shalt  }
0x4b: {  	_ =	shalt  }
0x4c: {  	_ =	shalt  }
0x4d: {  	_ =	shalt  }
0x4e: {  	_ =	shalt  }
0x4f: {  	_ =	shalt  }
0x50: {  	_ =	shalt  }
0x51: {  	_ =	shalt  }
0x52: {  	_ =	shalt  }
0x53: {  	_ =	shalt  }
0x54: {  	_ =	shalt  }
0x55: {  	_ =	shalt  }
0x56: {  	_ =	shalt  }
0x57: {  	_ =	shalt  }
0x58: {  	_ =	shalt  }
0x59: {  	_ =	shalt  }
0x5a: {  	_ =	shalt  }
0x5b: {  	_ =	shalt  }
0x5c: {  	_ =	shalt  }
0x5d: {  	_ =	shalt  }
0x5e: {  	_ =	shalt  }
0x5f: {  	_ =	shalt  }
0x60: {  	_ =	shalt  }
0x61: {  	_ =	shalt  }
0x62: {  	_ =	shalt  }
0x63: {  	_ =	shalt  }
0x64: {  	_ =	shalt  }
0x65: {  	_ =	shalt  }
0x66: {  	_ =	shalt  }
0x67: {  	_ =	shalt  }
0x68: {  	_ =	shalt  }
0x69: {  	_ =	shalt  }
0x6a: {  	_ =	shalt  }
0x6b: {  	_ =	shalt  }
0x6c: {  	_ =	shalt  }
0x6d: {  	_ =	shalt  }
0x6e: {  	_ =	shalt  }
0x6f: {  	_ =	shalt  }
0x70: {  	_ =	shalt  }
0x71: {  	_ =	shalt  }
0x72: {  	_ =	shalt  }
0x73: {  	_ =	shalt  }
0x74: {  	_ =	shalt  }
0x75: {  	_ =	shalt  }
0x76: {  	_ =	shalt  }
0x77: {  	_ =	shalt  }
0x78: {  	_ =	shalt  }
0x79: {  	_ =	shalt  }
0x7a: {  	_ =	shalt  }
0x7b: {  	_ =	shalt  }
0x7c: {  	_ =	shalt  }
0x7d: {  	_ =	shalt  }
0x7e: {  	_ =	shalt  }
0x7f: {  	_ =	shalt  }
0x80: {  	_ =	shalt  }
0x81: {  	_ =	shalt  }
0x82: {  	_ =	shalt  }
0x83: {  	_ =	shalt  }
0x84: {  	_ =	shalt  }
0x85: {  	_ =	shalt  }
0x86: {  	_ =	shalt  }
0x87: {  	_ =	shalt  }
.Lfunc_end0:
.L_simem_size_0:
called_computation_lowered:
.L_overlay_start_0:
0x88: {  	s2 =	sld [smem:$0x3FD9]  }
0x89: {  	s3 =	sld [smem:$0x3FFE];
	_ =	sdelay $0x1  }
0x8a: {  	s1 =	srdreg.scid  }
0x8b: {  	s0 =	sand.u32 $0x1, s1  }
0x8c: {  	s17 =	sshll.u32 s0, $0xA;
	s2 =	sadd.s32 s3, s2  }
0x8d: {  	s2 =	sadd.s32 s2, s17  }
0x8e: {  	[smem:$0x3FC2] =	sst s2  }
0x8f: {  	_ = 	snop  }
0x90: {  	s2 =	sld [smem:$0x3FD0];
	(tm) =	ssettm $0x1  }
0x91: {  	s18 =	sld [smem:$0x3FFB];
	_ =	sdelay $0x3  }
0x92: {  	_ =	strace s18  }
0x93: {  	s3 =	sld [smem:$0x3FFC];
	_ =	sdelay $0x3  }
0x94: {  	_ =	strace s3  }
0x95: {  	s3 =	sld [smem:$0x3FFD];
	_ =	sdelay $0x3  }
0x96: {  	_ =	strace s3  }
0x97: {  	_ =	strace $0x8FFFFFFF  }
0x98: {  	s19 =	sld [smem:$0x3FDB];
	_ =	sdelay $0x1  }
0x99: {  	s4 =	simm.s32 $_scs_section_size  }
0x9a: {  	s5 =	simm.s32 $_size__tile_overlayer_lowered;
	s6 =	simm.s32 $_tile_overlayer_lowered  }
0x9b: {  	s22 =	simm.s32 $0x1BFF;
	s21 =	sshll.u32 s6, $0x1;
	s3 =	sadd.s32 s4, s19  }
0x9c: {  	s7 =	simm.s32 $0x0;
	s20 =	sshll.u32 s5, $0x1;
	s5 =	sadd.s32 s21, s3  }
0x9d: {  	[timem:s7], [sflag:s22] =	dma.local [hbm:s5], s20  }
0x9e: {  	_ =	swait.ge [sflag:s22], s20  }
0x9f: {  	s4 =	ssub.s32 $0x0, s20;
	[sflag:s22] =	ssyncset.done $0x0  }
0xa0: {  	[sflag:s22] =	ssyncadd.s32 s4;
	_ =	sdelay $0x1  }
0xa1: {  	s23 =	simm.s32 $0x1B8B  }
0xa2: {  	_ =	swait.ge [sflag:s23], $0x1  }
0xa3: {  	[sflag:s23] =	ssyncset.done $0x0  }
0xa4: {  	s25 =	simm.s32 $0x1B8E;
	s24 =	sld [smem:$0x3FFE];
	[sflag:s23] =	ssyncadd.s32 $0xFFFFFFFF  }
0xa5: {  	s26 =	simm.s32 $execute0_lowered;
	[smem:$0x3FD2] =	sst s25  }
0xa6: {  	s5 =	sshll.u32 s26, $0x1;
	_ =	strace $0x80000046;
	[dreg:$0x1] =	wrdreg $0xFFFFFFFF  }
0xa7: {  	s28 =	simm.s32 $_size_execute0_lowered;
	s3 =	sadd.s32 s3, s5;
	[dreg:$0x0] =	wrdreg $0x0  }
0xa8: {  	s5 =	sshll.u32 s28, $0x1;
	[dreg:$0x2] =	wrdreg s3  }
0xa9: {  	[dreg:$0x3] =	wrdreg s5  }
0xaa: {  	[dreg:$0x4] =	wrdreg $0xC0  }
0xab: {  	_ =	task [dreg:s7], $0x5FFFF  }
0xac: {  	[dreg:$0x1] =	wrdreg $0xFFFFFFFF  }
0xad: {  	[dreg:$0x0] =	wrdreg $0x60  }
0xae: {  	[dreg:$0x2] =	wrdreg s24  }
0xaf: {  	[dreg:$0x3] =	wrdreg s2  }
0xb0: {  	[dreg:$0x4] =	wrdreg $0xBF000  }
0xb1: {  	[dreg:$0x5] =	wrdreg $0x70000  }
0xb2: {  	[dreg:$0x6] =	wrdreg $0x9  }
0xb3: {  	_ =	task.clear_ibuf [dreg:s7], $0x7FFFF;
	_ =	strace $0x90000046  }
0xb4: {  	s29 =	simm.s32 $0x9;
	_ =	strace $0x8000004B  }
0xb5: {  	_ =	swait.ge [sflag:s29], $0x1  }
0xb6: {  	[sflag:s29] =	ssyncadd.s32 $0xFFFFFFFF  }
0xb7: {  	_ =	strace $0x9000004B  }
0xb8: {  	_ =	sfence  }
0xb9: {  	s30 =	sld [smem:$0x0];
	_ =	sdelay $0x2  }
0xba: {  	s31 =	sshll.u32 s1, $0xD;
	s1 =	sshrl.u32 s1, $0x2  }
0xbb: {  	s3 =	sand.u32 $0x4000, s31;
	s1 =	sadd.s32 s1, s30  }
0xbc: {  	s0 =	sor.u32 s3, s0;
	s1 =	sshll.u32 s1, $0x11  }
0xbd: {  	s0 =	sor.u32 s1, s0  }
0xbe: {  	s0 =	sadd.s32 $0x8F2B, s0  }
0xbf: {  	[sflag:s0] =	ssyncadd.remote.s32 $0x1  }
0xc0: {  	_ =	sfence.sel $0xFFFF  }
0xc1: {  	[dreg:$0x0] =	wrdreg $0xFFFFFFFF;
	(pc) =	sbr.abs _section_cstart, $3  }
0xc2: {  	[dreg:$0x1] =	wrdreg $0xFFFFFFFF  }
0xc3: {  	_ =	task.clear_ibuf [dreg:s7], $0x2FFFF;
	_ =	strace $0x9FFFFFFF  }
0xc4: {  	(tm) =	ssettm $0x7FFFFFFF  }
0xc5: {  	_ =	shalt  }
tec
execute0_lowered:
.L_overlay_start_1:
0x0: {  	(tag) =	ssettag $0x1  }
0x1: {  	s5 =	rddreg [dreg:$0x0]  }
0x2: {  	s9 =	rddreg [dreg:$0x1]  }
0x3: {  	s2 =	rddreg [dreg:$0x2]  }
0x4: {  	s0 =	srdreg.scid;
	s3 =	rddreg [dreg:$0x3]  }
0x5: {  	s4 =	simm.s32 $0x0;
	s16 =	simm.s32 $0x80;
	s17 =	simm.s32 $0x5000  }
0x6: {  	s18 =	simm.s32 $0x2880;
	s19 =	simm.s32 $0x6000;
	s20 =	simm.s32 $0x1  }
0x7: {  	s21 =	simm.s32 $0x2;
	s22 =	simm.s32 $0x2700;
	s23 =	simm.s32 $0x2780  }
0x8: {  	s24 =	simm.s32 $0x0;
	s11 =	sand.u32 $0x1, s0;
	s0 =	stileid.u32  }
0x9: {  	[smem:$0x7FF] =	sst s4;
	s1 =	sshll.u32 s11, $0x4;
	s7 =	smul.u32 $0x9E00, s0  }
0xa: {  	s28 =	ssub.s32 $0x2, s11;
	s13 =	smul.u32 $0x9E000, s11;
	p0 =	seq.s32 s11, $0x0  }
0xb: {  	s31 =	sshll.u32 s0, $0x6;
	s6 =	sor.u32 s0, s1;
	s1 =	rddreg [dreg:$0x4]  }
0xc: {  	_ =	strace $0x80000047;
	s12 =	sshrl.u32 s28, $0x1;
	s11 =	sor.u32 $0x1C03, s31  }
0xd: {  	s6 =	smul.u32 $0x500, s6;
	s10 =	sshrl.u32 s7, $0x4;
	s12 =	ssub.s32 s28, s12  }
0xe: {  	s29 =	sshrl.u32 s7, $0x1;
	s7 =	sadd.s32 s7, s13;
	s13 =	simm.s32 $0x3  }
0xf: {  	s10 =	sadd.s32 s10, s5;
	s14 =	sadd.s32 s29, s2;
	s15 =	sadd.s32 s29, s3  }
0x10: {  	s30 =	sshrl.u32 s7, $0x4;
	s8 =	sadd.s32 s6, s5;
	s5 =	sadd.s32 $0xB400, s10  }
0x11: {  	s6 =	sadd.s32 $0x1600, s10;
	s9 =	sadd.s32 s9, s30;
	s10 =	smax.u32 s12, $0x1  }
0x12: {  	s12 =	sshrl.u32 s14, $0x3;
	s14 =	sshrl.u32 s15, $0x3;
	s15 =	simm.s32 $0x2800  }
0x13: {  	s7 =	sadd.s32 $0x1F200, s8;
	s8 =	sadd.s32 $0x15200, s8;
	s6 =	smov.u32 @p0 s5  }
.LBB2_1:
0x14: {  	_ =	strace $0x80000048  }
0x15: {  	[spmem:s12], [sflag:s11] =	dma.local [hbm:s5], $0x9E0  }
0x16: {  	_ =	swait.ge [sflag:s13], $0x9E0  }
0x17: {  	[sflag:s13] =	ssyncset.done $0x0  }
0x18: {  	[sflag:s13] =	ssyncadd.s32 $0xFFFFF620  }
0x19: {  	[spmem:s14], [sflag:s11] =	dma.local [hbm:s6], $0x9E0  }
0x1a: {  	_ =	swait.ge [sflag:s13], $0x9E0  }
0x1b: {  	[sflag:s13] =	ssyncset.done $0x0  }
0x1c: {  	[sflag:s13] =	ssyncadd.s32 $0xFFFFF620  }
0x1d: {  	[tilespmem:s4], [sflag:$0x3] =	stream.linear.gather [hbm4b:s7+s4], $0x2800, $0x200038;
	[tilespmem:$0x10E00] =	vst v63  }
0x1e: {  	_ =	swait.ge [sflag:s13], $0x2800  }
0x1f: {  	[sflag:s13] =	ssyncset.done $0x0  }
0x20: {  	[sflag:s13] =	ssyncadd.s32 $0xFFFFD800  }
0x21: {  	[tilespmem:s15], [sflag:$0x3] =	stream.linear.gather [hbm4b:s8+s4], $0x2800, $0x200038;
	[tilespmem:$0x10E00] =	vst v63  }
0x22: {  	_ =	swait.ge [sflag:s13], $0x2800  }
0x23: {  	[sflag:s13] =	ssyncset.done $0x0  }
0x24: {  	[sflag:s13] =	ssyncadd.s32 $0xFFFFD800  }
0x25: {  	[bflag:$0x0] =	sbarrier.arrive $0xFFFF  }
0x26: {  	_ =	strace $0x90000048  }
0x27: {  	_ =	strace $0x80000049  }
0x28: {  	[tilespmem:s17], [sflag:$0x1] =	stream.indirect.gather [spmem:s2], $0x20, s15, s16, $0x2000b8;
	[tilespmem:$0x10E00] =	vst v63  }
0x29: {  	_ = 	snop  }
0x2a: {  	[tilespmem:s19], [sflag:$0x2] =	stream.indirect.gather [spmem:s2], $0x20, s18, s16, $0x2000b8;
	[tilespmem:$0x10E00] =	vst v63  }
0x2b: {  	_ =	swait.ge [sflag:s20], $0x1000  }
0x2c: {  	[sflag:s20] =	ssyncset.done $0x0  }
0x2d: {  	s25 =	simm.s32 $0x0;
	[sflag:s20] =	ssyncadd.s32 $0xFFFFF000  }
0x2e: {  	[spmem:s3] =	stream.indirect.scatter.add.bf16 [tilespmem:s17], [sflag:$0x3], $0x20, s25, s16, $0x2000b8;
	[tilespmem:$0x10E00] =	vst v63  }
0x2f: {  	_ =	swait.ge [sflag:s13], $0x1000  }
0x30: {  	[sflag:s13] =	ssyncset.done $0x0  }
0x31: {  	s30 =	simm.s32 $0x2900;
	[sflag:s13] =	ssyncadd.s32 $0xFFFFF000  }
0x32: {  	[tilespmem:s17], [sflag:$0x1] =	stream.indirect.gather [spmem:s2], $0x20, s30, s16, $0x2000b8;
	[tilespmem:$0x10E00] =	vst v63  }
0x33: {  	_ =	swait.ge [sflag:s21], $0x1000  }
0x34: {  	[sflag:s21] =	ssyncset.done $0x0  }
0x35: {  	s31 =	simm.s32 $0x80;
	[sflag:s21] =	ssyncadd.s32 $0xFFFFF000  }
0x36: {  	[spmem:s3] =	stream.indirect.scatter.add.bf16 [tilespmem:s19], [sflag:$0x3], $0x20, s31, s16, $0x2000b8;
	[tilespmem:$0x10E00] =	vst v63  }
0x37: {  	_ =	swait.ge [sflag:s13], $0x1000  }
0x38: {  	[sflag:s13] =	ssyncset.done $0x0  }
0x39: {  	s26 =	simm.s32 $0x2980;
	s25 =	simm.s32 $0x400;
	[sflag:s13] =	ssyncadd.s32 $0xFFFFF000  }
.LBB2_2:
0x3a: {  	[tilespmem:s19], [sflag:$0x2] =	stream.indirect.gather [spmem:s2], $0x20, s26, s16, $0x2000b8;
	[tilespmem:$0x10E00] =	vst v63  }
0x3b: {  	s26 =	smov.u32 s25  }
0x3c: {  	p0 =	sne.s32 s25, $0x9800;
	s25 =	sadd.s32 $0x400, s25;
	_ =	swait.ge [sflag:s20], $0x1000  }
0x3d: {  	[sflag:s20] =	ssyncset.done $0x0  }
0x3e: {  	s26 =	sshra.s32 s26, $0x2;
	[sflag:s20] =	ssyncadd.s32 $0xFFFFF000  }
0x3f: {  	[spmem:s3] =	stream.indirect.scatter.add.bf16 [tilespmem:s17], [sflag:$0x3], $0x20, s26, s16, $0x2000b8;
	[tilespmem:$0x10E00] =	vst v63  }
0x40: {  	_ =	swait.ge [sflag:s13], $0x1000  }
0x41: {  	[sflag:s13] =	ssyncset.done $0x0  }
0x42: {  	s28 =	sadd.s32 $0x2900, s26;
	[sflag:s13] =	ssyncadd.s32 $0xFFFFF000  }
0x43: {  	[tilespmem:s17], [sflag:$0x1] =	stream.indirect.gather [spmem:s2], $0x20, s28, s16, $0x2000b8;
	[tilespmem:$0x10E00] =	vst v63  }
0x44: {  	_ =	swait.ge [sflag:s21], $0x1000  }
0x45: {  	[sflag:s21] =	ssyncset.done $0x0  }
.Ltmp0:
0x46: {  	s28 =	sadd.s32 $0x80, s26;
	[sflag:s21] =	ssyncadd.s32 $0xFFFFF000;
	(pc) =	sbr.rel @p0 .LBB2_2-.Ltmp0, $4  }
0x47: {  	[spmem:s3] =	stream.indirect.scatter.add.bf16 [tilespmem:s19], [sflag:$0x3], $0x20, s28, s16, $0x2000b8;
	[tilespmem:$0x10E00] =	vst v63  }
0x48: {  	_ =	swait.ge [sflag:s13], $0x1000  }
0x49: {  	[sflag:s13] =	ssyncset.done $0x0  }
0x4a: {  	s26 =	sadd.s32 $0x2980, s26;
	[sflag:s13] =	ssyncadd.s32 $0xFFFFF000  }
0x4b: {  	[tilespmem:s19], [sflag:$0x2] =	stream.indirect.gather [spmem:s2], $0x20, s26, s16, $0x2000b8;
	[tilespmem:$0x10E00] =	vst v63  }
0x4c: {  	_ =	swait.ge [sflag:s20], $0x1000  }
0x4d: {  	[sflag:s20] =	ssyncset.done $0x0  }
0x4e: {  	[sflag:s20] =	ssyncadd.s32 $0xFFFFF000  }
0x4f: {  	[spmem:s3] =	stream.indirect.scatter.add.bf16 [tilespmem:s17], [sflag:$0x3], $0x20, s22, s16, $0x2000b8;
	[tilespmem:$0x10E00] =	vst v63  }
0x50: {  	_ =	swait.ge [sflag:s13], $0x1000  }
0x51: {  	[sflag:s13] =	ssyncset.done $0x0  }
0x52: {  	[sflag:s13] =	ssyncadd.s32 $0xFFFFF000  }
0x53: {  	_ =	swait.ge [sflag:s21], $0x1000  }
0x54: {  	[sflag:s21] =	ssyncset.done $0x0  }
0x55: {  	[sflag:s21] =	ssyncadd.s32 $0xFFFFF000  }
0x56: {  	[spmem:s3] =	stream.indirect.scatter.add.bf16 [tilespmem:s19], [sflag:$0x3], $0x20, s23, s16, $0x2000b8;
	[tilespmem:$0x10E00] =	vst v63  }
0x57: {  	_ =	swait.ge [sflag:s13], $0x1000  }
0x58: {  	[sflag:s13] =	ssyncset.done $0x0  }
0x59: {  	[sflag:s13] =	ssyncadd.s32 $0xFFFFF000  }
0x5a: {  	[bflag:$0x0] =	sbarrier.arrive $0xFFFF  }
0x5b: {  	s24 =	sadd.s32 $0x1, s24;
	_ =	strace $0x90000049  }
0x5c: {  	p0 =	sne.s32 s24, s10;
	_ =	strace $0x8000004A  }
0x5d: {  	[hbm:s9], [sflag:s11] =	dma.local [spmem:s14], $0x9E0  }
.Ltmp1:
0x5e: {  	_ = 	snop;
	(pc) =	sbr.rel @p0 .LBB2_1-.Ltmp1, $4  }
0x5f: {  	_ =	swait.ge [sflag:s13], $0x9E0  }
0x60: {  	[sflag:s13] =	ssyncset.done $0x0  }
0x61: {  	[sflag:s13] =	ssyncadd.s32 $0xFFFFF620  }
0x62: {  	_ =	strace $0x9000004A  }
0x63: {  	_ =	sfence.sel $0x180000  }
0x64: {  	[bflag:$0x0] =	sbarrier.arrive $0xFFFF  }
0x65: {  	p0 =	sne.s32 s0, $0x0;
	_ =	strace $0x90000047  }
0x66: {  	s0 =	sadd.s32 @!p0 $0x100000, s1;
	[bflag:$0x2] =	sbarrier.arrive $0xFFFF  }
0x67: {  	[sflag:s0] =	ssyncadd.tile.s32 @!p0 $0x1;
	_ =	shalt  }
.Lfunc_end2:
_tile_overlayer_lowered:
.L_overlay_start_2:
0x68: {  	(tag) =	ssettag $0x2  }
0x69: {  	s0 =	rddreg [dreg:$0x0];
	s2 =	stileid.u32  }
0x6a: {  	s1 =	rddreg [dreg:$0x1];
	p0 =	sne.s32 s2, $0x0  }
0x6b: {  	s3 =	rddreg [dreg:$0x2];
	[bflag:$0x3] =	sbarrier.arrive $0xFFFF;
	s2 =	simm.s32 @!p0 $0x1C03  }
0x6c: {  	[timem:s3], [sflag:s2] =	dma.local @!p0 [hbm:s0], s1  }
0x6d: {  	s0 =	simm.s32 @!p0 $0x3  }
0x6e: {  	_ =	swait.ge @!p0 [sflag:s0], s1  }
0x6f: {  	s1 =	ssub.s32 @!p0 $0x0, s1;
	[sflag:s0] =	ssyncset.done @!p0 $0x0  }
0x70: {  	[sflag:s0] =	ssyncadd.s32 @!p0 s1  }
0x71: {  	[bflag:$0x3] =	sbarrier.arrive $0xFFFF  }
0x72: {  	_ =	shalt  }

</sc_bundles>
